<compile_context>
chip_gen: v7x
topology: tpu7x:2x2x1
jax: 0.10.2.dev20260603
libtpu: 0.0.44.dev20260713+nightly
codegen_flags: <defaults>
</compile_context>

<pallas_src>
import functools

import jax
import jax.numpy as jnp
from jax import lax
from jax.experimental import pallas as pl
from jax.experimental.pallas import tpu as pltpu
from jax.experimental.pallas import tpu_sc as plsc

_N = 8192
_SCALE = 1.0 / (_N * _N)

_SC_ROWS = 512
_TC_ROWS = _N - _SC_ROWS

_NC, _NS, _L = 2, 16, 16
_NW = _NC * _NS
_RW = _SC_ROWS // _NW
_CR = 2
_NCHUNK = _RW // _CR
_NBUF = 2
_NPAIR = _NCHUNK // _NBUF
_U = 8


def _chunk_loss(pbuf, tbuf, b, accs):
    def row_step(j, accs):
        off = j * (_L * _U)
        new = list(accs)
        for rr in range(_CR):
            for u in range(_U):
                p = pbuf[b, rr, pl.ds(off + u * _L, _L)]
                t = tbuf[b, rr, pl.ds(off + u * _L, _L)]
                q = jnp.where(t == 0, p - 0.1, 1.0 - p)
                q = jnp.minimum(jnp.maximum(q, 0.0), 1.0)
                k = rr * _U + u
                new[k % _U] = new[k % _U] + q * q
        return tuple(new)

    return lax.fori_loop(0, _N // (_L * _U), row_step, accs)


def _sc_body(p_hbm, t_hbm, out_hbm, pbuf, tbuf, accbuf, semp, semt):
    wid = lax.axis_index("s") * _NC + lax.axis_index("c")
    base = wid * _RW

    def issue(ci, b):
        row = base + ci * _CR
        pltpu.async_copy(p_hbm.at[pl.ds(row, _CR)], pbuf.at[b], semp)
        pltpu.async_copy(t_hbm.at[pl.ds(row, _CR)], tbuf.at[b], semt)

    def drain(b):
        pltpu.make_async_copy(p_hbm.at[pl.ds(0, _CR)], pbuf.at[b], semp).wait()
        pltpu.make_async_copy(t_hbm.at[pl.ds(0, _CR)], tbuf.at[b], semt).wait()

    for b in range(_NBUF):
        issue(b, b)

    def pair(i, accs):
        for b in range(_NBUF):
            ci = i * _NBUF + b
            drain(b)
            accs = _chunk_loss(pbuf, tbuf, b, accs)
            issue(ci + _NBUF, b)
        return accs

    zeros = tuple(jnp.zeros((_L,), jnp.float32) for _ in range(_U))
    accs = lax.fori_loop(0, _NPAIR - 1, pair, zeros)

    for b in range(_NBUF):
        drain(b)
        accs = _chunk_loss(pbuf, tbuf, b, accs)

    acc = accs[0]
    for u in range(1, _U):
        acc = acc + accs[u]
    accbuf[...] = acc
    pltpu.sync_copy(accbuf, out_hbm.at[wid])


def _sc_loss(pred, target):
    mesh = plsc.VectorSubcoreMesh(core_axis_name="c", subcore_axis_name="s")
    k = functools.partial(
        pl.kernel,
        mesh=mesh,
        out_type=jax.ShapeDtypeStruct((_NW, _L), jnp.float32),
        scratch_types=[
            pltpu.VMEM((_NBUF, _CR, _N), jnp.float32),
            pltpu.VMEM((_NBUF, _CR, _N), jnp.int32),
            pltpu.VMEM((_L,), jnp.float32),
            pltpu.SemaphoreType.DMA,
            pltpu.SemaphoreType.DMA,
        ],
    )(_sc_body)
    return k(pred, target)


_TC_BLOCK = 256
_TC_GRID = _TC_ROWS // _TC_BLOCK
_TC_ROW0 = _SC_ROWS // _TC_BLOCK


def _tc_body(p_ref, t_ref, o_ref):
    i = pl.program_id(0)
    p = p_ref[...]
    t = t_ref[...]
    q = jnp.where(t == 0, p - 0.1, 1.0 - p)
    q = jnp.clip(q, 0.0, 1.0)
    s = jnp.sum(q * q)

    @pl.when(i == 0)
    def _init():
        o_ref[0, 0] = 0.0

    o_ref[0, 0] += s


def _tc_loss(pred, target):
    return pl.pallas_call(
        _tc_body,
        grid=(_TC_GRID,),
        in_specs=[
            pl.BlockSpec((_TC_BLOCK, _N), lambda i: (i + _TC_ROW0, 0)),
            pl.BlockSpec((_TC_BLOCK, _N), lambda i: (i + _TC_ROW0, 0)),
        ],
        out_specs=pl.BlockSpec(memory_space=pltpu.SMEM),
        out_shape=jax.ShapeDtypeStruct((1, 1), jnp.float32),
        compiler_params=pltpu.CompilerParams(
            dimension_semantics=("arbitrary",),
        ),
    )(pred, target)


def kernel(pred, target):
    sc_partials = _sc_loss(pred, target)
    tc_partial = _tc_loss(pred, target)
    return (jnp.sum(sc_partials) + tc_partial[0, 0]) * _SCALE

# --- scband reference (transcript-rebuilt; emitter-appended) ---
"""Pipeline reference for scband-l2-loss-48833778155745 (READ-ONLY COPY).

The authoritative reference and input builder live on the scoring server;
editing this copy changes nothing except your own understanding.
"""

import jax, jax.numpy as jnp
import numpy as np

LOSS_WEIGHT = 1.0
POS_MARGIN = 0.0
NEG_MARGIN = 0.1
NEG_POS_RATIO = -1


def setup_inputs(seed=0) -> dict:
    key = jax.random.key(seed)
    k1, k2 = jax.random.split(key)
    pred = jax.random.normal(k1, (8192, 8192), dtype=jnp.float32)
    target = jax.random.randint(k2, (8192, 8192), 0, 2, dtype=jnp.int32)
    return {"pred": pred, "target": target}


def reference(pred, target):
    # update_weight
    weight = jnp.ones(target.shape, dtype=jnp.float32)  # target.new_ones
    pos_inds = target == 1
    neg_inds = target == 0
    # pos_margin <= 0 -> no-op
    if POS_MARGIN > 0:
        pred = pred - POS_MARGIN * pos_inds.astype(pred.dtype)
    # neg_margin > 0 -> subtract margin at negative positions (in-place masked sub)
    if NEG_MARGIN > 0:
        pred = pred - NEG_MARGIN * neg_inds.astype(pred.dtype)
    pred = jnp.clip(pred, 0.0, 1.0)
    # neg_pos_ratio <= 0 -> no hard-negative subsampling; weight stays all-ones
    avg_factor = jnp.sum(weight > 0)
    # l2_loss elementwise
    loss = jnp.abs(pred - target.astype(pred.dtype)) ** 2
    # weight_reduce_loss with reduction='mean' and avg_factor set
    loss = loss * weight
    loss = jnp.sum(loss) / jnp.maximum(jnp.asarray(1, loss.dtype), avg_factor.astype(loss.dtype))
    return LOSS_WEIGHT * loss

if __name__ == "__main__":
    import jax
    _d = setup_inputs()
    print(jax.jit(kernel)(*tuple(_d.values())))

</pallas_src>

<mosaic_0001>
#map = affine_map<(d0, d1) -> (0, 0)>
module attributes {stable_mosaic.version = 14 : i64} {
  func.func @_sc_body(%arg0: i32, %arg1: i32, %arg2: memref<8192x8192xf32, #tpu.memory_space<hbm>>, %arg3: memref<8192x8192xi32, #tpu.memory_space<hbm>>, %arg4: memref<32x16xf32, #tpu.memory_space<hbm>>, %arg5: memref<2x2x8192xf32, #tpu.memory_space<vmem>>, %arg6: memref<2x2x8192xi32, #tpu.memory_space<vmem>>, %arg7: memref<16xf32, #tpu.memory_space<vmem>>, %arg8: memref<!tpu.dma_semaphore, #tpu.memory_space<semaphore_mem>>, %arg9: memref<!tpu.dma_semaphore, #tpu.memory_space<semaphore_mem>>) attributes {dimension_semantics = [#tpu.dimension_semantics<core_parallel>, #tpu.dimension_semantics<subcore_parallel>], iteration_bounds = array<i64: 2, 16>, scalar_prefetch = 0 : i64, scratch_operands = 5 : i64, tpu.core_type = #tpu.core_type<sc_vector_subcore>, window_params = [{transform_indices = #map}, {transform_indices = #map}, {transform_indices = #map}]} {
    %mul3A = arith.constant 2 : i32
    %mul3A_0 = arith.muli %arg1, %mul3A : i32
    %add3A = arith.addi %mul3A_0, %arg0 : i32
    %mul3A_1 = arith.constant 16 : i32
    %mul3A_2 = arith.muli %add3A, %mul3A_1 : i32
    %add3A_3 = arith.constant 0 : i32
    %add3A_4 = arith.addi %mul3A_2, %add3A_3 : i32
    %dma_start3A = arith.constant 0 : i32
    %dma_start3A_5 = arith.constant 0 : i32
    %dma_start3A_6 = arith.constant 0 : i32
    %dma_start3A_7 = tpu.memref_slice %arg5[%dma_start3A, %dma_start3A_5, %dma_start3A_6] : memref<2x2x8192xf32, #tpu.memory_space<vmem>> -> memref<1x2x8192xf32, #tpu.memory_space<vmem>>
    %dma_start3A_8 = tpu.memref_squeeze %dma_start3A_7 : memref<1x2x8192xf32, #tpu.memory_space<vmem>> -> memref<2x8192xf32, #tpu.memory_space<vmem>>
    %dma_start3A_9 = arith.constant 0 : i32
    %dma_start3A_10 = tpu.memref_slice %arg2[%add3A_4, %dma_start3A_9] : memref<8192x8192xf32, #tpu.memory_space<hbm>> -> memref<2x8192xf32, #tpu.memory_space<hbm>>
    %dma_start3A_11 = arith.constant 0 : i32
    %dma_start3A_12 = arith.constant 0 : i32
    %dma_start3A_13 = tpu.memref_slice %arg5[%dma_start3A, %dma_start3A_11, %dma_start3A_12] : memref<2x2x8192xf32, #tpu.memory_space<vmem>> -> memref<1x2x8192xf32, #tpu.memory_space<vmem>>
    %dma_start3A_14 = tpu.memref_squeeze %dma_start3A_13 : memref<1x2x8192xf32, #tpu.memory_space<vmem>> -> memref<2x8192xf32, #tpu.memory_space<vmem>>
    %dma_start3A_15 = arith.constant 0 : i32
    %dma_start3A_16 = tpu.memref_slice %arg2[%add3A_4, %dma_start3A_15] : memref<8192x8192xf32, #tpu.memory_space<hbm>> -> memref<2x8192xf32, #tpu.memory_space<hbm>>
    tpu.enqueue_dma source(%dma_start3A_16 : memref<2x8192xf32, #tpu.memory_space<hbm>>) target(%dma_start3A_14 : memref<2x8192xf32, #tpu.memory_space<vmem>>) target_semaphore(%arg8 : memref<!tpu.dma_semaphore, #tpu.memory_space<semaphore_mem>>)
    %dma_start3A_17 = arith.constant 0 : i32
    %dma_start3A_18 = arith.constant 0 : i32
    %dma_start3A_19 = arith.constant 0 : i32
    %dma_start3A_20 = tpu.memref_slice %arg6[%dma_start3A_17, %dma_start3A_18, %dma_start3A_19] : memref<2x2x8192xi32, #tpu.memory_space<vmem>> -> memref<1x2x8192xi32, #tpu.memory_space<vmem>>
    %dma_start3A_21 = tpu.memref_squeeze %dma_start3A_20 : memref<1x2x8192xi32, #tpu.memory_space<vmem>> -> memref<2x8192xi32, #tpu.memory_space<vmem>>
    %dma_start3A_22 = arith.constant 0 : i32
    %dma_start3A_23 = tpu.memref_slice %arg3[%add3A_4, %dma_start3A_22] : memref<8192x8192xi32, #tpu.memory_space<hbm>> -> memref<2x8192xi32, #tpu.memory_space<hbm>>
    %dma_start3A_24 = arith.constant 0 : i32
    %dma_start3A_25 = arith.constant 0 : i32
    %dma_start3A_26 = tpu.memref_slice %arg6[%dma_start3A_17, %dma_start3A_24, %dma_start3A_25] : memref<2x2x8192xi32, #tpu.memory_space<vmem>> -> memref<1x2x8192xi32, #tpu.memory_space<vmem>>
    %dma_start3A_27 = tpu.memref_squeeze %dma_start3A_26 : memref<1x2x8192xi32, #tpu.memory_space<vmem>> -> memref<2x8192xi32, #tpu.memory_space<vmem>>
    %dma_start3A_28 = arith.constant 0 : i32
    %dma_start3A_29 = tpu.memref_slice %arg3[%add3A_4, %dma_start3A_28] : memref<8192x8192xi32, #tpu.memory_space<hbm>> -> memref<2x8192xi32, #tpu.memory_space<hbm>>
    tpu.enqueue_dma source(%dma_start3A_29 : memref<2x8192xi32, #tpu.memory_space<hbm>>) target(%dma_start3A_27 : memref<2x8192xi32, #tpu.memory_space<vmem>>) target_semaphore(%arg9 : memref<!tpu.dma_semaphore, #tpu.memory_space<semaphore_mem>>)
    %add3A_30 = arith.constant 2 : i32
    %add3A_31 = arith.addi %mul3A_2, %add3A_30 : i32
    %dma_start3A_32 = arith.constant 1 : i32
    %dma_start3A_33 = arith.constant 0 : i32
    %dma_start3A_34 = arith.constant 0 : i32
    %dma_start3A_35 = tpu.memref_slice %arg5[%dma_start3A_32, %dma_start3A_33, %dma_start3A_34] : memref<2x2x8192xf32, #tpu.memory_space<vmem>> -> memref<1x2x8192xf32, #tpu.memory_space<vmem>>
    %dma_start3A_36 = tpu.memref_squeeze %dma_start3A_35 : memref<1x2x8192xf32, #tpu.memory_space<vmem>> -> memref<2x8192xf32, #tpu.memory_space<vmem>>
    %dma_start3A_37 = arith.constant 0 : i32
    %dma_start3A_38 = tpu.memref_slice %arg2[%add3A_31, %dma_start3A_37] : memref<8192x8192xf32, #tpu.memory_space<hbm>> -> memref<2x8192xf32, #tpu.memory_space<hbm>>
    %dma_start3A_39 = arith.constant 0 : i32
    %dma_start3A_40 = arith.constant 0 : i32
    %dma_start3A_41 = tpu.memref_slice %arg5[%dma_start3A_32, %dma_start3A_39, %dma_start3A_40] : memref<2x2x8192xf32, #tpu.memory_space<vmem>> -> memref<1x2x8192xf32, #tpu.memory_space<vmem>>
    %dma_start3A_42 = tpu.memref_squeeze %dma_start3A_41 : memref<1x2x8192xf32, #tpu.memory_space<vmem>> -> memref<2x8192xf32, #tpu.memory_space<vmem>>
    %dma_start3A_43 = arith.constant 0 : i32
    %dma_start3A_44 = tpu.memref_slice %arg2[%add3A_31, %dma_start3A_43] : memref<8192x8192xf32, #tpu.memory_space<hbm>> -> memref<2x8192xf32, #tpu.memory_space<hbm>>
    tpu.enqueue_dma source(%dma_start3A_44 : memref<2x8192xf32, #tpu.memory_space<hbm>>) target(%dma_start3A_42 : memref<2x8192xf32, #tpu.memory_space<vmem>>) target_semaphore(%arg8 : memref<!tpu.dma_semaphore, #tpu.memory_space<semaphore_mem>>)
    %dma_start3A_45 = arith.constant 1 : i32
    %dma_start3A_46 = arith.constant 0 : i32
    %dma_start3A_47 = arith.constant 0 : i32
    %dma_start3A_48 = tpu.memref_slice %arg6[%dma_start3A_45, %dma_start3A_46, %dma_start3A_47] : memref<2x2x8192xi32, #tpu.memory_space<vmem>> -> memref<1x2x8192xi32, #tpu.memory_space<vmem>>
    %dma_start3A_49 = tpu.memref_squeeze %dma_start3A_48 : memref<1x2x8192xi32, #tpu.memory_space<vmem>> -> memref<2x8192xi32, #tpu.memory_space<vmem>>
    %dma_start3A_50 = arith.constant 0 : i32
    %dma_start3A_51 = tpu.memref_slice %arg3[%add3A_31, %dma_start3A_50] : memref<8192x8192xi32, #tpu.memory_space<hbm>> -> memref<2x8192xi32, #tpu.memory_space<hbm>>
    %dma_start3A_52 = arith.constant 0 : i32
    %dma_start3A_53 = arith.constant 0 : i32
    %dma_start3A_54 = tpu.memref_slice %arg6[%dma_start3A_45, %dma_start3A_52, %dma_start3A_53] : memref<2x2x8192xi32, #tpu.memory_space<vmem>> -> memref<1x2x8192xi32, #tpu.memory_space<vmem>>
    %dma_start3A_55 = tpu.memref_squeeze %dma_start3A_54 : memref<1x2x8192xi32, #tpu.memory_space<vmem>> -> memref<2x8192xi32, #tpu.memory_space<vmem>>
    %dma_start3A_56 = arith.constant 0 : i32
    %dma_start3A_57 = tpu.memref_slice %arg3[%add3A_31, %dma_start3A_56] : memref<8192x8192xi32, #tpu.memory_space<hbm>> -> memref<2x8192xi32, #tpu.memory_space<hbm>>
    tpu.enqueue_dma source(%dma_start3A_57 : memref<2x8192xi32, #tpu.memory_space<hbm>>) target(%dma_start3A_55 : memref<2x8192xi32, #tpu.memory_space<vmem>>) target_semaphore(%arg9 : memref<!tpu.dma_semaphore, #tpu.memory_space<semaphore_mem>>)
    %broadcast_in_dim3A = arith.constant 0.000000e+00 : f32
    %broadcast_in_dim3A_58 = vector.broadcast %broadcast_in_dim3A : f32 to vector<16xf32>
    %broadcast_in_dim3A_59 = arith.constant 0.000000e+00 : f32
    %broadcast_in_dim3A_60 = vector.broadcast %broadcast_in_dim3A_59 : f32 to vector<16xf32>
    %broadcast_in_dim3A_61 = arith.constant 0.000000e+00 : f32
    %broadcast_in_dim3A_62 = vector.broadcast %broadcast_in_dim3A_61 : f32 to vector<16xf32>
    %broadcast_in_dim3A_63 = arith.constant 0.000000e+00 : f32
    %broadcast_in_dim3A_64 = vector.broadcast %broadcast_in_dim3A_63 : f32 to vector<16xf32>
    %broadcast_in_dim3A_65 = arith.constant 0.000000e+00 : f32
    %broadcast_in_dim3A_66 = vector.broadcast %broadcast_in_dim3A_65 : f32 to vector<16xf32>
    %broadcast_in_dim3A_67 = arith.constant 0.000000e+00 : f32
    %broadcast_in_dim3A_68 = vector.broadcast %broadcast_in_dim3A_67 : f32 to vector<16xf32>
    %broadcast_in_dim3A_69 = arith.constant 0.000000e+00 : f32
    %broadcast_in_dim3A_70 = vector.broadcast %broadcast_in_dim3A_69 : f32 to vector<16xf32>
    %broadcast_in_dim3A_71 = arith.constant 0.000000e+00 : f32
    %broadcast_in_dim3A_72 = vector.broadcast %broadcast_in_dim3A_71 : f32 to vector<16xf32>
    %scan3A = arith.constant 0 : i32
    %scan3A_73 = arith.constant 3 : i32
    %scan3A_74 = arith.addi %scan3A, %scan3A_73 : i32
    %scan3A_75 = arith.constant 1 : i32
    %scan3A_76:8 = scf.for %scan3A_159 = %scan3A to %scan3A_74 step %scan3A_75 iter_args(%scan3A_160 = %broadcast_in_dim3A_58, %scan3A_161 = %broadcast_in_dim3A_60, %scan3A_162 = %broadcast_in_dim3A_62, %scan3A_163 = %broadcast_in_dim3A_64, %scan3A_164 = %broadcast_in_dim3A_66, %scan3A_165 = %broadcast_in_dim3A_68, %scan3A_166 = %broadcast_in_dim3A_70, %scan3A_167 = %broadcast_in_dim3A_72) -> (vector<16xf32>, vector<16xf32>, vector<16xf32>, vector<16xf32>, vector<16xf32>, vector<16xf32>, vector<16xf32>, vector<16xf32>)  : i32 {
      %mul3A_168 = arith.constant 2 : i32
      %mul3A_169 = arith.muli %scan3A_159, %mul3A_168 : i32
      %add3A_170 = arith.constant 0 : i32
      %add3A_171 = arith.addi %mul3A_169, %add3A_170 : i32
      %dma_wait3A_172 = arith.constant 0 : i32
      %dma_wait3A_173 = arith.constant 0 : i32
      %dma_wait3A_174 = arith.constant 0 : i32
      %dma_wait3A_175 = tpu.memref_slice %arg5[%dma_wait3A_172, %dma_wait3A_173, %dma_wait3A_174] : memref<2x2x8192xf32, #tpu.memory_space<vmem>> -> memref<1x2x8192xf32, #tpu.memory_space<vmem>>
      %dma_wait3A_176 = tpu.memref_squeeze %dma_wait3A_175 : memref<1x2x8192xf32, #tpu.memory_space<vmem>> -> memref<2x8192xf32, #tpu.memory_space<vmem>>
      %dma_wait3A_177 = arith.constant 0 : i32
      %dma_wait3A_178 = arith.constant 0 : i32
      %dma_wait3A_179 = tpu.memref_slice %arg2[%dma_wait3A_177, %dma_wait3A_178] : memref<8192x8192xf32, #tpu.memory_space<hbm>> -> memref<2x8192xf32, #tpu.memory_space<hbm>>
      %dma_wait3A_180 = arith.constant 0 : i32
      %dma_wait3A_181 = arith.constant 0 : i32
      %dma_wait3A_182 = tpu.memref_slice %arg5[%dma_wait3A_172, %dma_wait3A_180, %dma_wait3A_181] : memref<2x2x8192xf32, #tpu.memory_space<vmem>> -> memref<1x2x8192xf32, #tpu.memory_space<vmem>>
      %dma_wait3A_183 = tpu.memref_squeeze %dma_wait3A_182 : memref<1x2x8192xf32, #tpu.memory_space<vmem>> -> memref<2x8192xf32, #tpu.memory_space<vmem>>
      %dma_wait3A_184 = arith.constant 0 : i32
      %dma_wait3A_185 = arith.constant 0 : i32
      %dma_wait3A_186 = tpu.memref_slice %arg2[%dma_wait3A_184, %dma_wait3A_185] : memref<8192x8192xf32, #tpu.memory_space<hbm>> -> memref<2x8192xf32, #tpu.memory_space<hbm>>
      tpu.wait_dma2 semaphore(%arg8 : memref<!tpu.dma_semaphore, #tpu.memory_space<semaphore_mem>>) src(%dma_wait3A_186 : memref<2x8192xf32, #tpu.memory_space<hbm>>) dst(%dma_wait3A_183 : memref<2x8192xf32, #tpu.memory_space<vmem>>)
      %dma_wait3A_187 = arith.constant 0 : i32
      %dma_wait3A_188 = arith.constant 0 : i32
      %dma_wait3A_189 = arith.constant 0 : i32
      %dma_wait3A_190 = tpu.memref_slice %arg6[%dma_wait3A_187, %dma_wait3A_188, %dma_wait3A_189] : memref<2x2x8192xi32, #tpu.memory_space<vmem>> -> memref<1x2x8192xi32, #tpu.memory_space<vmem>>
      %dma_wait3A_191 = tpu.memref_squeeze %dma_wait3A_190 : memref<1x2x8192xi32, #tpu.memory_space<vmem>> -> memref<2x8192xi32, #tpu.memory_space<vmem>>
      %dma_wait3A_192 = arith.constant 0 : i32
      %dma_wait3A_193 = arith.constant 0 : i32
      %dma_wait3A_194 = tpu.memref_slice %arg3[%dma_wait3A_192, %dma_wait3A_193] : memref<8192x8192xi32, #tpu.memory_space<hbm>> -> memref<2x8192xi32, #tpu.memory_space<hbm>>
      %dma_wait3A_195 = arith.constant 0 : i32
      %dma_wait3A_196 = arith.constant 0 : i32
      %dma_wait3A_197 = tpu.memref_slice %arg6[%dma_wait3A_187, %dma_wait3A_195, %dma_wait3A_196] : memref<2x2x8192xi32, #tpu.memory_space<vmem>> -> memref<1x2x8192xi32, #tpu.memory_space<vmem>>
      %dma_wait3A_198 = tpu.memref_squeeze %dma_wait3A_197 : memref<1x2x8192xi32, #tpu.memory_space<vmem>> -> memref<2x8192xi32, #tpu.memory_space<vmem>>
      %dma_wait3A_199 = arith.constant 0 : i32
      %dma_wait3A_200 = arith.constant 0 : i32
      %dma_wait3A_201 = tpu.memref_slice %arg3[%dma_wait3A_199, %dma_wait3A_200] : memref<8192x8192xi32, #tpu.memory_space<hbm>> -> memref<2x8192xi32, #tpu.memory_space<hbm>>
      tpu.wait_dma2 semaphore(%arg9 : memref<!tpu.dma_semaphore, #tpu.memory_space<semaphore_mem>>) src(%dma_wait3A_201 : memref<2x8192xi32, #tpu.memory_space<hbm>>) dst(%dma_wait3A_198 : memref<2x8192xi32, #tpu.memory_space<vmem>>)
      %scan3A_202 = arith.constant 0 : i32
      %scan3A_203 = arith.constant 64 : i32
      %scan3A_204 = arith.addi %scan3A_202, %scan3A_203 : i32
      %scan3A_205 = arith.constant 1 : i32
      %scan3A_206:8 = scf.for %scan3A_310 = %scan3A_202 to %scan3A_204 step %scan3A_205 iter_args(%scan3A_311 = %scan3A_160, %scan3A_312 = %scan3A_161, %scan3A_313 = %scan3A_162, %scan3A_314 = %scan3A_163, %scan3A_315 = %scan3A_164, %scan3A_316 = %scan3A_165, %scan3A_317 = %scan3A_166, %scan3A_318 = %scan3A_167) -> (vector<16xf32>, vector<16xf32>, vector<16xf32>, vector<16xf32>, vector<16xf32>, vector<16xf32>, vector<16xf32>, vector<16xf32>)  : i32 {
        %mul3A_319 = arith.constant 128 : i32
        %mul3A_320 = arith.muli %scan3A_310, %mul3A_319 : i32
        %add3A_321 = arith.constant 0 : i32
        %add3A_322 = arith.addi %mul3A_320, %add3A_321 : i32
        %get3A = arith.constant 0 : i32
        %get3A_323 = arith.constant 0 : i32
        %get3A_324 = arith.index_cast %get3A : i32 to index
        %get3A_325 = arith.index_cast %get3A_323 : i32 to index
        %get3A_326 = arith.index_cast %add3A_322 : i32 to index
        %get3A_327 = tpu.vector_load %arg5[%get3A_324, %get3A_325, %get3A_326] {strides = array<i32>} : memref<2x2x8192xf32, #tpu.memory_space<vmem>>, vector<1x1x16xf32>,
        %get3A_328 = vector.shape_cast %get3A_327 : vector<1x1x16xf32> to vector<16xf32>
        %add3A_329 = arith.constant 0 : i32
        %add3A_330 = arith.addi %mul3A_320, %add3A_329 : i32
        %get3A_331 = arith.constant 0 : i32
        %get3A_332 = arith.constant 0 : i32
        %get3A_333 = arith.index_cast %get3A_331 : i32 to index
        %get3A_334 = arith.index_cast %get3A_332 : i32 to index
        %get3A_335 = arith.index_cast %add3A_330 : i32 to index
        %get3A_336 = tpu.vector_load %arg6[%get3A_333, %get3A_334, %get3A_335] {strides = array<i32>} : memref<2x2x8192xi32, #tpu.memory_space<vmem>>, vector<1x1x16xi32>,
        %get3A_337 = vector.shape_cast %get3A_336 : vector<1x1x16xi32> to vector<16xi32>
        %eq3A = arith.constant 0 : i32
        %eq3A_338 = vector.broadcast %eq3A : i32 to vector<16xi32>
        %eq3A_339 = arith.cmpi eq, %get3A_337, %eq3A_338 : vector<16xi32>
        %sub3A = arith.constant 1.000000e-01 : f32
        %sub3A_340 = vector.broadcast %sub3A : f32 to vector<16xf32>
        %sub3A_341 = arith.subf %get3A_328, %sub3A_340 : vector<16xf32>
        %sub3A_342 = arith.constant 1.000000e+00 : f32
        %sub3A_343 = vector.broadcast %sub3A_342 : f32 to vector<16xf32>
        %sub3A_344 = arith.subf %sub3A_343, %get3A_328 : vector<16xf32>
        %select_n3A = arith.select %eq3A_339, %sub3A_341, %sub3A_344 : vector<16xi1>, vector<16xf32>
        %max3A = arith.constant 0.000000e+00 : f32
        %max3A_345 = vector.broadcast %max3A : f32 to vector<16xf32>
        %max3A_346 = arith.maximumf %select_n3A, %max3A_345 : vector<16xf32>
        %min3A = arith.constant 1.000000e+00 : f32
        %min3A_347 = vector.broadcast %min3A : f32 to vector<16xf32>
        %min3A_348 = arith.minimumf %max3A_346, %min3A_347 : vector<16xf32>
        %mul3A_349 = arith.mulf %min3A_348, %min3A_348 : vector<16xf32>
        %add3A_350 = arith.addf %scan3A_311, %mul3A_349 : vector<16xf32>
        %add3A_351 = arith.constant 16 : i32
        %add3A_352 = arith.addi %mul3A_320, %add3A_351 : i32
        %get3A_353 = arith.constant 0 : i32
        %get3A_354 = arith.constant 0 : i32
        %get3A_355 = arith.index_cast %get3A_353 : i32 to index
        %get3A_356 = arith.index_cast %get3A_354 : i32 to index
        %get3A_357 = arith.index_cast %add3A_352 : i32 to index
        %get3A_358 = tpu.vector_load %arg5[%get3A_355, %get3A_356, %get3A_357] {strides = array<i32>} : memref<2x2x8192xf32, #tpu.memory_space<vmem>>, vector<1x1x16xf32>,
        %get3A_359 = vector.shape_cast %get3A_358 : vector<1x1x16xf32> to vector<16xf32>
        %add3A_360 = arith.constant 16 : i32
        %add3A_361 = arith.addi %mul3A_320, %add3A_360 : i32
        %get3A_362 = arith.constant 0 : i32
        %get3A_363 = arith.constant 0 : i32
        %get3A_364 = arith.index_cast %get3A_362 : i32 to index
        %get3A_365 = arith.index_cast %get3A_363 : i32 to index
        %get3A_366 = arith.index_cast %add3A_361 : i32 to index
        %get3A_367 = tpu.vector_load %arg6[%get3A_364, %get3A_365, %get3A_366] {strides = array<i32>} : memref<2x2x8192xi32, #tpu.memory_space<vmem>>, vector<1x1x16xi32>,
        %get3A_368 = vector.shape_cast %get3A_367 : vector<1x1x16xi32> to vector<16xi32>
        %eq3A_369 = arith.constant 0 : i32
        %eq3A_370 = vector.broadcast %eq3A_369 : i32 to vector<16xi32>
        %eq3A_371 = arith.cmpi eq, %get3A_368, %eq3A_370 : vector<16xi32>
        %sub3A_372 = arith.constant 1.000000e-01 : f32
        %sub3A_373 = vector.broadcast %sub3A_372 : f32 to vector<16xf32>
        %sub3A_374 = arith.subf %get3A_359, %sub3A_373 : vector<16xf32>
        %sub3A_375 = arith.constant 1.000000e+00 : f32
        %sub3A_376 = vector.broadcast %sub3A_375 : f32 to vector<16xf32>
        %sub3A_377 = arith.subf %sub3A_376, %get3A_359 : vector<16xf32>
        %select_n3A_378 = arith.select %eq3A_371, %sub3A_374, %sub3A_377 : vector<16xi1>, vector<16xf32>
        %max3A_379 = arith.constant 0.000000e+00 : f32
        %max3A_380 = vector.broadcast %max3A_379 : f32 to vector<16xf32>
        %max3A_381 = arith.maximumf %select_n3A_378, %max3A_380 : vector<16xf32>
        %min3A_382 = arith.constant 1.000000e+00 : f32
        %min3A_383 = vector.broadcast %min3A_382 : f32 to vector<16xf32>
        %min3A_384 = arith.minimumf %max3A_381, %min3A_383 : vector<16xf32>
        %mul3A_385 = arith.mulf %min3A_384, %min3A_384 : vector<16xf32>
        %add3A_386 = arith.addf %scan3A_312, %mul3A_385 : vector<16xf32>
        %add3A_387 = arith.constant 32 : i32
        %add3A_388 = arith.addi %mul3A_320, %add3A_387 : i32
        %get3A_389 = arith.constant 0 : i32
        %get3A_390 = arith.constant 0 : i32
        %get3A_391 = arith.index_cast %get3A_389 : i32 to index
        %get3A_392 = arith.index_cast %get3A_390 : i32 to index
        %get3A_393 = arith.index_cast %add3A_388 : i32 to index
        %get3A_394 = tpu.vector_load %arg5[%get3A_391, %get3A_392, %get3A_393] {strides = array<i32>} : memref<2x2x8192xf32, #tpu.memory_space<vmem>>, vector<1x1x16xf32>,
        %get3A_395 = vector.shape_cast %get3A_394 : vector<1x1x16xf32> to vector<16xf32>
        %add3A_396 = arith.constant 32 : i32
        %add3A_397 = arith.addi %mul3A_320, %add3A_396 : i32
        %get3A_398 = arith.constant 0 : i32
        %get3A_399 = arith.constant 0 : i32
        %get3A_400 = arith.index_cast %get3A_398 : i32 to index
        %get3A_401 = arith.index_cast %get3A_399 : i32 to index
        %get3A_402 = arith.index_cast %add3A_397 : i32 to index
        %get3A_403 = tpu.vector_load %arg6[%get3A_400, %get3A_401, %get3A_402] {strides = array<i32>} : memref<2x2x8192xi32, #tpu.memory_space<vmem>>, vector<1x1x16xi32>,
        %get3A_404 = vector.shape_cast %get3A_403 : vector<1x1x16xi32> to vector<16xi32>
        %eq3A_405 = arith.constant 0 : i32
        %eq3A_406 = vector.broadcast %eq3A_405 : i32 to vector<16xi32>
        %eq3A_407 = arith.cmpi eq, %get3A_404, %eq3A_406 : vector<16xi32>
        %sub3A_408 = arith.constant 1.000000e-01 : f32
        %sub3A_409 = vector.broadcast %sub3A_408 : f32 to vector<16xf32>
        %sub3A_410 = arith.subf %get3A_395, %sub3A_409 : vector<16xf32>
        %sub3A_411 = arith.constant 1.000000e+00 : f32
        %sub3A_412 = vector.broadcast %sub3A_411 : f32 to vector<16xf32>
        %sub3A_413 = arith.subf %sub3A_412, %get3A_395 : vector<16xf32>
        %select_n3A_414 = arith.select %eq3A_407, %sub3A_410, %sub3A_413 : vector<16xi1>, vector<16xf32>
        %max3A_415 = arith.constant 0.000000e+00 : f32
        %max3A_416 = vector.broadcast %max3A_415 : f32 to vector<16xf32>
        %max3A_417 = arith.maximumf %select_n3A_414, %max3A_416 : vector<16xf32>
        %min3A_418 = arith.constant 1.000000e+00 : f32
        %min3A_419 = vector.broadcast %min3A_418 : f32 to vector<16xf32>
        %min3A_420 = arith.minimumf %max3A_417, %min3A_419 : vector<16xf32>
        %mul3A_421 = arith.mulf %min3A_420, %min3A_420 : vector<16xf32>
        %add3A_422 = arith.addf %scan3A_313, %mul3A_421 : vector<16xf32>
        %add3A_423 = arith.constant 48 : i32
        %add3A_424 = arith.addi %mul3A_320, %add3A_423 : i32
        %get3A_425 = arith.constant 0 : i32
        %get3A_426 = arith.constant 0 : i32
        %get3A_427 = arith.index_cast %get3A_425 : i32 to index
        %get3A_428 = arith.index_cast %get3A_426 : i32 to index
        %get3A_429 = arith.index_cast %add3A_424 : i32 to index
        %get3A_430 = tpu.vector_load %arg5[%get3A_427, %get3A_428, %get3A_429] {strides = array<i32>} : memref<2x2x8192xf32, #tpu.memory_space<vmem>>, vector<1x1x16xf32>,
        %get3A_431 = vector.shape_cast %get3A_430 : vector<1x1x16xf32> to vector<16xf32>
        %add3A_432 = arith.constant 48 : i32
        %add3A_433 = arith.addi %mul3A_320, %add3A_432 : i32
        %get3A_434 = arith.constant 0 : i32
        %get3A_435 = arith.constant 0 : i32
        %get3A_436 = arith.index_cast %get3A_434 : i32 to index
        %get3A_437 = arith.index_cast %get3A_435 : i32 to index
        %get3A_438 = arith.index_cast %add3A_433 : i32 to index
        %get3A_439 = tpu.vector_load %arg6[%get3A_436, %get3A_437, %get3A_438] {strides = array<i32>} : memref<2x2x8192xi32, #tpu.memory_space<vmem>>, vector<1x1x16xi32>,
        %get3A_440 = vector.shape_cast %get3A_439 : vector<1x1x16xi32> to vector<16xi32>
        %eq3A_441 = arith.constant 0 : i32
        %eq3A_442 = vector.broadcast %eq3A_441 : i32 to vector<16xi32>
        %eq3A_443 = arith.cmpi eq, %get3A_440, %eq3A_442 : vector<16xi32>
        %sub3A_444 = arith.constant 1.000000e-01 : f32
        %sub3A_445 = vector.broadcast %sub3A_444 : f32 to vector<16xf32>
        %sub3A_446 = arith.subf %get3A_431, %sub3A_445 : vector<16xf32>
        %sub3A_447 = arith.constant 1.000000e+00 : f32
        %sub3A_448 = vector.broadcast %sub3A_447 : f32 to vector<16xf32>
        %sub3A_449 = arith.subf %sub3A_448, %get3A_431 : vector<16xf32>
        %select_n3A_450 = arith.select %eq3A_443, %sub3A_446, %sub3A_449 : vector<16xi1>, vector<16xf32>
        %max3A_451 = arith.constant 0.000000e+00 : f32
        %max3A_452 = vector.broadcast %max3A_451 : f32 to vector<16xf32>
        %max3A_453 = arith.maximumf %select_n3A_450, %max3A_452 : vector<16xf32>
        %min3A_454 = arith.constant 1.000000e+00 : f32
        %min3A_455 = vector.broadcast %min3A_454 : f32 to vector<16xf32>
        %min3A_456 = arith.minimumf %max3A_453, %min3A_455 : vector<16xf32>
        %mul3A_457 = arith.mulf %min3A_456, %min3A_456 : vector<16xf32>
        %add3A_458 = arith.addf %scan3A_314, %mul3A_457 : vector<16xf32>
        %add3A_459 = arith.constant 64 : i32
        %add3A_460 = arith.addi %mul3A_320, %add3A_459 : i32
        %get3A_461 = arith.constant 0 : i32
        %get3A_462 = arith.constant 0 : i32
        %get3A_463 = arith.index_cast %get3A_461 : i32 to index
        %get3A_464 = arith.index_cast %get3A_462 : i32 to index
        %get3A_465 = arith.index_cast %add3A_460 : i32 to index
        %get3A_466 = tpu.vector_load %arg5[%get3A_463, %get3A_464, %get3A_465] {strides = array<i32>} : memref<2x2x8192xf32, #tpu.memory_space<vmem>>, vector<1x1x16xf32>,
        %get3A_467 = vector.shape_cast %get3A_466 : vector<1x1x16xf32> to vector<16xf32>
        %add3A_468 = arith.constant 64 : i32
        %add3A_469 = arith.addi %mul3A_320, %add3A_468 : i32
        %get3A_470 = arith.constant 0 : i32
        %get3A_471 = arith.constant 0 : i32
        %get3A_472 = arith.index_cast %get3A_470 : i32 to index
        %get3A_473 = arith.index_cast %get3A_471 : i32 to index
        %get3A_474 = arith.index_cast %add3A_469 : i32 to index
        %get3A_475 = tpu.vector_load %arg6[%get3A_472, %get3A_473, %get3A_474] {strides = array<i32>} : memref<2x2x8192xi32, #tpu.memory_space<vmem>>, vector<1x1x16xi32>,
        %get3A_476 = vector.shape_cast %get3A_475 : vector<1x1x16xi32> to vector<16xi32>
        %eq3A_477 = arith.constant 0 : i32
        %eq3A_478 = vector.broadcast %eq3A_477 : i32 to vector<16xi32>
        %eq3A_479 = arith.cmpi eq, %get3A_476, %eq3A_478 : vector<16xi32>
        %sub3A_480 = arith.constant 1.000000e-01 : f32
        %sub3A_481 = vector.broadcast %sub3A_480 : f32 to vector<16xf32>
        %sub3A_482 = arith.subf %get3A_467, %sub3A_481 : vector<16xf32>
        %sub3A_483 = arith.constant 1.000000e+00 : f32
        %sub3A_484 = vector.broadcast %sub3A_483 : f32 to vector<16xf32>
        %sub3A_485 = arith.subf %sub3A_484, %get3A_467 : vector<16xf32>
        %select_n3A_486 = arith.select %eq3A_479, %sub3A_482, %sub3A_485 : vector<16xi1>, vector<16xf32>
        %max3A_487 = arith.constant 0.000000e+00 : f32
        %max3A_488 = vector.broadcast %max3A_487 : f32 to vector<16xf32>
        %max3A_489 = arith.maximumf %select_n3A_486, %max3A_488 : vector<16xf32>
        %min3A_490 = arith.constant 1.000000e+00 : f32
        %min3A_491 = vector.broadcast %min3A_490 : f32 to vector<16xf32>
        %min3A_492 = arith.minimumf %max3A_489, %min3A_491 : vector<16xf32>
        %mul3A_493 = arith.mulf %min3A_492, %min3A_492 : vector<16xf32>
        %add3A_494 = arith.addf %scan3A_315, %mul3A_493 : vector<16xf32>
        %add3A_495 = arith.constant 80 : i32
        %add3A_496 = arith.addi %mul3A_320, %add3A_495 : i32
        %get3A_497 = arith.constant 0 : i32
        %get3A_498 = arith.constant 0 : i32
        %get3A_499 = arith.index_cast %get3A_497 : i32 to index
        %get3A_500 = arith.index_cast %get3A_498 : i32 to index
        %get3A_501 = arith.index_cast %add3A_496 : i32 to index
        %get3A_502 = tpu.vector_load %arg5[%get3A_499, %get3A_500, %get3A_501] {strides = array<i32>} : memref<2x2x8192xf32, #tpu.memory_space<vmem>>, vector<1x1x16xf32>,
        %get3A_503 = vector.shape_cast %get3A_502 : vector<1x1x16xf32> to vector<16xf32>
        %add3A_504 = arith.constant 80 : i32
        %add3A_505 = arith.addi %mul3A_320, %add3A_504 : i32
        %get3A_506 = arith.constant 0 : i32
        %get3A_507 = arith.constant 0 : i32
        %get3A_508 = arith.index_cast %get3A_506 : i32 to index
        %get3A_509 = arith.index_cast %get3A_507 : i32 to index
        %get3A_510 = arith.index_cast %add3A_505 : i32 to index
        %get3A_511 = tpu.vector_load %arg6[%get3A_508, %get3A_509, %get3A_510] {strides = array<i32>} : memref<2x2x8192xi32, #tpu.memory_space<vmem>>, vector<1x1x16xi32>,
        %get3A_512 = vector.shape_cast %get3A_511 : vector<1x1x16xi32> to vector<16xi32>
        %eq3A_513 = arith.constant 0 : i32
        %eq3A_514 = vector.broadcast %eq3A_513 : i32 to vector<16xi32>
        %eq3A_515 = arith.cmpi eq, %get3A_512, %eq3A_514 : vector<16xi32>
        %sub3A_516 = arith.constant 1.000000e-01 : f32
        %sub3A_517 = vector.broadcast %sub3A_516 : f32 to vector<16xf32>
        %sub3A_518 = arith.subf %get3A_503, %sub3A_517 : vector<16xf32>
        %sub3A_519 = arith.constant 1.000000e+00 : f32
        %sub3A_520 = vector.broadcast %sub3A_519 : f32 to vector<16xf32>
        %sub3A_521 = arith.subf %sub3A_520, %get3A_503 : vector<16xf32>
        %select_n3A_522 = arith.select %eq3A_515, %sub3A_518, %sub3A_521 : vector<16xi1>, vector<16xf32>
        %max3A_523 = arith.constant 0.000000e+00 : f32
        %max3A_524 = vector.broadcast %max3A_523 : f32 to vector<16xf32>
        %max3A_525 = arith.maximumf %select_n3A_522, %max3A_524 : vector<16xf32>
        %min3A_526 = arith.constant 1.000000e+00 : f32
        %min3A_527 = vector.broadcast %min3A_526 : f32 to vector<16xf32>
        %min3A_528 = arith.minimumf %max3A_525, %min3A_527 : vector<16xf32>
        %mul3A_529 = arith.mulf %min3A_528, %min3A_528 : vector<16xf32>
        %add3A_530 = arith.addf %scan3A_316, %mul3A_529 : vector<16xf32>
        %add3A_531 = arith.constant 96 : i32
        %add3A_532 = arith.addi %mul3A_320, %add3A_531 : i32
        %get3A_533 = arith.constant 0 : i32
        %get3A_534 = arith.constant 0 : i32
        %get3A_535 = arith.index_cast %get3A_533 : i32 to index
        %get3A_536 = arith.index_cast %get3A_534 : i32 to index
        %get3A_537 = arith.index_cast %add3A_532 : i32 to index
        %get3A_538 = tpu.vector_load %arg5[%get3A_535, %get3A_536, %get3A_537] {strides = array<i32>} : memref<2x2x8192xf32, #tpu.memory_space<vmem>>, vector<1x1x16xf32>,
        %get3A_539 = vector.shape_cast %get3A_538 : vector<1x1x16xf32> to vector<16xf32>
        %add3A_540 = arith.constant 96 : i32
        %add3A_541 = arith.addi %mul3A_320, %add3A_540 : i32
        %get3A_542 = arith.constant 0 : i32
        %get3A_543 = arith.constant 0 : i32
        %get3A_544 = arith.index_cast %get3A_542 : i32 to index
        %get3A_545 = arith.index_cast %get3A_543 : i32 to index
        %get3A_546 = arith.index_cast %add3A_541 : i32 to index
        %get3A_547 = tpu.vector_load %arg6[%get3A_544, %get3A_545, %get3A_546] {strides = array<i32>} : memref<2x2x8192xi32, #tpu.memory_space<vmem>>, vector<1x1x16xi32>,
        %get3A_548 = vector.shape_cast %get3A_547 : vector<1x1x16xi32> to vector<16xi32>
        %eq3A_549 = arith.constant 0 : i32
        %eq3A_550 = vector.broadcast %eq3A_549 : i32 to vector<16xi32>
        %eq3A_551 = arith.cmpi eq, %get3A_548, %eq3A_550 : vector<16xi32>
        %sub3A_552 = arith.constant 1.000000e-01 : f32
        %sub3A_553 = vector.broadcast %sub3A_552 : f32 to vector<16xf32>
        %sub3A_554 = arith.subf %get3A_539, %sub3A_553 : vector<16xf32>
        %sub3A_555 = arith.constant 1.000000e+00 : f32
        %sub3A_556 = vector.broadcast %sub3A_555 : f32 to vector<16xf32>
        %sub3A_557 = arith.subf %sub3A_556, %get3A_539 : vector<16xf32>
        %select_n3A_558 = arith.select %eq3A_551, %sub3A_554, %sub3A_557 : vector<16xi1>, vector<16xf32>
        %max3A_559 = arith.constant 0.000000e+00 : f32
        %max3A_560 = vector.broadcast %max3A_559 : f32 to vector<16xf32>
        %max3A_561 = arith.maximumf %select_n3A_558, %max3A_560 : vector<16xf32>
        %min3A_562 = arith.constant 1.000000e+00 : f32
        %min3A_563 = vector.broadcast %min3A_562 : f32 to vector<16xf32>
        %min3A_564 = arith.minimumf %max3A_561, %min3A_563 : vector<16xf32>
        %mul3A_565 = arith.mulf %min3A_564, %min3A_564 : vector<16xf32>
        %add3A_566 = arith.addf %scan3A_317, %mul3A_565 : vector<16xf32>
        %add3A_567 = arith.constant 112 : i32
        %add3A_568 = arith.addi %mul3A_320, %add3A_567 : i32
        %get3A_569 = arith.constant 0 : i32
        %get3A_570 = arith.constant 0 : i32
        %get3A_571 = arith.index_cast %get3A_569 : i32 to index
        %get3A_572 = arith.index_cast %get3A_570 : i32 to index
        %get3A_573 = arith.index_cast %add3A_568 : i32 to index
        %get3A_574 = tpu.vector_load %arg5[%get3A_571, %get3A_572, %get3A_573] {strides = array<i32>} : memref<2x2x8192xf32, #tpu.memory_space<vmem>>, vector<1x1x16xf32>,
        %get3A_575 = vector.shape_cast %get3A_574 : vector<1x1x16xf32> to vector<16xf32>
        %add3A_576 = arith.constant 112 : i32
        %add3A_577 = arith.addi %mul3A_320, %add3A_576 : i32
        %get3A_578 = arith.constant 0 : i32
        %get3A_579 = arith.constant 0 : i32
        %get3A_580 = arith.index_cast %get3A_578 : i32 to index
        %get3A_581 = arith.index_cast %get3A_579 : i32 to index
        %get3A_582 = arith.index_cast %add3A_577 : i32 to index
        %get3A_583 = tpu.vector_load %arg6[%get3A_580, %get3A_581, %get3A_582] {strides = array<i32>} : memref<2x2x8192xi32, #tpu.memory_space<vmem>>, vector<1x1x16xi32>,
        %get3A_584 = vector.shape_cast %get3A_583 : vector<1x1x16xi32> to vector<16xi32>
        %eq3A_585 = arith.constant 0 : i32
        %eq3A_586 = vector.broadcast %eq3A_585 : i32 to vector<16xi32>
        %eq3A_587 = arith.cmpi eq, %get3A_584, %eq3A_586 : vector<16xi32>
        %sub3A_588 = arith.constant 1.000000e-01 : f32
        %sub3A_589 = vector.broadcast %sub3A_588 : f32 to vector<16xf32>
        %sub3A_590 = arith.subf %get3A_575, %sub3A_589 : vector<16xf32>
        %sub3A_591 = arith.constant 1.000000e+00 : f32
        %sub3A_592 = vector.broadcast %sub3A_591 : f32 to vector<16xf32>
        %sub3A_593 = arith.subf %sub3A_592, %get3A_575 : vector<16xf32>
        %select_n3A_594 = arith.select %eq3A_587, %sub3A_590, %sub3A_593 : vector<16xi1>, vector<16xf32>
        %max3A_595 = arith.constant 0.000000e+00 : f32
        %max3A_596 = vector.broadcast %max3A_595 : f32 to vector<16xf32>
        %max3A_597 = arith.maximumf %select_n3A_594, %max3A_596 : vector<16xf32>
        %min3A_598 = arith.constant 1.000000e+00 : f32
        %min3A_599 = vector.broadcast %min3A_598 : f32 to vector<16xf32>
        %min3A_600 = arith.minimumf %max3A_597, %min3A_599 : vector<16xf32>
        %mul3A_601 = arith.mulf %min3A_600, %min3A_600 : vector<16xf32>
        %add3A_602 = arith.addf %scan3A_318, %mul3A_601 : vector<16xf32>
        %add3A_603 = arith.constant 0 : i32
        %add3A_604 = arith.addi %mul3A_320, %add3A_603 : i32
        %get3A_605 = arith.constant 0 : i32
        %get3A_606 = arith.constant 1 : i32
        %get3A_607 = arith.index_cast %get3A_605 : i32 to index
        %get3A_608 = arith.index_cast %get3A_606 : i32 to index
        %get3A_609 = arith.index_cast %add3A_604 : i32 to index
        %get3A_610 = tpu.vector_load %arg5[%get3A_607, %get3A_608, %get3A_609] {strides = array<i32>} : memref<2x2x8192xf32, #tpu.memory_space<vmem>>, vector<1x1x16xf32>,
        %get3A_611 = vector.shape_cast %get3A_610 : vector<1x1x16xf32> to vector<16xf32>
        %add3A_612 = arith.constant 0 : i32
        %add3A_613 = arith.addi %mul3A_320, %add3A_612 : i32
        %get3A_614 = arith.constant 0 : i32
        %get3A_615 = arith.constant 1 : i32
        %get3A_616 = arith.index_cast %get3A_614 : i32 to index
        %get3A_617 = arith.index_cast %get3A_615 : i32 to index
        %get3A_618 = arith.index_cast %add3A_613 : i32 to index
        %get3A_619 = tpu.vector_load %arg6[%get3A_616, %get3A_617, %get3A_618] {strides = array<i32>} : memref<2x2x8192xi32, #tpu.memory_space<vmem>>, vector<1x1x16xi32>,
        %get3A_620 = vector.shape_cast %get3A_619 : vector<1x1x16xi32> to vector<16xi32>
        %eq3A_621 = arith.constant 0 : i32
        %eq3A_622 = vector.broadcast %eq3A_621 : i32 to vector<16xi32>
        %eq3A_623 = arith.cmpi eq, %get3A_620, %eq3A_622 : vector<16xi32>
        %sub3A_624 = arith.constant 1.000000e-01 : f32
        %sub3A_625 = vector.broadcast %sub3A_624 : f32 to vector<16xf32>
        %sub3A_626 = arith.subf %get3A_611, %sub3A_625 : vector<16xf32>
        %sub3A_627 = arith.constant 1.000000e+00 : f32
        %sub3A_628 = vector.broadcast %sub3A_627 : f32 to vector<16xf32>
        %sub3A_629 = arith.subf %sub3A_628, %get3A_611 : vector<16xf32>
        %select_n3A_630 = arith.select %eq3A_623, %sub3A_626, %sub3A_629 : vector<16xi1>, vector<16xf32>
        %max3A_631 = arith.constant 0.000000e+00 : f32
        %max3A_632 = vector.broadcast %max3A_631 : f32 to vector<16xf32>
        %max3A_633 = arith.maximumf %select_n3A_630, %max3A_632 : vector<16xf32>
        %min3A_634 = arith.constant 1.000000e+00 : f32
        %min3A_635 = vector.broadcast %min3A_634 : f32 to vector<16xf32>
        %min3A_636 = arith.minimumf %max3A_633, %min3A_635 : vector<16xf32>
        %mul3A_637 = arith.mulf %min3A_636, %min3A_636 : vector<16xf32>
        %add3A_638 = arith.addf %add3A_350, %mul3A_637 : vector<16xf32>
        %add3A_639 = arith.constant 16 : i32
        %add3A_640 = arith.addi %mul3A_320, %add3A_639 : i32
        %get3A_641 = arith.constant 0 : i32
        %get3A_642 = arith.constant 1 : i32
        %get3A_643 = arith.index_cast %get3A_641 : i32 to index
        %get3A_644 = arith.index_cast %get3A_642 : i32 to index
        %get3A_645 = arith.index_cast %add3A_640 : i32 to index
        %get3A_646 = tpu.vector_load %arg5[%get3A_643, %get3A_644, %get3A_645] {strides = array<i32>} : memref<2x2x8192xf32, #tpu.memory_space<vmem>>, vector<1x1x16xf32>,
        %get3A_647 = vector.shape_cast %get3A_646 : vector<1x1x16xf32> to vector<16xf32>
        %add3A_648 = arith.constant 16 : i32
        %add3A_649 = arith.addi %mul3A_320, %add3A_648 : i32
        %get3A_650 = arith.constant 0 : i32
        %get3A_651 = arith.constant 1 : i32
        %get3A_652 = arith.index_cast %get3A_650 : i32 to index
        %get3A_653 = arith.index_cast %get3A_651 : i32 to index
        %get3A_654 = arith.index_cast %add3A_649 : i32 to index
        %get3A_655 = tpu.vector_load %arg6[%get3A_652, %get3A_653, %get3A_654] {strides = array<i32>} : memref<2x2x8192xi32, #tpu.memory_space<vmem>>, vector<1x1x16xi32>,
        %get3A_656 = vector.shape_cast %get3A_655 : vector<1x1x16xi32> to vector<16xi32>
        %eq3A_657 = arith.constant 0 : i32
        %eq3A_658 = vector.broadcast %eq3A_657 : i32 to vector<16xi32>
        %eq3A_659 = arith.cmpi eq, %get3A_656, %eq3A_658 : vector<16xi32>
        %sub3A_660 = arith.constant 1.000000e-01 : f32
        %sub3A_661 = vector.broadcast %sub3A_660 : f32 to vector<16xf32>
        %sub3A_662 = arith.subf %get3A_647, %sub3A_661 : vector<16xf32>
        %sub3A_663 = arith.constant 1.000000e+00 : f32
        %sub3A_664 = vector.broadcast %sub3A_663 : f32 to vector<16xf32>
        %sub3A_665 = arith.subf %sub3A_664, %get3A_647 : vector<16xf32>
        %select_n3A_666 = arith.select %eq3A_659, %sub3A_662, %sub3A_665 : vector<16xi1>, vector<16xf32>
        %max3A_667 = arith.constant 0.000000e+00 : f32
        %max3A_668 = vector.broadcast %max3A_667 : f32 to vector<16xf32>
        %max3A_669 = arith.maximumf %select_n3A_666, %max3A_668 : vector<16xf32>
        %min3A_670 = arith.constant 1.000000e+00 : f32
        %min3A_671 = vector.broadcast %min3A_670 : f32 to vector<16xf32>
        %min3A_672 = arith.minimumf %max3A_669, %min3A_671 : vector<16xf32>
        %mul3A_673 = arith.mulf %min3A_672, %min3A_672 : vector<16xf32>
        %add3A_674 = arith.addf %add3A_386, %mul3A_673 : vector<16xf32>
        %add3A_675 = arith.constant 32 : i32
        %add3A_676 = arith.addi %mul3A_320, %add3A_675 : i32
        %get3A_677 = arith.constant 0 : i32
        %get3A_678 = arith.constant 1 : i32
        %get3A_679 = arith.index_cast %get3A_677 : i32 to index
        %get3A_680 = arith.index_cast %get3A_678 : i32 to index
        %get3A_681 = arith.index_cast %add3A_676 : i32 to index
        %get3A_682 = tpu.vector_load %arg5[%get3A_679, %get3A_680, %get3A_681] {strides = array<i32>} : memref<2x2x8192xf32, #tpu.memory_space<vmem>>, vector<1x1x16xf32>,
        %get3A_683 = vector.shape_cast %get3A_682 : vector<1x1x16xf32> to vector<16xf32>
        %add3A_684 = arith.constant 32 : i32
        %add3A_685 = arith.addi %mul3A_320, %add3A_684 : i32
        %get3A_686 = arith.constant 0 : i32
        %get3A_687 = arith.constant 1 : i32
        %get3A_688 = arith.index_cast %get3A_686 : i32 to index
        %get3A_689 = arith.index_cast %get3A_687 : i32 to index
        %get3A_690 = arith.index_cast %add3A_685 : i32 to index
        %get3A_691 = tpu.vector_load %arg6[%get3A_688, %get3A_689, %get3A_690] {strides = array<i32>} : memref<2x2x8192xi32, #tpu.memory_space<vmem>>, vector<1x1x16xi32>,
        %get3A_692 = vector.shape_cast %get3A_691 : vector<1x1x16xi32> to vector<16xi32>
        %eq3A_693 = arith.constant 0 : i32
        %eq3A_694 = vector.broadcast %eq3A_693 : i32 to vector<16xi32>
        %eq3A_695 = arith.cmpi eq, %get3A_692, %eq3A_694 : vector<16xi32>
        %sub3A_696 = arith.constant 1.000000e-01 : f32
        %sub3A_697 = vector.broadcast %sub3A_696 : f32 to vector<16xf32>
        %sub3A_698 = arith.subf %get3A_683, %sub3A_697 : vector<16xf32>
        %sub3A_699 = arith.constant 1.000000e+00 : f32
        %sub3A_700 = vector.broadcast %sub3A_699 : f32 to vector<16xf32>
        %sub3A_701 = arith.subf %sub3A_700, %get3A_683 : vector<16xf32>
        %select_n3A_702 = arith.select %eq3A_695, %sub3A_698, %sub3A_701 : vector<16xi1>, vector<16xf32>
        %max3A_703 = arith.constant 0.000000e+00 : f32
        %max3A_704 = vector.broadcast %max3A_703 : f32 to vector<16xf32>
        %max3A_705 = arith.maximumf %select_n3A_702, %max3A_704 : vector<16xf32>
        %min3A_706 = arith.constant 1.000000e+00 : f32
        %min3A_707 = vector.broadcast %min3A_706 : f32 to vector<16xf32>
        %min3A_708 = arith.minimumf %max3A_705, %min3A_707 : vector<16xf32>
        %mul3A_709 = arith.mulf %min3A_708, %min3A_708 : vector<16xf32>
        %add3A_710 = arith.addf %add3A_422, %mul3A_709 : vector<16xf32>
        %add3A_711 = arith.constant 48 : i32
        %add3A_712 = arith.addi %mul3A_320, %add3A_711 : i32
        %get3A_713 = arith.constant 0 : i32
        %get3A_714 = arith.constant 1 : i32
        %get3A_715 = arith.index_cast %get3A_713 : i32 to index
        %get3A_716 = arith.index_cast %get3A_714 : i32 to index
        %get3A_717 = arith.index_cast %add3A_712 : i32 to index
        %get3A_718 = tpu.vector_load %arg5[%get3A_715, %get3A_716, %get3A_717] {strides = array<i32>} : memref<2x2x8192xf32, #tpu.memory_space<vmem>>, vector<1x1x16xf32>,
        %get3A_719 = vector.shape_cast %get3A_718 : vector<1x1x16xf32> to vector<16xf32>
        %add3A_720 = arith.constant 48 : i32
        %add3A_721 = arith.addi %mul3A_320, %add3A_720 : i32
        %get3A_722 = arith.constant 0 : i32
        %get3A_723 = arith.constant 1 : i32
        %get3A_724 = arith.index_cast %get3A_722 : i32 to index
        %get3A_725 = arith.index_cast %get3A_723 : i32 to index
        %get3A_726 = arith.index_cast %add3A_721 : i32 to index
        %get3A_727 = tpu.vector_load %arg6[%get3A_724, %get3A_725, %get3A_726] {strides = array<i32>} : memref<2x2x8192xi32, #tpu.memory_space<vmem>>, vector<1x1x16xi32>,
        %get3A_728 = vector.shape_cast %get3A_727 : vector<1x1x16xi32> to vector<16xi32>
        %eq3A_729 = arith.constant 0 : i32
        %eq3A_730 = vector.broadcast %eq3A_729 : i32 to vector<16xi32>
        %eq3A_731 = arith.cmpi eq, %get3A_728, %eq3A_730 : vector<16xi32>
        %sub3A_732 = arith.constant 1.000000e-01 : f32
        %sub3A_733 = vector.broadcast %sub3A_732 : f32 to vector<16xf32>
        %sub3A_734 = arith.subf %get3A_719, %sub3A_733 : vector<16xf32>
        %sub3A_735 = arith.constant 1.000000e+00 : f32
        %sub3A_736 = vector.broadcast %sub3A_735 : f32 to vector<16xf32>
        %sub3A_737 = arith.subf %sub3A_736, %get3A_719 : vector<16xf32>
        %select_n3A_738 = arith.select %eq3A_731, %sub3A_734, %sub3A_737 : vector<16xi1>, vector<16xf32>
        %max3A_739 = arith.constant 0.000000e+00 : f32
        %max3A_740 = vector.broadcast %max3A_739 : f32 to vector<16xf32>
        %max3A_741 = arith.maximumf %select_n3A_738, %max3A_740 : vector<16xf32>
        %min3A_742 = arith.constant 1.000000e+00 : f32
        %min3A_743 = vector.broadcast %min3A_742 : f32 to vector<16xf32>
        %min3A_744 = arith.minimumf %max3A_741, %min3A_743 : vector<16xf32>
        %mul3A_745 = arith.mulf %min3A_744, %min3A_744 : vector<16xf32>
        %add3A_746 = arith.addf %add3A_458, %mul3A_745 : vector<16xf32>
        %add3A_747 = arith.constant 64 : i32
        %add3A_748 = arith.addi %mul3A_320, %add3A_747 : i32
        %get3A_749 = arith.constant 0 : i32
        %get3A_750 = arith.constant 1 : i32
        %get3A_751 = arith.index_cast %get3A_749 : i32 to index
        %get3A_752 = arith.index_cast %get3A_750 : i32 to index
        %get3A_753 = arith.index_cast %add3A_748 : i32 to index
        %get3A_754 = tpu.vector_load %arg5[%get3A_751, %get3A_752, %get3A_753] {strides = array<i32>} : memref<2x2x8192xf32, #tpu.memory_space<vmem>>, vector<1x1x16xf32>,
        %get3A_755 = vector.shape_cast %get3A_754 : vector<1x1x16xf32> to vector<16xf32>
        %add3A_756 = arith.constant 64 : i32
        %add3A_757 = arith.addi %mul3A_320, %add3A_756 : i32
        %get3A_758 = arith.constant 0 : i32
        %get3A_759 = arith.constant 1 : i32
        %get3A_760 = arith.index_cast %get3A_758 : i32 to index
        %get3A_761 = arith.index_cast %get3A_759 : i32 to index
        %get3A_762 = arith.index_cast %add3A_757 : i32 to index
        %get3A_763 = tpu.vector_load %arg6[%get3A_760, %get3A_761, %get3A_762] {strides = array<i32>} : memref<2x2x8192xi32, #tpu.memory_space<vmem>>, vector<1x1x16xi32>,
        %get3A_764 = vector.shape_cast %get3A_763 : vector<1x1x16xi32> to vector<16xi32>
        %eq3A_765 = arith.constant 0 : i32
        %eq3A_766 = vector.broadcast %eq3A_765 : i32 to vector<16xi32>
        %eq3A_767 = arith.cmpi eq, %get3A_764, %eq3A_766 : vector<16xi32>
        %sub3A_768 = arith.constant 1.000000e-01 : f32
        %sub3A_769 = vector.broadcast %sub3A_768 : f32 to vector<16xf32>
        %sub3A_770 = arith.subf %get3A_755, %sub3A_769 : vector<16xf32>
        %sub3A_771 = arith.constant 1.000000e+00 : f32
        %sub3A_772 = vector.broadcast %sub3A_771 : f32 to vector<16xf32>
        %sub3A_773 = arith.subf %sub3A_772, %get3A_755 : vector<16xf32>
        %select_n3A_774 = arith.select %eq3A_767, %sub3A_770, %sub3A_773 : vector<16xi1>, vector<16xf32>
        %max3A_775 = arith.constant 0.000000e+00 : f32
        %max3A_776 = vector.broadcast %max3A_775 : f32 to vector<16xf32>
        %max3A_777 = arith.maximumf %select_n3A_774, %max3A_776 : vector<16xf32>
        %min3A_778 = arith.constant 1.000000e+00 : f32
        %min3A_779 = vector.broadcast %min3A_778 : f32 to vector<16xf32>
        %min3A_780 = arith.minimumf %max3A_777, %min3A_779 : vector<16xf32>
        %mul3A_781 = arith.mulf %min3A_780, %min3A_780 : vector<16xf32>
        %add3A_782 = arith.addf %add3A_494, %mul3A_781 : vector<16xf32>
        %add3A_783 = arith.constant 80 : i32
        %add3A_784 = arith.addi %mul3A_320, %add3A_783 : i32
        %get3A_785 = arith.constant 0 : i32
        %get3A_786 = arith.constant 1 : i32
        %get3A_787 = arith.index_cast %get3A_785 : i32 to index
        %get3A_788 = arith.index_cast %get3A_786 : i32 to index
        %get3A_789 = arith.index_cast %add3A_784 : i32 to index
        %get3A_790 = tpu.vector_load %arg5[%get3A_787, %get3A_788, %get3A_789] {strides = array<i32>} : memref<2x2x8192xf32, #tpu.memory_space<vmem>>, vector<1x1x16xf32>,
        %get3A_791 = vector.shape_cast %get3A_790 : vector<1x1x16xf32> to vector<16xf32>
        %add3A_792 = arith.constant 80 : i32
        %add3A_793 = arith.addi %mul3A_320, %add3A_792 : i32
        %get3A_794 = arith.constant 0 : i32
        %get3A_795 = arith.constant 1 : i32
        %get3A_796 = arith.index_cast %get3A_794 : i32 to index
        %get3A_797 = arith.index_cast %get3A_795 : i32 to index
        %get3A_798 = arith.index_cast %add3A_793 : i32 to index
        %get3A_799 = tpu.vector_load %arg6[%get3A_796, %get3A_797, %get3A_798] {strides = array<i32>} : memref<2x2x8192xi32, #tpu.memory_space<vmem>>, vector<1x1x16xi32>,
        %get3A_800 = vector.shape_cast %get3A_799 : vector<1x1x16xi32> to vector<16xi32>
        %eq3A_801 = arith.constant 0 : i32
        %eq3A_802 = vector.broadcast %eq3A_801 : i32 to vector<16xi32>
        %eq3A_803 = arith.cmpi eq, %get3A_800, %eq3A_802 : vector<16xi32>
        %sub3A_804 = arith.constant 1.000000e-01 : f32
        %sub3A_805 = vector.broadcast %sub3A_804 : f32 to vector<16xf32>
        %sub3A_806 = arith.subf %get3A_791, %sub3A_805 : vector<16xf32>
        %sub3A_807 = arith.constant 1.000000e+00 : f32
        %sub3A_808 = vector.broadcast %sub3A_807 : f32 to vector<16xf32>
        %sub3A_809 = arith.subf %sub3A_808, %get3A_791 : vector<16xf32>
        %select_n3A_810 = arith.select %eq3A_803, %sub3A_806, %sub3A_809 : vector<16xi1>, vector<16xf32>
        %max3A_811 = arith.constant 0.000000e+00 : f32
        %max3A_812 = vector.broadcast %max3A_811 : f32 to vector<16xf32>
        %max3A_813 = arith.maximumf %select_n3A_810, %max3A_812 : vector<16xf32>
        %min3A_814 = arith.constant 1.000000e+00 : f32
        %min3A_815 = vector.broadcast %min3A_814 : f32 to vector<16xf32>
        %min3A_816 = arith.minimumf %max3A_813, %min3A_815 : vector<16xf32>
        %mul3A_817 = arith.mulf %min3A_816, %min3A_816 : vector<16xf32>
        %add3A_818 = arith.addf %add3A_530, %mul3A_817 : vector<16xf32>
        %add3A_819 = arith.constant 96 : i32
        %add3A_820 = arith.addi %mul3A_320, %add3A_819 : i32
        %get3A_821 = arith.constant 0 : i32
        %get3A_822 = arith.constant 1 : i32
        %get3A_823 = arith.index_cast %get3A_821 : i32 to index
        %get3A_824 = arith.index_cast %get3A_822 : i32 to index
        %get3A_825 = arith.index_cast %add3A_820 : i32 to index
        %get3A_826 = tpu.vector_load %arg5[%get3A_823, %get3A_824, %get3A_825] {strides = array<i32>} : memref<2x2x8192xf32, #tpu.memory_space<vmem>>, vector<1x1x16xf32>,
        %get3A_827 = vector.shape_cast %get3A_826 : vector<1x1x16xf32> to vector<16xf32>
        %add3A_828 = arith.constant 96 : i32
        %add3A_829 = arith.addi %mul3A_320, %add3A_828 : i32
        %get3A_830 = arith.constant 0 : i32
        %get3A_831 = arith.constant 1 : i32
        %get3A_832 = arith.index_cast %get3A_830 : i32 to index
        %get3A_833 = arith.index_cast %get3A_831 : i32 to index
        %get3A_834 = arith.index_cast %add3A_829 : i32 to index
        %get3A_835 = tpu.vector_load %arg6[%get3A_832, %get3A_833, %get3A_834] {strides = array<i32>} : memref<2x2x8192xi32, #tpu.memory_space<vmem>>, vector<1x1x16xi32>,
        %get3A_836 = vector.shape_cast %get3A_835 : vector<1x1x16xi32> to vector<16xi32>
        %eq3A_837 = arith.constant 0 : i32
        %eq3A_838 = vector.broadcast %eq3A_837 : i32 to vector<16xi32>
        %eq3A_839 = arith.cmpi eq, %get3A_836, %eq3A_838 : vector<16xi32>
        %sub3A_840 = arith.constant 1.000000e-01 : f32
        %sub3A_841 = vector.broadcast %sub3A_840 : f32 to vector<16xf32>
        %sub3A_842 = arith.subf %get3A_827, %sub3A_841 : vector<16xf32>
        %sub3A_843 = arith.constant 1.000000e+00 : f32
        %sub3A_844 = vector.broadcast %sub3A_843 : f32 to vector<16xf32>
        %sub3A_845 = arith.subf %sub3A_844, %get3A_827 : vector<16xf32>
        %select_n3A_846 = arith.select %eq3A_839, %sub3A_842, %sub3A_845 : vector<16xi1>, vector<16xf32>
        %max3A_847 = arith.constant 0.000000e+00 : f32
        %max3A_848 = vector.broadcast %max3A_847 : f32 to vector<16xf32>
        %max3A_849 = arith.maximumf %select_n3A_846, %max3A_848 : vector<16xf32>
        %min3A_850 = arith.constant 1.000000e+00 : f32
        %min3A_851 = vector.broadcast %min3A_850 : f32 to vector<16xf32>
        %min3A_852 = arith.minimumf %max3A_849, %min3A_851 : vector<16xf32>
        %mul3A_853 = arith.mulf %min3A_852, %min3A_852 : vector<16xf32>
        %add3A_854 = arith.addf %add3A_566, %mul3A_853 : vector<16xf32>
        %add3A_855 = arith.constant 112 : i32
        %add3A_856 = arith.addi %mul3A_320, %add3A_855 : i32
        %get3A_857 = arith.constant 0 : i32
        %get3A_858 = arith.constant 1 : i32
        %get3A_859 = arith.index_cast %get3A_857 : i32 to index
        %get3A_860 = arith.index_cast %get3A_858 : i32 to index
        %get3A_861 = arith.index_cast %add3A_856 : i32 to index
        %get3A_862 = tpu.vector_load %arg5[%get3A_859, %get3A_860, %get3A_861] {strides = array<i32>} : memref<2x2x8192xf32, #tpu.memory_space<vmem>>, vector<1x1x16xf32>,
        %get3A_863 = vector.shape_cast %get3A_862 : vector<1x1x16xf32> to vector<16xf32>
        %add3A_864 = arith.constant 112 : i32
        %add3A_865 = arith.addi %mul3A_320, %add3A_864 : i32
        %get3A_866 = arith.constant 0 : i32
        %get3A_867 = arith.constant 1 : i32
        %get3A_868 = arith.index_cast %get3A_866 : i32 to index
        %get3A_869 = arith.index_cast %get3A_867 : i32 to index
        %get3A_870 = arith.index_cast %add3A_865 : i32 to index
        %get3A_871 = tpu.vector_load %arg6[%get3A_868, %get3A_869, %get3A_870] {strides = array<i32>} : memref<2x2x8192xi32, #tpu.memory_space<vmem>>, vector<1x1x16xi32>,
        %get3A_872 = vector.shape_cast %get3A_871 : vector<1x1x16xi32> to vector<16xi32>
        %eq3A_873 = arith.constant 0 : i32
        %eq3A_874 = vector.broadcast %eq3A_873 : i32 to vector<16xi32>
        %eq3A_875 = arith.cmpi eq, %get3A_872, %eq3A_874 : vector<16xi32>
        %sub3A_876 = arith.constant 1.000000e-01 : f32
        %sub3A_877 = vector.broadcast %sub3A_876 : f32 to vector<16xf32>
        %sub3A_878 = arith.subf %get3A_863, %sub3A_877 : vector<16xf32>
        %sub3A_879 = arith.constant 1.000000e+00 : f32
        %sub3A_880 = vector.broadcast %sub3A_879 : f32 to vector<16xf32>
        %sub3A_881 = arith.subf %sub3A_880, %get3A_863 : vector<16xf32>
        %select_n3A_882 = arith.select %eq3A_875, %sub3A_878, %sub3A_881 : vector<16xi1>, vector<16xf32>
        %max3A_883 = arith.constant 0.000000e+00 : f32
        %max3A_884 = vector.broadcast %max3A_883 : f32 to vector<16xf32>
        %max3A_885 = arith.maximumf %select_n3A_882, %max3A_884 : vector<16xf32>
        %min3A_886 = arith.constant 1.000000e+00 : f32
        %min3A_887 = vector.broadcast %min3A_886 : f32 to vector<16xf32>
        %min3A_888 = arith.minimumf %max3A_885, %min3A_887 : vector<16xf32>
        %mul3A_889 = arith.mulf %min3A_888, %min3A_888 : vector<16xf32>
        %add3A_890 = arith.addf %add3A_602, %mul3A_889 : vector<16xf32>
        scf.yield %add3A_638, %add3A_674, %add3A_710, %add3A_746, %add3A_782, %add3A_818, %add3A_854, %add3A_890 : vector<16xf32>, vector<16xf32>, vector<16xf32>, vector<16xf32>, vector<16xf32>, vector<16xf32>, vector<16xf32>, vector<16xf32>
      }
      %scan3A_207 = arith.constant 64 : i32
      %add3A_208 = arith.constant 2 : i32
      %add3A_209 = arith.addi %add3A_171, %add3A_208 : i32
      %mul3A_210 = arith.constant 2 : i32
      %mul3A_211 = arith.muli %add3A_209, %mul3A_210 : i32
      %add3A_212 = arith.addi %mul3A_2, %mul3A_211 : i32
      %dma_start3A_213 = arith.constant 0 : i32
      %dma_start3A_214 = arith.constant 0 : i32
      %dma_start3A_215 = arith.constant 0 : i32
      %dma_start3A_216 = tpu.memref_slice %arg5[%dma_start3A_213, %dma_start3A_214, %dma_start3A_215] : memref<2x2x8192xf32, #tpu.memory_space<vmem>> -> memref<1x2x8192xf32, #tpu.memory_space<vmem>>
      %dma_start3A_217 = tpu.memref_squeeze %dma_start3A_216 : memref<1x2x8192xf32, #tpu.memory_space<vmem>> -> memref<2x8192xf32, #tpu.memory_space<vmem>>
      %dma_start3A_218 = arith.constant 0 : i32
      %dma_start3A_219 = tpu.memref_slice %arg2[%add3A_212, %dma_start3A_218] : memref<8192x8192xf32, #tpu.memory_space<hbm>> -> memref<2x8192xf32, #tpu.memory_space<hbm>>
      %dma_start3A_220 = arith.constant 0 : i32
      %dma_start3A_221 = arith.constant 0 : i32
      %dma_start3A_222 = tpu.memref_slice %arg5[%dma_start3A_213, %dma_start3A_220, %dma_start3A_221] : memref<2x2x8192xf32, #tpu.memory_space<vmem>> -> memref<1x2x8192xf32, #tpu.memory_space<vmem>>
      %dma_start3A_223 = tpu.memref_squeeze %dma_start3A_222 : memref<1x2x8192xf32, #tpu.memory_space<vmem>> -> memref<2x8192xf32, #tpu.memory_space<vmem>>
      %dma_start3A_224 = arith.constant 0 : i32
      %dma_start3A_225 = tpu.memref_slice %arg2[%add3A_212, %dma_start3A_224] : memref<8192x8192xf32, #tpu.memory_space<hbm>> -> memref<2x8192xf32, #tpu.memory_space<hbm>>
      tpu.enqueue_dma source(%dma_start3A_225 : memref<2x8192xf32, #tpu.memory_space<hbm>>) target(%dma_start3A_223 : memref<2x8192xf32, #tpu.memory_space<vmem>>) target_semaphore(%arg8 : memref<!tpu.dma_semaphore, #tpu.memory_space<semaphore_mem>>)
      %dma_start3A_226 = arith.constant 0 : i32
      %dma_start3A_227 = arith.constant 0 : i32
      %dma_start3A_228 = arith.constant 0 : i32
      %dma_start3A_229 = tpu.memref_slice %arg6[%dma_start3A_226, %dma_start3A_227, %dma_start3A_228] : memref<2x2x8192xi32, #tpu.memory_space<vmem>> -> memref<1x2x8192xi32, #tpu.memory_space<vmem>>
      %dma_start3A_230 = tpu.memref_squeeze %dma_start3A_229 : memref<1x2x8192xi32, #tpu.memory_space<vmem>> -> memref<2x8192xi32, #tpu.memory_space<vmem>>
      %dma_start3A_231 = arith.constant 0 : i32
      %dma_start3A_232 = tpu.memref_slice %arg3[%add3A_212, %dma_start3A_231] : memref<8192x8192xi32, #tpu.memory_space<hbm>> -> memref<2x8192xi32, #tpu.memory_space<hbm>>
      %dma_start3A_233 = arith.constant 0 : i32
      %dma_start3A_234 = arith.constant 0 : i32
      %dma_start3A_235 = tpu.memref_slice %arg6[%dma_start3A_226, %dma_start3A_233, %dma_start3A_234] : memref<2x2x8192xi32, #tpu.memory_space<vmem>> -> memref<1x2x8192xi32, #tpu.memory_space<vmem>>
      %dma_start3A_236 = tpu.memref_squeeze %dma_start3A_235 : memref<1x2x8192xi32, #tpu.memory_space<vmem>> -> memref<2x8192xi32, #tpu.memory_space<vmem>>
      %dma_start3A_237 = arith.constant 0 : i32
      %dma_start3A_238 = tpu.memref_slice %arg3[%add3A_212, %dma_start3A_237] : memref<8192x8192xi32, #tpu.memory_space<hbm>> -> memref<2x8192xi32, #tpu.memory_space<hbm>>
      tpu.enqueue_dma source(%dma_start3A_238 : memref<2x8192xi32, #tpu.memory_space<hbm>>) target(%dma_start3A_236 : memref<2x8192xi32, #tpu.memory_space<vmem>>) target_semaphore(%arg9 : memref<!tpu.dma_semaphore, #tpu.memory_space<semaphore_mem>>)
      %mul3A_239 = arith.constant 2 : i32
      %mul3A_240 = arith.muli %scan3A_159, %mul3A_239 : i32
      %add3A_241 = arith.constant 1 : i32
      %add3A_242 = arith.addi %mul3A_240, %add3A_241 : i32
      %dma_wait3A_243 = arith.constant 1 : i32
      %dma_wait3A_244 = arith.constant 0 : i32
      %dma_wait3A_245 = arith.constant 0 : i32
      %dma_wait3A_246 = tpu.memref_slice %arg5[%dma_wait3A_243, %dma_wait3A_244, %dma_wait3A_245] : memref<2x2x8192xf32, #tpu.memory_space<vmem>> -> memref<1x2x8192xf32, #tpu.memory_space<vmem>>
      %dma_wait3A_247 = tpu.memref_squeeze %dma_wait3A_246 : memref<1x2x8192xf32, #tpu.memory_space<vmem>> -> memref<2x8192xf32, #tpu.memory_space<vmem>>
      %dma_wait3A_248 = arith.constant 0 : i32
      %dma_wait3A_249 = arith.constant 0 : i32
      %dma_wait3A_250 = tpu.memref_slice %arg2[%dma_wait3A_248, %dma_wait3A_249] : memref<8192x8192xf32, #tpu.memory_space<hbm>> -> memref<2x8192xf32, #tpu.memory_space<hbm>>
      %dma_wait3A_251 = arith.constant 0 : i32
      %dma_wait3A_252 = arith.constant 0 : i32
      %dma_wait3A_253 = tpu.memref_slice %arg5[%dma_wait3A_243, %dma_wait3A_251, %dma_wait3A_252] : memref<2x2x8192xf32, #tpu.memory_space<vmem>> -> memref<1x2x8192xf32, #tpu.memory_space<vmem>>
      %dma_wait3A_254 = tpu.memref_squeeze %dma_wait3A_253 : memref<1x2x8192xf32, #tpu.memory_space<vmem>> -> memref<2x8192xf32, #tpu.memory_space<vmem>>
      %dma_wait3A_255 = arith.constant 0 : i32
      %dma_wait3A_256 = arith.constant 0 : i32
      %dma_wait3A_257 = tpu.memref_slice %arg2[%dma_wait3A_255, %dma_wait3A_256] : memref<8192x8192xf32, #tpu.memory_space<hbm>> -> memref<2x8192xf32, #tpu.memory_space<hbm>>
      tpu.wait_dma2 semaphore(%arg8 : memref<!tpu.dma_semaphore, #tpu.memory_space<semaphore_mem>>) src(%dma_wait3A_257 : memref<2x8192xf32, #tpu.memory_space<hbm>>) dst(%dma_wait3A_254 : memref<2x8192xf32, #tpu.memory_space<vmem>>)
      %dma_wait3A_258 = arith.constant 1 : i32
      %dma_wait3A_259 = arith.constant 0 : i32
      %dma_wait3A_260 = arith.constant 0 : i32
      %dma_wait3A_261 = tpu.memref_slice %arg6[%dma_wait3A_258, %dma_wait3A_259, %dma_wait3A_260] : memref<2x2x8192xi32, #tpu.memory_space<vmem>> -> memref<1x2x8192xi32, #tpu.memory_space<vmem>>
      %dma_wait3A_262 = tpu.memref_squeeze %dma_wait3A_261 : memref<1x2x8192xi32, #tpu.memory_space<vmem>> -> memref<2x8192xi32, #tpu.memory_space<vmem>>
      %dma_wait3A_263 = arith.constant 0 : i32
      %dma_wait3A_264 = arith.constant 0 : i32
      %dma_wait3A_265 = tpu.memref_slice %arg3[%dma_wait3A_263, %dma_wait3A_264] : memref<8192x8192xi32, #tpu.memory_space<hbm>> -> memref<2x8192xi32, #tpu.memory_space<hbm>>
      %dma_wait3A_266 = arith.constant 0 : i32
      %dma_wait3A_267 = arith.constant 0 : i32
      %dma_wait3A_268 = tpu.memref_slice %arg6[%dma_wait3A_258, %dma_wait3A_266, %dma_wait3A_267] : memref<2x2x8192xi32, #tpu.memory_space<vmem>> -> memref<1x2x8192xi32, #tpu.memory_space<vmem>>
      %dma_wait3A_269 = tpu.memref_squeeze %dma_wait3A_268 : memref<1x2x8192xi32, #tpu.memory_space<vmem>> -> memref<2x8192xi32, #tpu.memory_space<vmem>>
      %dma_wait3A_270 = arith.constant 0 : i32
      %dma_wait3A_271 = arith.constant 0 : i32
      %dma_wait3A_272 = tpu.memref_slice %arg3[%dma_wait3A_270, %dma_wait3A_271] : memref<8192x8192xi32, #tpu.memory_space<hbm>> -> memref<2x8192xi32, #tpu.memory_space<hbm>>
      tpu.wait_dma2 semaphore(%arg9 : memref<!tpu.dma_semaphore, #tpu.memory_space<semaphore_mem>>) src(%dma_wait3A_272 : memref<2x8192xi32, #tpu.memory_space<hbm>>) dst(%dma_wait3A_269 : memref<2x8192xi32, #tpu.memory_space<vmem>>)
      %scan3A_273 = arith.constant 0 : i32
      %scan3A_274 = arith.constant 64 : i32
      %scan3A_275 = arith.addi %scan3A_273, %scan3A_274 : i32
      %scan3A_276 = arith.constant 1 : i32
      %scan3A_277:8 = scf.for %scan3A_310 = %scan3A_273 to %scan3A_275 step %scan3A_276 iter_args(%scan3A_311 = %scan3A_206#0, %scan3A_312 = %scan3A_206#1, %scan3A_313 = %scan3A_206#2, %scan3A_314 = %scan3A_206#3, %scan3A_315 = %scan3A_206#4, %scan3A_316 = %scan3A_206#5, %scan3A_317 = %scan3A_206#6, %scan3A_318 = %scan3A_206#7) -> (vector<16xf32>, vector<16xf32>, vector<16xf32>, vector<16xf32>, vector<16xf32>, vector<16xf32>, vector<16xf32>, vector<16xf32>)  : i32 {
        %mul3A_319 = arith.constant 128 : i32
        %mul3A_320 = arith.muli %scan3A_310, %mul3A_319 : i32
        %add3A_321 = arith.constant 0 : i32
        %add3A_322 = arith.addi %mul3A_320, %add3A_321 : i32
        %get3A = arith.constant 1 : i32
        %get3A_323 = arith.constant 0 : i32
        %get3A_324 = arith.index_cast %get3A : i32 to index
        %get3A_325 = arith.index_cast %get3A_323 : i32 to index
        %get3A_326 = arith.index_cast %add3A_322 : i32 to index
        %get3A_327 = tpu.vector_load %arg5[%get3A_324, %get3A_325, %get3A_326] {strides = array<i32>} : memref<2x2x8192xf32, #tpu.memory_space<vmem>>, vector<1x1x16xf32>,
        %get3A_328 = vector.shape_cast %get3A_327 : vector<1x1x16xf32> to vector<16xf32>
        %add3A_329 = arith.constant 0 : i32
        %add3A_330 = arith.addi %mul3A_320, %add3A_329 : i32
        %get3A_331 = arith.constant 1 : i32
        %get3A_332 = arith.constant 0 : i32
        %get3A_333 = arith.index_cast %get3A_331 : i32 to index
        %get3A_334 = arith.index_cast %get3A_332 : i32 to index
        %get3A_335 = arith.index_cast %add3A_330 : i32 to index
        %get3A_336 = tpu.vector_load %arg6[%get3A_333, %get3A_334, %get3A_335] {strides = array<i32>} : memref<2x2x8192xi32, #tpu.memory_space<vmem>>, vector<1x1x16xi32>,
        %get3A_337 = vector.shape_cast %get3A_336 : vector<1x1x16xi32> to vector<16xi32>
        %eq3A = arith.constant 0 : i32
        %eq3A_338 = vector.broadcast %eq3A : i32 to vector<16xi32>
        %eq3A_339 = arith.cmpi eq, %get3A_337, %eq3A_338 : vector<16xi32>
        %sub3A = arith.constant 1.000000e-01 : f32
        %sub3A_340 = vector.broadcast %sub3A : f32 to vector<16xf32>
        %sub3A_341 = arith.subf %get3A_328, %sub3A_340 : vector<16xf32>
        %sub3A_342 = arith.constant 1.000000e+00 : f32
        %sub3A_343 = vector.broadcast %sub3A_342 : f32 to vector<16xf32>
        %sub3A_344 = arith.subf %sub3A_343, %get3A_328 : vector<16xf32>
        %select_n3A = arith.select %eq3A_339, %sub3A_341, %sub3A_344 : vector<16xi1>, vector<16xf32>
        %max3A = arith.constant 0.000000e+00 : f32
        %max3A_345 = vector.broadcast %max3A : f32 to vector<16xf32>
        %max3A_346 = arith.maximumf %select_n3A, %max3A_345 : vector<16xf32>
        %min3A = arith.constant 1.000000e+00 : f32
        %min3A_347 = vector.broadcast %min3A : f32 to vector<16xf32>
        %min3A_348 = arith.minimumf %max3A_346, %min3A_347 : vector<16xf32>
        %mul3A_349 = arith.mulf %min3A_348, %min3A_348 : vector<16xf32>
        %add3A_350 = arith.addf %scan3A_311, %mul3A_349 : vector<16xf32>
        %add3A_351 = arith.constant 16 : i32
        %add3A_352 = arith.addi %mul3A_320, %add3A_351 : i32
        %get3A_353 = arith.constant 1 : i32
        %get3A_354 = arith.constant 0 : i32
        %get3A_355 = arith.index_cast %get3A_353 : i32 to index
        %get3A_356 = arith.index_cast %get3A_354 : i32 to index
        %get3A_357 = arith.index_cast %add3A_352 : i32 to index
        %get3A_358 = tpu.vector_load %arg5[%get3A_355, %get3A_356, %get3A_357] {strides = array<i32>} : memref<2x2x8192xf32, #tpu.memory_space<vmem>>, vector<1x1x16xf32>,
        %get3A_359 = vector.shape_cast %get3A_358 : vector<1x1x16xf32> to vector<16xf32>
        %add3A_360 = arith.constant 16 : i32
        %add3A_361 = arith.addi %mul3A_320, %add3A_360 : i32
        %get3A_362 = arith.constant 1 : i32
        %get3A_363 = arith.constant 0 : i32
        %get3A_364 = arith.index_cast %get3A_362 : i32 to index
        %get3A_365 = arith.index_cast %get3A_363 : i32 to index
        %get3A_366 = arith.index_cast %add3A_361 : i32 to index
        %get3A_367 = tpu.vector_load %arg6[%get3A_364, %get3A_365, %get3A_366] {strides = array<i32>} : memref<2x2x8192xi32, #tpu.memory_space<vmem>>, vector<1x1x16xi32>,
        %get3A_368 = vector.shape_cast %get3A_367 : vector<1x1x16xi32> to vector<16xi32>
        %eq3A_369 = arith.constant 0 : i32
        %eq3A_370 = vector.broadcast %eq3A_369 : i32 to vector<16xi32>
        %eq3A_371 = arith.cmpi eq, %get3A_368, %eq3A_370 : vector<16xi32>
        %sub3A_372 = arith.constant 1.000000e-01 : f32
        %sub3A_373 = vector.broadcast %sub3A_372 : f32 to vector<16xf32>
        %sub3A_374 = arith.subf %get3A_359, %sub3A_373 : vector<16xf32>
        %sub3A_375 = arith.constant 1.000000e+00 : f32
        %sub3A_376 = vector.broadcast %sub3A_375 : f32 to vector<16xf32>
        %sub3A_377 = arith.subf %sub3A_376, %get3A_359 : vector<16xf32>
        %select_n3A_378 = arith.select %eq3A_371, %sub3A_374, %sub3A_377 : vector<16xi1>, vector<16xf32>
        %max3A_379 = arith.constant 0.000000e+00 : f32
        %max3A_380 = vector.broadcast %max3A_379 : f32 to vector<16xf32>
        %max3A_381 = arith.maximumf %select_n3A_378, %max3A_380 : vector<16xf32>
        %min3A_382 = arith.constant 1.000000e+00 : f32
        %min3A_383 = vector.broadcast %min3A_382 : f32 to vector<16xf32>
        %min3A_384 = arith.minimumf %max3A_381, %min3A_383 : vector<16xf32>
        %mul3A_385 = arith.mulf %min3A_384, %min3A_384 : vector<16xf32>
        %add3A_386 = arith.addf %scan3A_312, %mul3A_385 : vector<16xf32>
        %add3A_387 = arith.constant 32 : i32
        %add3A_388 = arith.addi %mul3A_320, %add3A_387 : i32
        %get3A_389 = arith.constant 1 : i32
        %get3A_390 = arith.constant 0 : i32
        %get3A_391 = arith.index_cast %get3A_389 : i32 to index
        %get3A_392 = arith.index_cast %get3A_390 : i32 to index
        %get3A_393 = arith.index_cast %add3A_388 : i32 to index
        %get3A_394 = tpu.vector_load %arg5[%get3A_391, %get3A_392, %get3A_393] {strides = array<i32>} : memref<2x2x8192xf32, #tpu.memory_space<vmem>>, vector<1x1x16xf32>,
        %get3A_395 = vector.shape_cast %get3A_394 : vector<1x1x16xf32> to vector<16xf32>
        %add3A_396 = arith.constant 32 : i32
        %add3A_397 = arith.addi %mul3A_320, %add3A_396 : i32
        %get3A_398 = arith.constant 1 : i32
        %get3A_399 = arith.constant 0 : i32
        %get3A_400 = arith.index_cast %get3A_398 : i32 to index
        %get3A_401 = arith.index_cast %get3A_399 : i32 to index
        %get3A_402 = arith.index_cast %add3A_397 : i32 to index
        %get3A_403 = tpu.vector_load %arg6[%get3A_400, %get3A_401, %get3A_402] {strides = array<i32>} : memref<2x2x8192xi32, #tpu.memory_space<vmem>>, vector<1x1x16xi32>,
        %get3A_404 = vector.shape_cast %get3A_403 : vector<1x1x16xi32> to vector<16xi32>
        %eq3A_405 = arith.constant 0 : i32
        %eq3A_406 = vector.broadcast %eq3A_405 : i32 to vector<16xi32>
        %eq3A_407 = arith.cmpi eq, %get3A_404, %eq3A_406 : vector<16xi32>
        %sub3A_408 = arith.constant 1.000000e-01 : f32
        %sub3A_409 = vector.broadcast %sub3A_408 : f32 to vector<16xf32>
        %sub3A_410 = arith.subf %get3A_395, %sub3A_409 : vector<16xf32>
        %sub3A_411 = arith.constant 1.000000e+00 : f32
        %sub3A_412 = vector.broadcast %sub3A_411 : f32 to vector<16xf32>
        %sub3A_413 = arith.subf %sub3A_412, %get3A_395 : vector<16xf32>
        %select_n3A_414 = arith.select %eq3A_407, %sub3A_410, %sub3A_413 : vector<16xi1>, vector<16xf32>
        %max3A_415 = arith.constant 0.000000e+00 : f32
        %max3A_416 = vector.broadcast %max3A_415 : f32 to vector<16xf32>
        %max3A_417 = arith.maximumf %select_n3A_414, %max3A_416 : vector<16xf32>
        %min3A_418 = arith.constant 1.000000e+00 : f32
        %min3A_419 = vector.broadcast %min3A_418 : f32 to vector<16xf32>
        %min3A_420 = arith.minimumf %max3A_417, %min3A_419 : vector<16xf32>
        %mul3A_421 = arith.mulf %min3A_420, %min3A_420 : vector<16xf32>
        %add3A_422 = arith.addf %scan3A_313, %mul3A_421 : vector<16xf32>
        %add3A_423 = arith.constant 48 : i32
        %add3A_424 = arith.addi %mul3A_320, %add3A_423 : i32
        %get3A_425 = arith.constant 1 : i32
        %get3A_426 = arith.constant 0 : i32
        %get3A_427 = arith.index_cast %get3A_425 : i32 to index
        %get3A_428 = arith.index_cast %get3A_426 : i32 to index
        %get3A_429 = arith.index_cast %add3A_424 : i32 to index
        %get3A_430 = tpu.vector_load %arg5[%get3A_427, %get3A_428, %get3A_429] {strides = array<i32>} : memref<2x2x8192xf32, #tpu.memory_space<vmem>>, vector<1x1x16xf32>,
        %get3A_431 = vector.shape_cast %get3A_430 : vector<1x1x16xf32> to vector<16xf32>
        %add3A_432 = arith.constant 48 : i32
        %add3A_433 = arith.addi %mul3A_320, %add3A_432 : i32
        %get3A_434 = arith.constant 1 : i32
        %get3A_435 = arith.constant 0 : i32
        %get3A_436 = arith.index_cast %get3A_434 : i32 to index
        %get3A_437 = arith.index_cast %get3A_435 : i32 to index
        %get3A_438 = arith.index_cast %add3A_433 : i32 to index
        %get3A_439 = tpu.vector_load %arg6[%get3A_436, %get3A_437, %get3A_438] {strides = array<i32>} : memref<2x2x8192xi32, #tpu.memory_space<vmem>>, vector<1x1x16xi32>,
        %get3A_440 = vector.shape_cast %get3A_439 : vector<1x1x16xi32> to vector<16xi32>
        %eq3A_441 = arith.constant 0 : i32
        %eq3A_442 = vector.broadcast %eq3A_441 : i32 to vector<16xi32>
        %eq3A_443 = arith.cmpi eq, %get3A_440, %eq3A_442 : vector<16xi32>
        %sub3A_444 = arith.constant 1.000000e-01 : f32
        %sub3A_445 = vector.broadcast %sub3A_444 : f32 to vector<16xf32>
        %sub3A_446 = arith.subf %get3A_431, %sub3A_445 : vector<16xf32>
        %sub3A_447 = arith.constant 1.000000e+00 : f32
        %sub3A_448 = vector.broadcast %sub3A_447 : f32 to vector<16xf32>
        %sub3A_449 = arith.subf %sub3A_448, %get3A_431 : vector<16xf32>
        %select_n3A_450 = arith.select %eq3A_443, %sub3A_446, %sub3A_449 : vector<16xi1>, vector<16xf32>
        %max3A_451 = arith.constant 0.000000e+00 : f32
        %max3A_452 = vector.broadcast %max3A_451 : f32 to vector<16xf32>
        %max3A_453 = arith.maximumf %select_n3A_450, %max3A_452 : vector<16xf32>
        %min3A_454 = arith.constant 1.000000e+00 : f32
        %min3A_455 = vector.broadcast %min3A_454 : f32 to vector<16xf32>
        %min3A_456 = arith.minimumf %max3A_453, %min3A_455 : vector<16xf32>
        %mul3A_457 = arith.mulf %min3A_456, %min3A_456 : vector<16xf32>
        %add3A_458 = arith.addf %scan3A_314, %mul3A_457 : vector<16xf32>
        %add3A_459 = arith.constant 64 : i32
        %add3A_460 = arith.addi %mul3A_320, %add3A_459 : i32
        %get3A_461 = arith.constant 1 : i32
        %get3A_462 = arith.constant 0 : i32
        %get3A_463 = arith.index_cast %get3A_461 : i32 to index
        %get3A_464 = arith.index_cast %get3A_462 : i32 to index
        %get3A_465 = arith.index_cast %add3A_460 : i32 to index
        %get3A_466 = tpu.vector_load %arg5[%get3A_463, %get3A_464, %get3A_465] {strides = array<i32>} : memref<2x2x8192xf32, #tpu.memory_space<vmem>>, vector<1x1x16xf32>,
        %get3A_467 = vector.shape_cast %get3A_466 : vector<1x1x16xf32> to vector<16xf32>
        %add3A_468 = arith.constant 64 : i32
        %add3A_469 = arith.addi %mul3A_320, %add3A_468 : i32
        %get3A_470 = arith.constant 1 : i32
        %get3A_471 = arith.constant 0 : i32
        %get3A_472 = arith.index_cast %get3A_470 : i32 to index
        %get3A_473 = arith.index_cast %get3A_471 : i32 to index
        %get3A_474 = arith.index_cast %add3A_469 : i32 to index
        %get3A_475 = tpu.vector_load %arg6[%get3A_472, %get3A_473, %get3A_474] {strides = array<i32>} : memref<2x2x8192xi32, #tpu.memory_space<vmem>>, vector<1x1x16xi32>,
        %get3A_476 = vector.shape_cast %get3A_475 : vector<1x1x16xi32> to vector<16xi32>
        %eq3A_477 = arith.constant 0 : i32
        %eq3A_478 = vector.broadcast %eq3A_477 : i32 to vector<16xi32>
        %eq3A_479 = arith.cmpi eq, %get3A_476, %eq3A_478 : vector<16xi32>
        %sub3A_480 = arith.constant 1.000000e-01 : f32
        %sub3A_481 = vector.broadcast %sub3A_480 : f32 to vector<16xf32>
        %sub3A_482 = arith.subf %get3A_467, %sub3A_481 : vector<16xf32>
        %sub3A_483 = arith.constant 1.000000e+00 : f32
        %sub3A_484 = vector.broadcast %sub3A_483 : f32 to vector<16xf32>
        %sub3A_485 = arith.subf %sub3A_484, %get3A_467 : vector<16xf32>
        %select_n3A_486 = arith.select %eq3A_479, %sub3A_482, %sub3A_485 : vector<16xi1>, vector<16xf32>
        %max3A_487 = arith.constant 0.000000e+00 : f32
        %max3A_488 = vector.broadcast %max3A_487 : f32 to vector<16xf32>
        %max3A_489 = arith.maximumf %select_n3A_486, %max3A_488 : vector<16xf32>
        %min3A_490 = arith.constant 1.000000e+00 : f32
        %min3A_491 = vector.broadcast %min3A_490 : f32 to vector<16xf32>
        %min3A_492 = arith.minimumf %max3A_489, %min3A_491 : vector<16xf32>
        %mul3A_493 = arith.mulf %min3A_492, %min3A_492 : vector<16xf32>
        %add3A_494 = arith.addf %scan3A_315, %mul3A_493 : vector<16xf32>
        %add3A_495 = arith.constant 80 : i32
        %add3A_496 = arith.addi %mul3A_320, %add3A_495 : i32
        %get3A_497 = arith.constant 1 : i32
        %get3A_498 = arith.constant 0 : i32
        %get3A_499 = arith.index_cast %get3A_497 : i32 to index
        %get3A_500 = arith.index_cast %get3A_498 : i32 to index
        %get3A_501 = arith.index_cast %add3A_496 : i32 to index
        %get3A_502 = tpu.vector_load %arg5[%get3A_499, %get3A_500, %get3A_501] {strides = array<i32>} : memref<2x2x8192xf32, #tpu.memory_space<vmem>>, vector<1x1x16xf32>,
        %get3A_503 = vector.shape_cast %get3A_502 : vector<1x1x16xf32> to vector<16xf32>
        %add3A_504 = arith.constant 80 : i32
        %add3A_505 = arith.addi %mul3A_320, %add3A_504 : i32
        %get3A_506 = arith.constant 1 : i32
        %get3A_507 = arith.constant 0 : i32
        %get3A_508 = arith.index_cast %get3A_506 : i32 to index
        %get3A_509 = arith.index_cast %get3A_507 : i32 to index
        %get3A_510 = arith.index_cast %add3A_505 : i32 to index
        %get3A_511 = tpu.vector_load %arg6[%get3A_508, %get3A_509, %get3A_510] {strides = array<i32>} : memref<2x2x8192xi32, #tpu.memory_space<vmem>>, vector<1x1x16xi32>,
        %get3A_512 = vector.shape_cast %get3A_511 : vector<1x1x16xi32> to vector<16xi32>
        %eq3A_513 = arith.constant 0 : i32
        %eq3A_514 = vector.broadcast %eq3A_513 : i32 to vector<16xi32>
        %eq3A_515 = arith.cmpi eq, %get3A_512, %eq3A_514 : vector<16xi32>
        %sub3A_516 = arith.constant 1.000000e-01 : f32
        %sub3A_517 = vector.broadcast %sub3A_516 : f32 to vector<16xf32>
        %sub3A_518 = arith.subf %get3A_503, %sub3A_517 : vector<16xf32>
        %sub3A_519 = arith.constant 1.000000e+00 : f32
        %sub3A_520 = vector.broadcast %sub3A_519 : f32 to vector<16xf32>
        %sub3A_521 = arith.subf %sub3A_520, %get3A_503 : vector<16xf32>
        %select_n3A_522 = arith.select %eq3A_515, %sub3A_518, %sub3A_521 : vector<16xi1>, vector<16xf32>
        %max3A_523 = arith.constant 0.000000e+00 : f32
        %max3A_524 = vector.broadcast %max3A_523 : f32 to vector<16xf32>
        %max3A_525 = arith.maximumf %select_n3A_522, %max3A_524 : vector<16xf32>
        %min3A_526 = arith.constant 1.000000e+00 : f32
        %min3A_527 = vector.broadcast %min3A_526 : f32 to vector<16xf32>
        %min3A_528 = arith.minimumf %max3A_525, %min3A_527 : vector<16xf32>
        %mul3A_529 = arith.mulf %min3A_528, %min3A_528 : vector<16xf32>
        %add3A_530 = arith.addf %scan3A_316, %mul3A_529 : vector<16xf32>
        %add3A_531 = arith.constant 96 : i32
        %add3A_532 = arith.addi %mul3A_320, %add3A_531 : i32
        %get3A_533 = arith.constant 1 : i32
        %get3A_534 = arith.constant 0 : i32
        %get3A_535 = arith.index_cast %get3A_533 : i32 to index
        %get3A_536 = arith.index_cast %get3A_534 : i32 to index
        %get3A_537 = arith.index_cast %add3A_532 : i32 to index
        %get3A_538 = tpu.vector_load %arg5[%get3A_535, %get3A_536, %get3A_537] {strides = array<i32>} : memref<2x2x8192xf32, #tpu.memory_space<vmem>>, vector<1x1x16xf32>,
        %get3A_539 = vector.shape_cast %get3A_538 : vector<1x1x16xf32> to vector<16xf32>
        %add3A_540 = arith.constant 96 : i32
        %add3A_541 = arith.addi %mul3A_320, %add3A_540 : i32
        %get3A_542 = arith.constant 1 : i32
        %get3A_543 = arith.constant 0 : i32
        %get3A_544 = arith.index_cast %get3A_542 : i32 to index
        %get3A_545 = arith.index_cast %get3A_543 : i32 to index
        %get3A_546 = arith.index_cast %add3A_541 : i32 to index
        %get3A_547 = tpu.vector_load %arg6[%get3A_544, %get3A_545, %get3A_546] {strides = array<i32>} : memref<2x2x8192xi32, #tpu.memory_space<vmem>>, vector<1x1x16xi32>,
        %get3A_548 = vector.shape_cast %get3A_547 : vector<1x1x16xi32> to vector<16xi32>
        %eq3A_549 = arith.constant 0 : i32
        %eq3A_550 = vector.broadcast %eq3A_549 : i32 to vector<16xi32>
        %eq3A_551 = arith.cmpi eq, %get3A_548, %eq3A_550 : vector<16xi32>
        %sub3A_552 = arith.constant 1.000000e-01 : f32
        %sub3A_553 = vector.broadcast %sub3A_552 : f32 to vector<16xf32>
        %sub3A_554 = arith.subf %get3A_539, %sub3A_553 : vector<16xf32>
        %sub3A_555 = arith.constant 1.000000e+00 : f32
        %sub3A_556 = vector.broadcast %sub3A_555 : f32 to vector<16xf32>
        %sub3A_557 = arith.subf %sub3A_556, %get3A_539 : vector<16xf32>
        %select_n3A_558 = arith.select %eq3A_551, %sub3A_554, %sub3A_557 : vector<16xi1>, vector<16xf32>
        %max3A_559 = arith.constant 0.000000e+00 : f32
        %max3A_560 = vector.broadcast %max3A_559 : f32 to vector<16xf32>
        %max3A_561 = arith.maximumf %select_n3A_558, %max3A_560 : vector<16xf32>
        %min3A_562 = arith.constant 1.000000e+00 : f32
        %min3A_563 = vector.broadcast %min3A_562 : f32 to vector<16xf32>
        %min3A_564 = arith.minimumf %max3A_561, %min3A_563 : vector<16xf32>
        %mul3A_565 = arith.mulf %min3A_564, %min3A_564 : vector<16xf32>
        %add3A_566 = arith.addf %scan3A_317, %mul3A_565 : vector<16xf32>
        %add3A_567 = arith.constant 112 : i32
        %add3A_568 = arith.addi %mul3A_320, %add3A_567 : i32
        %get3A_569 = arith.constant 1 : i32
        %get3A_570 = arith.constant 0 : i32
        %get3A_571 = arith.index_cast %get3A_569 : i32 to index
        %get3A_572 = arith.index_cast %get3A_570 : i32 to index
        %get3A_573 = arith.index_cast %add3A_568 : i32 to index
        %get3A_574 = tpu.vector_load %arg5[%get3A_571, %get3A_572, %get3A_573] {strides = array<i32>} : memref<2x2x8192xf32, #tpu.memory_space<vmem>>, vector<1x1x16xf32>,
        %get3A_575 = vector.shape_cast %get3A_574 : vector<1x1x16xf32> to vector<16xf32>
        %add3A_576 = arith.constant 112 : i32
        %add3A_577 = arith.addi %mul3A_320, %add3A_576 : i32
        %get3A_578 = arith.constant 1 : i32
        %get3A_579 = arith.constant 0 : i32
        %get3A_580 = arith.index_cast %get3A_578 : i32 to index
        %get3A_581 = arith.index_cast %get3A_579 : i32 to index
        %get3A_582 = arith.index_cast %add3A_577 : i32 to index
        %get3A_583 = tpu.vector_load %arg6[%get3A_580, %get3A_581, %get3A_582] {strides = array<i32>} : memref<2x2x8192xi32, #tpu.memory_space<vmem>>, vector<1x1x16xi32>,
        %get3A_584 = vector.shape_cast %get3A_583 : vector<1x1x16xi32> to vector<16xi32>
        %eq3A_585 = arith.constant 0 : i32
        %eq3A_586 = vector.broadcast %eq3A_585 : i32 to vector<16xi32>
        %eq3A_587 = arith.cmpi eq, %get3A_584, %eq3A_586 : vector<16xi32>
        %sub3A_588 = arith.constant 1.000000e-01 : f32
        %sub3A_589 = vector.broadcast %sub3A_588 : f32 to vector<16xf32>
        %sub3A_590 = arith.subf %get3A_575, %sub3A_589 : vector<16xf32>
        %sub3A_591 = arith.constant 1.000000e+00 : f32
        %sub3A_592 = vector.broadcast %sub3A_591 : f32 to vector<16xf32>
        %sub3A_593 = arith.subf %sub3A_592, %get3A_575 : vector<16xf32>
        %select_n3A_594 = arith.select %eq3A_587, %sub3A_590, %sub3A_593 : vector<16xi1>, vector<16xf32>
        %max3A_595 = arith.constant 0.000000e+00 : f32
        %max3A_596 = vector.broadcast %max3A_595 : f32 to vector<16xf32>
        %max3A_597 = arith.maximumf %select_n3A_594, %max3A_596 : vector<16xf32>
        %min3A_598 = arith.constant 1.000000e+00 : f32
        %min3A_599 = vector.broadcast %min3A_598 : f32 to vector<16xf32>
        %min3A_600 = arith.minimumf %max3A_597, %min3A_599 : vector<16xf32>
        %mul3A_601 = arith.mulf %min3A_600, %min3A_600 : vector<16xf32>
        %add3A_602 = arith.addf %scan3A_318, %mul3A_601 : vector<16xf32>
        %add3A_603 = arith.constant 0 : i32
        %add3A_604 = arith.addi %mul3A_320, %add3A_603 : i32
        %get3A_605 = arith.constant 1 : i32
        %get3A_606 = arith.constant 1 : i32
        %get3A_607 = arith.index_cast %get3A_605 : i32 to index
        %get3A_608 = arith.index_cast %get3A_606 : i32 to index
        %get3A_609 = arith.index_cast %add3A_604 : i32 to index
        %get3A_610 = tpu.vector_load %arg5[%get3A_607, %get3A_608, %get3A_609] {strides = array<i32>} : memref<2x2x8192xf32, #tpu.memory_space<vmem>>, vector<1x1x16xf32>,
        %get3A_611 = vector.shape_cast %get3A_610 : vector<1x1x16xf32> to vector<16xf32>
        %add3A_612 = arith.constant 0 : i32
        %add3A_613 = arith.addi %mul3A_320, %add3A_612 : i32
        %get3A_614 = arith.constant 1 : i32
        %get3A_615 = arith.constant 1 : i32
        %get3A_616 = arith.index_cast %get3A_614 : i32 to index
        %get3A_617 = arith.index_cast %get3A_615 : i32 to index
        %get3A_618 = arith.index_cast %add3A_613 : i32 to index
        %get3A_619 = tpu.vector_load %arg6[%get3A_616, %get3A_617, %get3A_618] {strides = array<i32>} : memref<2x2x8192xi32, #tpu.memory_space<vmem>>, vector<1x1x16xi32>,
        %get3A_620 = vector.shape_cast %get3A_619 : vector<1x1x16xi32> to vector<16xi32>
        %eq3A_621 = arith.constant 0 : i32
        %eq3A_622 = vector.broadcast %eq3A_621 : i32 to vector<16xi32>
        %eq3A_623 = arith.cmpi eq, %get3A_620, %eq3A_622 : vector<16xi32>
        %sub3A_624 = arith.constant 1.000000e-01 : f32
        %sub3A_625 = vector.broadcast %sub3A_624 : f32 to vector<16xf32>
        %sub3A_626 = arith.subf %get3A_611, %sub3A_625 : vector<16xf32>
        %sub3A_627 = arith.constant 1.000000e+00 : f32
        %sub3A_628 = vector.broadcast %sub3A_627 : f32 to vector<16xf32>
        %sub3A_629 = arith.subf %sub3A_628, %get3A_611 : vector<16xf32>
        %select_n3A_630 = arith.select %eq3A_623, %sub3A_626, %sub3A_629 : vector<16xi1>, vector<16xf32>
        %max3A_631 = arith.constant 0.000000e+00 : f32
        %max3A_632 = vector.broadcast %max3A_631 : f32 to vector<16xf32>
        %max3A_633 = arith.maximumf %select_n3A_630, %max3A_632 : vector<16xf32>
        %min3A_634 = arith.constant 1.000000e+00 : f32
        %min3A_635 = vector.broadcast %min3A_634 : f32 to vector<16xf32>
        %min3A_636 = arith.minimumf %max3A_633, %min3A_635 : vector<16xf32>
        %mul3A_637 = arith.mulf %min3A_636, %min3A_636 : vector<16xf32>
        %add3A_638 = arith.addf %add3A_350, %mul3A_637 : vector<16xf32>
        %add3A_639 = arith.constant 16 : i32
        %add3A_640 = arith.addi %mul3A_320, %add3A_639 : i32
        %get3A_641 = arith.constant 1 : i32
        %get3A_642 = arith.constant 1 : i32
        %get3A_643 = arith.index_cast %get3A_641 : i32 to index
        %get3A_644 = arith.index_cast %get3A_642 : i32 to index
        %get3A_645 = arith.index_cast %add3A_640 : i32 to index
        %get3A_646 = tpu.vector_load %arg5[%get3A_643, %get3A_644, %get3A_645] {strides = array<i32>} : memref<2x2x8192xf32, #tpu.memory_space<vmem>>, vector<1x1x16xf32>,
        %get3A_647 = vector.shape_cast %get3A_646 : vector<1x1x16xf32> to vector<16xf32>
        %add3A_648 = arith.constant 16 : i32
        %add3A_649 = arith.addi %mul3A_320, %add3A_648 : i32
        %get3A_650 = arith.constant 1 : i32
        %get3A_651 = arith.constant 1 : i32
        %get3A_652 = arith.index_cast %get3A_650 : i32 to index
        %get3A_653 = arith.index_cast %get3A_651 : i32 to index
        %get3A_654 = arith.index_cast %add3A_649 : i32 to index
        %get3A_655 = tpu.vector_load %arg6[%get3A_652, %get3A_653, %get3A_654] {strides = array<i32>} : memref<2x2x8192xi32, #tpu.memory_space<vmem>>, vector<1x1x16xi32>,
        %get3A_656 = vector.shape_cast %get3A_655 : vector<1x1x16xi32> to vector<16xi32>
        %eq3A_657 = arith.constant 0 : i32
        %eq3A_658 = vector.broadcast %eq3A_657 : i32 to vector<16xi32>
        %eq3A_659 = arith.cmpi eq, %get3A_656, %eq3A_658 : vector<16xi32>
        %sub3A_660 = arith.constant 1.000000e-01 : f32
        %sub3A_661 = vector.broadcast %sub3A_660 : f32 to vector<16xf32>
        %sub3A_662 = arith.subf %get3A_647, %sub3A_661 : vector<16xf32>
        %sub3A_663 = arith.constant 1.000000e+00 : f32
        %sub3A_664 = vector.broadcast %sub3A_663 : f32 to vector<16xf32>
        %sub3A_665 = arith.subf %sub3A_664, %get3A_647 : vector<16xf32>
        %select_n3A_666 = arith.select %eq3A_659, %sub3A_662, %sub3A_665 : vector<16xi1>, vector<16xf32>
        %max3A_667 = arith.constant 0.000000e+00 : f32
        %max3A_668 = vector.broadcast %max3A_667 : f32 to vector<16xf32>
        %max3A_669 = arith.maximumf %select_n3A_666, %max3A_668 : vector<16xf32>
        %min3A_670 = arith.constant 1.000000e+00 : f32
        %min3A_671 = vector.broadcast %min3A_670 : f32 to vector<16xf32>
        %min3A_672 = arith.minimumf %max3A_669, %min3A_671 : vector<16xf32>
        %mul3A_673 = arith.mulf %min3A_672, %min3A_672 : vector<16xf32>
        %add3A_674 = arith.addf %add3A_386, %mul3A_673 : vector<16xf32>
        %add3A_675 = arith.constant 32 : i32
        %add3A_676 = arith.addi %mul3A_320, %add3A_675 : i32
        %get3A_677 = arith.constant 1 : i32
        %get3A_678 = arith.constant 1 : i32
        %get3A_679 = arith.index_cast %get3A_677 : i32 to index
        %get3A_680 = arith.index_cast %get3A_678 : i32 to index
        %get3A_681 = arith.index_cast %add3A_676 : i32 to index
        %get3A_682 = tpu.vector_load %arg5[%get3A_679, %get3A_680, %get3A_681] {strides = array<i32>} : memref<2x2x8192xf32, #tpu.memory_space<vmem>>, vector<1x1x16xf32>,
        %get3A_683 = vector.shape_cast %get3A_682 : vector<1x1x16xf32> to vector<16xf32>
        %add3A_684 = arith.constant 32 : i32
        %add3A_685 = arith.addi %mul3A_320, %add3A_684 : i32
        %get3A_686 = arith.constant 1 : i32
        %get3A_687 = arith.constant 1 : i32
        %get3A_688 = arith.index_cast %get3A_686 : i32 to index
        %get3A_689 = arith.index_cast %get3A_687 : i32 to index
        %get3A_690 = arith.index_cast %add3A_685 : i32 to index
        %get3A_691 = tpu.vector_load %arg6[%get3A_688, %get3A_689, %get3A_690] {strides = array<i32>} : memref<2x2x8192xi32, #tpu.memory_space<vmem>>, vector<1x1x16xi32>,
        %get3A_692 = vector.shape_cast %get3A_691 : vector<1x1x16xi32> to vector<16xi32>
        %eq3A_693 = arith.constant 0 : i32
        %eq3A_694 = vector.broadcast %eq3A_693 : i32 to vector<16xi32>
        %eq3A_695 = arith.cmpi eq, %get3A_692, %eq3A_694 : vector<16xi32>
        %sub3A_696 = arith.constant 1.000000e-01 : f32
        %sub3A_697 = vector.broadcast %sub3A_696 : f32 to vector<16xf32>
        %sub3A_698 = arith.subf %get3A_683, %sub3A_697 : vector<16xf32>
        %sub3A_699 = arith.constant 1.000000e+00 : f32
        %sub3A_700 = vector.broadcast %sub3A_699 : f32 to vector<16xf32>
        %sub3A_701 = arith.subf %sub3A_700, %get3A_683 : vector<16xf32>
        %select_n3A_702 = arith.select %eq3A_695, %sub3A_698, %sub3A_701 : vector<16xi1>, vector<16xf32>
        %max3A_703 = arith.constant 0.000000e+00 : f32
        %max3A_704 = vector.broadcast %max3A_703 : f32 to vector<16xf32>
        %max3A_705 = arith.maximumf %select_n3A_702, %max3A_704 : vector<16xf32>
        %min3A_706 = arith.constant 1.000000e+00 : f32
        %min3A_707 = vector.broadcast %min3A_706 : f32 to vector<16xf32>
        %min3A_708 = arith.minimumf %max3A_705, %min3A_707 : vector<16xf32>
        %mul3A_709 = arith.mulf %min3A_708, %min3A_708 : vector<16xf32>
        %add3A_710 = arith.addf %add3A_422, %mul3A_709 : vector<16xf32>
        %add3A_711 = arith.constant 48 : i32
        %add3A_712 = arith.addi %mul3A_320, %add3A_711 : i32
        %get3A_713 = arith.constant 1 : i32
        %get3A_714 = arith.constant 1 : i32
        %get3A_715 = arith.index_cast %get3A_713 : i32 to index
        %get3A_716 = arith.index_cast %get3A_714 : i32 to index
        %get3A_717 = arith.index_cast %add3A_712 : i32 to index
        %get3A_718 = tpu.vector_load %arg5[%get3A_715, %get3A_716, %get3A_717] {strides = array<i32>} : memref<2x2x8192xf32, #tpu.memory_space<vmem>>, vector<1x1x16xf32>,
        %get3A_719 = vector.shape_cast %get3A_718 : vector<1x1x16xf32> to vector<16xf32>
        %add3A_720 = arith.constant 48 : i32
        %add3A_721 = arith.addi %mul3A_320, %add3A_720 : i32
        %get3A_722 = arith.constant 1 : i32
        %get3A_723 = arith.constant 1 : i32
        %get3A_724 = arith.index_cast %get3A_722 : i32 to index
        %get3A_725 = arith.index_cast %get3A_723 : i32 to index
        %get3A_726 = arith.index_cast %add3A_721 : i32 to index
        %get3A_727 = tpu.vector_load %arg6[%get3A_724, %get3A_725, %get3A_726] {strides = array<i32>} : memref<2x2x8192xi32, #tpu.memory_space<vmem>>, vector<1x1x16xi32>,
        %get3A_728 = vector.shape_cast %get3A_727 : vector<1x1x16xi32> to vector<16xi32>
        %eq3A_729 = arith.constant 0 : i32
        %eq3A_730 = vector.broadcast %eq3A_729 : i32 to vector<16xi32>
        %eq3A_731 = arith.cmpi eq, %get3A_728, %eq3A_730 : vector<16xi32>
        %sub3A_732 = arith.constant 1.000000e-01 : f32
        %sub3A_733 = vector.broadcast %sub3A_732 : f32 to vector<16xf32>
        %sub3A_734 = arith.subf %get3A_719, %sub3A_733 : vector<16xf32>
        %sub3A_735 = arith.constant 1.000000e+00 : f32
        %sub3A_736 = vector.broadcast %sub3A_735 : f32 to vector<16xf32>
        %sub3A_737 = arith.subf %sub3A_736, %get3A_719 : vector<16xf32>
        %select_n3A_738 = arith.select %eq3A_731, %sub3A_734, %sub3A_737 : vector<16xi1>, vector<16xf32>
        %max3A_739 = arith.constant 0.000000e+00 : f32
        %max3A_740 = vector.broadcast %max3A_739 : f32 to vector<16xf32>
        %max3A_741 = arith.maximumf %select_n3A_738, %max3A_740 : vector<16xf32>
        %min3A_742 = arith.constant 1.000000e+00 : f32
        %min3A_743 = vector.broadcast %min3A_742 : f32 to vector<16xf32>
        %min3A_744 = arith.minimumf %max3A_741, %min3A_743 : vector<16xf32>
        %mul3A_745 = arith.mulf %min3A_744, %min3A_744 : vector<16xf32>
        %add3A_746 = arith.addf %add3A_458, %mul3A_745 : vector<16xf32>
        %add3A_747 = arith.constant 64 : i32
        %add3A_748 = arith.addi %mul3A_320, %add3A_747 : i32
        %get3A_749 = arith.constant 1 : i32
        %get3A_750 = arith.constant 1 : i32
        %get3A_751 = arith.index_cast %get3A_749 : i32 to index
        %get3A_752 = arith.index_cast %get3A_750 : i32 to index
        %get3A_753 = arith.index_cast %add3A_748 : i32 to index
        %get3A_754 = tpu.vector_load %arg5[%get3A_751, %get3A_752, %get3A_753] {strides = array<i32>} : memref<2x2x8192xf32, #tpu.memory_space<vmem>>, vector<1x1x16xf32>,
        %get3A_755 = vector.shape_cast %get3A_754 : vector<1x1x16xf32> to vector<16xf32>
        %add3A_756 = arith.constant 64 : i32
        %add3A_757 = arith.addi %mul3A_320, %add3A_756 : i32
        %get3A_758 = arith.constant 1 : i32
        %get3A_759 = arith.constant 1 : i32
        %get3A_760 = arith.index_cast %get3A_758 : i32 to index
        %get3A_761 = arith.index_cast %get3A_759 : i32 to index
        %get3A_762 = arith.index_cast %add3A_757 : i32 to index
        %get3A_763 = tpu.vector_load %arg6[%get3A_760, %get3A_761, %get3A_762] {strides = array<i32>} : memref<2x2x8192xi32, #tpu.memory_space<vmem>>, vector<1x1x16xi32>,
        %get3A_764 = vector.shape_cast %get3A_763 : vector<1x1x16xi32> to vector<16xi32>
        %eq3A_765 = arith.constant 0 : i32
        %eq3A_766 = vector.broadcast %eq3A_765 : i32 to vector<16xi32>
        %eq3A_767 = arith.cmpi eq, %get3A_764, %eq3A_766 : vector<16xi32>
        %sub3A_768 = arith.constant 1.000000e-01 : f32
        %sub3A_769 = vector.broadcast %sub3A_768 : f32 to vector<16xf32>
        %sub3A_770 = arith.subf %get3A_755, %sub3A_769 : vector<16xf32>
        %sub3A_771 = arith.constant 1.000000e+00 : f32
        %sub3A_772 = vector.broadcast %sub3A_771 : f32 to vector<16xf32>
        %sub3A_773 = arith.subf %sub3A_772, %get3A_755 : vector<16xf32>
        %select_n3A_774 = arith.select %eq3A_767, %sub3A_770, %sub3A_773 : vector<16xi1>, vector<16xf32>
        %max3A_775 = arith.constant 0.000000e+00 : f32
        %max3A_776 = vector.broadcast %max3A_775 : f32 to vector<16xf32>
        %max3A_777 = arith.maximumf %select_n3A_774, %max3A_776 : vector<16xf32>
        %min3A_778 = arith.constant 1.000000e+00 : f32
        %min3A_779 = vector.broadcast %min3A_778 : f32 to vector<16xf32>
        %min3A_780 = arith.minimumf %max3A_777, %min3A_779 : vector<16xf32>
        %mul3A_781 = arith.mulf %min3A_780, %min3A_780 : vector<16xf32>
        %add3A_782 = arith.addf %add3A_494, %mul3A_781 : vector<16xf32>
        %add3A_783 = arith.constant 80 : i32
        %add3A_784 = arith.addi %mul3A_320, %add3A_783 : i32
        %get3A_785 = arith.constant 1 : i32
        %get3A_786 = arith.constant 1 : i32
        %get3A_787 = arith.index_cast %get3A_785 : i32 to index
        %get3A_788 = arith.index_cast %get3A_786 : i32 to index
        %get3A_789 = arith.index_cast %add3A_784 : i32 to index
        %get3A_790 = tpu.vector_load %arg5[%get3A_787, %get3A_788, %get3A_789] {strides = array<i32>} : memref<2x2x8192xf32, #tpu.memory_space<vmem>>, vector<1x1x16xf32>,
        %get3A_791 = vector.shape_cast %get3A_790 : vector<1x1x16xf32> to vector<16xf32>
        %add3A_792 = arith.constant 80 : i32
        %add3A_793 = arith.addi %mul3A_320, %add3A_792 : i32
        %get3A_794 = arith.constant 1 : i32
        %get3A_795 = arith.constant 1 : i32
        %get3A_796 = arith.index_cast %get3A_794 : i32 to index
        %get3A_797 = arith.index_cast %get3A_795 : i32 to index
        %get3A_798 = arith.index_cast %add3A_793 : i32 to index
        %get3A_799 = tpu.vector_load %arg6[%get3A_796, %get3A_797, %get3A_798] {strides = array<i32>} : memref<2x2x8192xi32, #tpu.memory_space<vmem>>, vector<1x1x16xi32>,
        %get3A_800 = vector.shape_cast %get3A_799 : vector<1x1x16xi32> to vector<16xi32>
        %eq3A_801 = arith.constant 0 : i32
        %eq3A_802 = vector.broadcast %eq3A_801 : i32 to vector<16xi32>
        %eq3A_803 = arith.cmpi eq, %get3A_800, %eq3A_802 : vector<16xi32>
        %sub3A_804 = arith.constant 1.000000e-01 : f32
        %sub3A_805 = vector.broadcast %sub3A_804 : f32 to vector<16xf32>
        %sub3A_806 = arith.subf %get3A_791, %sub3A_805 : vector<16xf32>
        %sub3A_807 = arith.constant 1.000000e+00 : f32
        %sub3A_808 = vector.broadcast %sub3A_807 : f32 to vector<16xf32>
        %sub3A_809 = arith.subf %sub3A_808, %get3A_791 : vector<16xf32>
        %select_n3A_810 = arith.select %eq3A_803, %sub3A_806, %sub3A_809 : vector<16xi1>, vector<16xf32>
        %max3A_811 = arith.constant 0.000000e+00 : f32
        %max3A_812 = vector.broadcast %max3A_811 : f32 to vector<16xf32>
        %max3A_813 = arith.maximumf %select_n3A_810, %max3A_812 : vector<16xf32>
        %min3A_814 = arith.constant 1.000000e+00 : f32
        %min3A_815 = vector.broadcast %min3A_814 : f32 to vector<16xf32>
        %min3A_816 = arith.minimumf %max3A_813, %min3A_815 : vector<16xf32>
        %mul3A_817 = arith.mulf %min3A_816, %min3A_816 : vector<16xf32>
        %add3A_818 = arith.addf %add3A_530, %mul3A_817 : vector<16xf32>
        %add3A_819 = arith.constant 96 : i32
        %add3A_820 = arith.addi %mul3A_320, %add3A_819 : i32
        %get3A_821 = arith.constant 1 : i32
        %get3A_822 = arith.constant 1 : i32
        %get3A_823 = arith.index_cast %get3A_821 : i32 to index
        %get3A_824 = arith.index_cast %get3A_822 : i32 to index
        %get3A_825 = arith.index_cast %add3A_820 : i32 to index
        %get3A_826 = tpu.vector_load %arg5[%get3A_823, %get3A_824, %get3A_825] {strides = array<i32>} : memref<2x2x8192xf32, #tpu.memory_space<vmem>>, vector<1x1x16xf32>,
        %get3A_827 = vector.shape_cast %get3A_826 : vector<1x1x16xf32> to vector<16xf32>
        %add3A_828 = arith.constant 96 : i32
        %add3A_829 = arith.addi %mul3A_320, %add3A_828 : i32
        %get3A_830 = arith.constant 1 : i32
        %get3A_831 = arith.constant 1 : i32
        %get3A_832 = arith.index_cast %get3A_830 : i32 to index
        %get3A_833 = arith.index_cast %get3A_831 : i32 to index
        %get3A_834 = arith.index_cast %add3A_829 : i32 to index
        %get3A_835 = tpu.vector_load %arg6[%get3A_832, %get3A_833, %get3A_834] {strides = array<i32>} : memref<2x2x8192xi32, #tpu.memory_space<vmem>>, vector<1x1x16xi32>,
        %get3A_836 = vector.shape_cast %get3A_835 : vector<1x1x16xi32> to vector<16xi32>
        %eq3A_837 = arith.constant 0 : i32
        %eq3A_838 = vector.broadcast %eq3A_837 : i32 to vector<16xi32>
        %eq3A_839 = arith.cmpi eq, %get3A_836, %eq3A_838 : vector<16xi32>
        %sub3A_840 = arith.constant 1.000000e-01 : f32
        %sub3A_841 = vector.broadcast %sub3A_840 : f32 to vector<16xf32>
        %sub3A_842 = arith.subf %get3A_827, %sub3A_841 : vector<16xf32>
        %sub3A_843 = arith.constant 1.000000e+00 : f32
        %sub3A_844 = vector.broadcast %sub3A_843 : f32 to vector<16xf32>
        %sub3A_845 = arith.subf %sub3A_844, %get3A_827 : vector<16xf32>
        %select_n3A_846 = arith.select %eq3A_839, %sub3A_842, %sub3A_845 : vector<16xi1>, vector<16xf32>
        %max3A_847 = arith.constant 0.000000e+00 : f32
        %max3A_848 = vector.broadcast %max3A_847 : f32 to vector<16xf32>
        %max3A_849 = arith.maximumf %select_n3A_846, %max3A_848 : vector<16xf32>
        %min3A_850 = arith.constant 1.000000e+00 : f32
        %min3A_851 = vector.broadcast %min3A_850 : f32 to vector<16xf32>
        %min3A_852 = arith.minimumf %max3A_849, %min3A_851 : vector<16xf32>
        %mul3A_853 = arith.mulf %min3A_852, %min3A_852 : vector<16xf32>
        %add3A_854 = arith.addf %add3A_566, %mul3A_853 : vector<16xf32>
        %add3A_855 = arith.constant 112 : i32
        %add3A_856 = arith.addi %mul3A_320, %add3A_855 : i32
        %get3A_857 = arith.constant 1 : i32
        %get3A_858 = arith.constant 1 : i32
        %get3A_859 = arith.index_cast %get3A_857 : i32 to index
        %get3A_860 = arith.index_cast %get3A_858 : i32 to index
        %get3A_861 = arith.index_cast %add3A_856 : i32 to index
        %get3A_862 = tpu.vector_load %arg5[%get3A_859, %get3A_860, %get3A_861] {strides = array<i32>} : memref<2x2x8192xf32, #tpu.memory_space<vmem>>, vector<1x1x16xf32>,
        %get3A_863 = vector.shape_cast %get3A_862 : vector<1x1x16xf32> to vector<16xf32>
        %add3A_864 = arith.constant 112 : i32
        %add3A_865 = arith.addi %mul3A_320, %add3A_864 : i32
        %get3A_866 = arith.constant 1 : i32
        %get3A_867 = arith.constant 1 : i32
        %get3A_868 = arith.index_cast %get3A_866 : i32 to index
        %get3A_869 = arith.index_cast %get3A_867 : i32 to index
        %get3A_870 = arith.index_cast %add3A_865 : i32 to index
        %get3A_871 = tpu.vector_load %arg6[%get3A_868, %get3A_869, %get3A_870] {strides = array<i32>} : memref<2x2x8192xi32, #tpu.memory_space<vmem>>, vector<1x1x16xi32>,
        %get3A_872 = vector.shape_cast %get3A_871 : vector<1x1x16xi32> to vector<16xi32>
        %eq3A_873 = arith.constant 0 : i32
        %eq3A_874 = vector.broadcast %eq3A_873 : i32 to vector<16xi32>
        %eq3A_875 = arith.cmpi eq, %get3A_872, %eq3A_874 : vector<16xi32>
        %sub3A_876 = arith.constant 1.000000e-01 : f32
        %sub3A_877 = vector.broadcast %sub3A_876 : f32 to vector<16xf32>
        %sub3A_878 = arith.subf %get3A_863, %sub3A_877 : vector<16xf32>
        %sub3A_879 = arith.constant 1.000000e+00 : f32
        %sub3A_880 = vector.broadcast %sub3A_879 : f32 to vector<16xf32>
        %sub3A_881 = arith.subf %sub3A_880, %get3A_863 : vector<16xf32>
        %select_n3A_882 = arith.select %eq3A_875, %sub3A_878, %sub3A_881 : vector<16xi1>, vector<16xf32>
        %max3A_883 = arith.constant 0.000000e+00 : f32
        %max3A_884 = vector.broadcast %max3A_883 : f32 to vector<16xf32>
        %max3A_885 = arith.maximumf %select_n3A_882, %max3A_884 : vector<16xf32>
        %min3A_886 = arith.constant 1.000000e+00 : f32
        %min3A_887 = vector.broadcast %min3A_886 : f32 to vector<16xf32>
        %min3A_888 = arith.minimumf %max3A_885, %min3A_887 : vector<16xf32>
        %mul3A_889 = arith.mulf %min3A_888, %min3A_888 : vector<16xf32>
        %add3A_890 = arith.addf %add3A_602, %mul3A_889 : vector<16xf32>
        scf.yield %add3A_638, %add3A_674, %add3A_710, %add3A_746, %add3A_782, %add3A_818, %add3A_854, %add3A_890 : vector<16xf32>, vector<16xf32>, vector<16xf32>, vector<16xf32>, vector<16xf32>, vector<16xf32>, vector<16xf32>, vector<16xf32>
      }
      %scan3A_278 = arith.constant 64 : i32
      %add3A_279 = arith.constant 2 : i32
      %add3A_280 = arith.addi %add3A_242, %add3A_279 : i32
      %mul3A_281 = arith.constant 2 : i32
      %mul3A_282 = arith.muli %add3A_280, %mul3A_281 : i32
      %add3A_283 = arith.addi %mul3A_2, %mul3A_282 : i32
      %dma_start3A_284 = arith.constant 1 : i32
      %dma_start3A_285 = arith.constant 0 : i32
      %dma_start3A_286 = arith.constant 0 : i32
      %dma_start3A_287 = tpu.memref_slice %arg5[%dma_start3A_284, %dma_start3A_285, %dma_start3A_286] : memref<2x2x8192xf32, #tpu.memory_space<vmem>> -> memref<1x2x8192xf32, #tpu.memory_space<vmem>>
      %dma_start3A_288 = tpu.memref_squeeze %dma_start3A_287 : memref<1x2x8192xf32, #tpu.memory_space<vmem>> -> memref<2x8192xf32, #tpu.memory_space<vmem>>
      %dma_start3A_289 = arith.constant 0 : i32
      %dma_start3A_290 = tpu.memref_slice %arg2[%add3A_283, %dma_start3A_289] : memref<8192x8192xf32, #tpu.memory_space<hbm>> -> memref<2x8192xf32, #tpu.memory_space<hbm>>
      %dma_start3A_291 = arith.constant 0 : i32
      %dma_start3A_292 = arith.constant 0 : i32
      %dma_start3A_293 = tpu.memref_slice %arg5[%dma_start3A_284, %dma_start3A_291, %dma_start3A_292] : memref<2x2x8192xf32, #tpu.memory_space<vmem>> -> memref<1x2x8192xf32, #tpu.memory_space<vmem>>
      %dma_start3A_294 = tpu.memref_squeeze %dma_start3A_293 : memref<1x2x8192xf32, #tpu.memory_space<vmem>> -> memref<2x8192xf32, #tpu.memory_space<vmem>>
      %dma_start3A_295 = arith.constant 0 : i32
      %dma_start3A_296 = tpu.memref_slice %arg2[%add3A_283, %dma_start3A_295] : memref<8192x8192xf32, #tpu.memory_space<hbm>> -> memref<2x8192xf32, #tpu.memory_space<hbm>>
      tpu.enqueue_dma source(%dma_start3A_296 : memref<2x8192xf32, #tpu.memory_space<hbm>>) target(%dma_start3A_294 : memref<2x8192xf32, #tpu.memory_space<vmem>>) target_semaphore(%arg8 : memref<!tpu.dma_semaphore, #tpu.memory_space<semaphore_mem>>)
      %dma_start3A_297 = arith.constant 1 : i32
      %dma_start3A_298 = arith.constant 0 : i32
      %dma_start3A_299 = arith.constant 0 : i32
      %dma_start3A_300 = tpu.memref_slice %arg6[%dma_start3A_297, %dma_start3A_298, %dma_start3A_299] : memref<2x2x8192xi32, #tpu.memory_space<vmem>> -> memref<1x2x8192xi32, #tpu.memory_space<vmem>>
      %dma_start3A_301 = tpu.memref_squeeze %dma_start3A_300 : memref<1x2x8192xi32, #tpu.memory_space<vmem>> -> memref<2x8192xi32, #tpu.memory_space<vmem>>
      %dma_start3A_302 = arith.constant 0 : i32
      %dma_start3A_303 = tpu.memref_slice %arg3[%add3A_283, %dma_start3A_302] : memref<8192x8192xi32, #tpu.memory_space<hbm>> -> memref<2x8192xi32, #tpu.memory_space<hbm>>
      %dma_start3A_304 = arith.constant 0 : i32
      %dma_start3A_305 = arith.constant 0 : i32
      %dma_start3A_306 = tpu.memref_slice %arg6[%dma_start3A_297, %dma_start3A_304, %dma_start3A_305] : memref<2x2x8192xi32, #tpu.memory_space<vmem>> -> memref<1x2x8192xi32, #tpu.memory_space<vmem>>
      %dma_start3A_307 = tpu.memref_squeeze %dma_start3A_306 : memref<1x2x8192xi32, #tpu.memory_space<vmem>> -> memref<2x8192xi32, #tpu.memory_space<vmem>>
      %dma_start3A_308 = arith.constant 0 : i32
      %dma_start3A_309 = tpu.memref_slice %arg3[%add3A_283, %dma_start3A_308] : memref<8192x8192xi32, #tpu.memory_space<hbm>> -> memref<2x8192xi32, #tpu.memory_space<hbm>>
      tpu.enqueue_dma source(%dma_start3A_309 : memref<2x8192xi32, #tpu.memory_space<hbm>>) target(%dma_start3A_307 : memref<2x8192xi32, #tpu.memory_space<vmem>>) target_semaphore(%arg9 : memref<!tpu.dma_semaphore, #tpu.memory_space<semaphore_mem>>)
      scf.yield %scan3A_277#0, %scan3A_277#1, %scan3A_277#2, %scan3A_277#3, %scan3A_277#4, %scan3A_277#5, %scan3A_277#6, %scan3A_277#7 : vector<16xf32>, vector<16xf32>, vector<16xf32>, vector<16xf32>, vector<16xf32>, vector<16xf32>, vector<16xf32>, vector<16xf32>
    }
    %scan3A_77 = arith.constant 3 : i32
    %dma_wait3A = arith.constant 0 : i32
    %dma_wait3A_78 = arith.constant 0 : i32
    %dma_wait3A_79 = arith.constant 0 : i32
    %dma_wait3A_80 = tpu.memref_slice %arg5[%dma_wait3A, %dma_wait3A_78, %dma_wait3A_79] : memref<2x2x8192xf32, #tpu.memory_space<vmem>> -> memref<1x2x8192xf32, #tpu.memory_space<vmem>>
    %dma_wait3A_81 = tpu.memref_squeeze %dma_wait3A_80 : memref<1x2x8192xf32, #tpu.memory_space<vmem>> -> memref<2x8192xf32, #tpu.memory_space<vmem>>
    %dma_wait3A_82 = arith.constant 0 : i32
    %dma_wait3A_83 = arith.constant 0 : i32
    %dma_wait3A_84 = tpu.memref_slice %arg2[%dma_wait3A_82, %dma_wait3A_83] : memref<8192x8192xf32, #tpu.memory_space<hbm>> -> memref<2x8192xf32, #tpu.memory_space<hbm>>
    %dma_wait3A_85 = arith.constant 0 : i32
    %dma_wait3A_86 = arith.constant 0 : i32
    %dma_wait3A_87 = tpu.memref_slice %arg5[%dma_wait3A, %dma_wait3A_85, %dma_wait3A_86] : memref<2x2x8192xf32, #tpu.memory_space<vmem>> -> memref<1x2x8192xf32, #tpu.memory_space<vmem>>
    %dma_wait3A_88 = tpu.memref_squeeze %dma_wait3A_87 : memref<1x2x8192xf32, #tpu.memory_space<vmem>> -> memref<2x8192xf32, #tpu.memory_space<vmem>>
    %dma_wait3A_89 = arith.constant 0 : i32
    %dma_wait3A_90 = arith.constant 0 : i32
    %dma_wait3A_91 = tpu.memref_slice %arg2[%dma_wait3A_89, %dma_wait3A_90] : memref<8192x8192xf32, #tpu.memory_space<hbm>> -> memref<2x8192xf32, #tpu.memory_space<hbm>>
    tpu.wait_dma2 semaphore(%arg8 : memref<!tpu.dma_semaphore, #tpu.memory_space<semaphore_mem>>) src(%dma_wait3A_91 : memref<2x8192xf32, #tpu.memory_space<hbm>>) dst(%dma_wait3A_88 : memref<2x8192xf32, #tpu.memory_space<vmem>>)
    %dma_wait3A_92 = arith.constant 0 : i32
    %dma_wait3A_93 = arith.constant 0 : i32
    %dma_wait3A_94 = arith.constant 0 : i32
    %dma_wait3A_95 = tpu.memref_slice %arg6[%dma_wait3A_92, %dma_wait3A_93, %dma_wait3A_94] : memref<2x2x8192xi32, #tpu.memory_space<vmem>> -> memref<1x2x8192xi32, #tpu.memory_space<vmem>>
    %dma_wait3A_96 = tpu.memref_squeeze %dma_wait3A_95 : memref<1x2x8192xi32, #tpu.memory_space<vmem>> -> memref<2x8192xi32, #tpu.memory_space<vmem>>
    %dma_wait3A_97 = arith.constant 0 : i32
    %dma_wait3A_98 = arith.constant 0 : i32
    %dma_wait3A_99 = tpu.memref_slice %arg3[%dma_wait3A_97, %dma_wait3A_98] : memref<8192x8192xi32, #tpu.memory_space<hbm>> -> memref<2x8192xi32, #tpu.memory_space<hbm>>
    %dma_wait3A_100 = arith.constant 0 : i32
    %dma_wait3A_101 = arith.constant 0 : i32
    %dma_wait3A_102 = tpu.memref_slice %arg6[%dma_wait3A_92, %dma_wait3A_100, %dma_wait3A_101] : memref<2x2x8192xi32, #tpu.memory_space<vmem>> -> memref<1x2x8192xi32, #tpu.memory_space<vmem>>
    %dma_wait3A_103 = tpu.memref_squeeze %dma_wait3A_102 : memref<1x2x8192xi32, #tpu.memory_space<vmem>> -> memref<2x8192xi32, #tpu.memory_space<vmem>>
    %dma_wait3A_104 = arith.constant 0 : i32
    %dma_wait3A_105 = arith.constant 0 : i32
    %dma_wait3A_106 = tpu.memref_slice %arg3[%dma_wait3A_104, %dma_wait3A_105] : memref<8192x8192xi32, #tpu.memory_space<hbm>> -> memref<2x8192xi32, #tpu.memory_space<hbm>>
    tpu.wait_dma2 semaphore(%arg9 : memref<!tpu.dma_semaphore, #tpu.memory_space<semaphore_mem>>) src(%dma_wait3A_106 : memref<2x8192xi32, #tpu.memory_space<hbm>>) dst(%dma_wait3A_103 : memref<2x8192xi32, #tpu.memory_space<vmem>>)
    %scan3A_107 = arith.constant 0 : i32
    %scan3A_108 = arith.constant 64 : i32
    %scan3A_109 = arith.addi %scan3A_107, %scan3A_108 : i32
    %scan3A_110 = arith.constant 1 : i32
    %scan3A_111:8 = scf.for %scan3A_159 = %scan3A_107 to %scan3A_109 step %scan3A_110 iter_args(%scan3A_160 = %scan3A_76#0, %scan3A_161 = %scan3A_76#1, %scan3A_162 = %scan3A_76#2, %scan3A_163 = %scan3A_76#3, %scan3A_164 = %scan3A_76#4, %scan3A_165 = %scan3A_76#5, %scan3A_166 = %scan3A_76#6, %scan3A_167 = %scan3A_76#7) -> (vector<16xf32>, vector<16xf32>, vector<16xf32>, vector<16xf32>, vector<16xf32>, vector<16xf32>, vector<16xf32>, vector<16xf32>)  : i32 {
      %mul3A_168 = arith.constant 128 : i32
      %mul3A_169 = arith.muli %scan3A_159, %mul3A_168 : i32
      %add3A_170 = arith.constant 0 : i32
      %add3A_171 = arith.addi %mul3A_169, %add3A_170 : i32
      %get3A = arith.constant 0 : i32
      %get3A_172 = arith.constant 0 : i32
      %get3A_173 = arith.index_cast %get3A : i32 to index
      %get3A_174 = arith.index_cast %get3A_172 : i32 to index
      %get3A_175 = arith.index_cast %add3A_171 : i32 to index
      %get3A_176 = tpu.vector_load %arg5[%get3A_173, %get3A_174, %get3A_175] {strides = array<i32>} : memref<2x2x8192xf32, #tpu.memory_space<vmem>>, vector<1x1x16xf32>,
      %get3A_177 = vector.shape_cast %get3A_176 : vector<1x1x16xf32> to vector<16xf32>
      %add3A_178 = arith.constant 0 : i32
      %add3A_179 = arith.addi %mul3A_169, %add3A_178 : i32
      %get3A_180 = arith.constant 0 : i32
      %get3A_181 = arith.constant 0 : i32
      %get3A_182 = arith.index_cast %get3A_180 : i32 to index
      %get3A_183 = arith.index_cast %get3A_181 : i32 to index
      %get3A_184 = arith.index_cast %add3A_179 : i32 to index
      %get3A_185 = tpu.vector_load %arg6[%get3A_182, %get3A_183, %get3A_184] {strides = array<i32>} : memref<2x2x8192xi32, #tpu.memory_space<vmem>>, vector<1x1x16xi32>,
      %get3A_186 = vector.shape_cast %get3A_185 : vector<1x1x16xi32> to vector<16xi32>
      %eq3A = arith.constant 0 : i32
      %eq3A_187 = vector.broadcast %eq3A : i32 to vector<16xi32>
      %eq3A_188 = arith.cmpi eq, %get3A_186, %eq3A_187 : vector<16xi32>
      %sub3A = arith.constant 1.000000e-01 : f32
      %sub3A_189 = vector.broadcast %sub3A : f32 to vector<16xf32>
      %sub3A_190 = arith.subf %get3A_177, %sub3A_189 : vector<16xf32>
      %sub3A_191 = arith.constant 1.000000e+00 : f32
      %sub3A_192 = vector.broadcast %sub3A_191 : f32 to vector<16xf32>
      %sub3A_193 = arith.subf %sub3A_192, %get3A_177 : vector<16xf32>
      %select_n3A = arith.select %eq3A_188, %sub3A_190, %sub3A_193 : vector<16xi1>, vector<16xf32>
      %max3A = arith.constant 0.000000e+00 : f32
      %max3A_194 = vector.broadcast %max3A : f32 to vector<16xf32>
      %max3A_195 = arith.maximumf %select_n3A, %max3A_194 : vector<16xf32>
      %min3A = arith.constant 1.000000e+00 : f32
      %min3A_196 = vector.broadcast %min3A : f32 to vector<16xf32>
      %min3A_197 = arith.minimumf %max3A_195, %min3A_196 : vector<16xf32>
      %mul3A_198 = arith.mulf %min3A_197, %min3A_197 : vector<16xf32>
      %add3A_199 = arith.addf %scan3A_160, %mul3A_198 : vector<16xf32>
      %add3A_200 = arith.constant 16 : i32
      %add3A_201 = arith.addi %mul3A_169, %add3A_200 : i32
      %get3A_202 = arith.constant 0 : i32
      %get3A_203 = arith.constant 0 : i32
      %get3A_204 = arith.index_cast %get3A_202 : i32 to index
      %get3A_205 = arith.index_cast %get3A_203 : i32 to index
      %get3A_206 = arith.index_cast %add3A_201 : i32 to index
      %get3A_207 = tpu.vector_load %arg5[%get3A_204, %get3A_205, %get3A_206] {strides = array<i32>} : memref<2x2x8192xf32, #tpu.memory_space<vmem>>, vector<1x1x16xf32>,
      %get3A_208 = vector.shape_cast %get3A_207 : vector<1x1x16xf32> to vector<16xf32>
      %add3A_209 = arith.constant 16 : i32
      %add3A_210 = arith.addi %mul3A_169, %add3A_209 : i32
      %get3A_211 = arith.constant 0 : i32
      %get3A_212 = arith.constant 0 : i32
      %get3A_213 = arith.index_cast %get3A_211 : i32 to index
      %get3A_214 = arith.index_cast %get3A_212 : i32 to index
      %get3A_215 = arith.index_cast %add3A_210 : i32 to index
      %get3A_216 = tpu.vector_load %arg6[%get3A_213, %get3A_214, %get3A_215] {strides = array<i32>} : memref<2x2x8192xi32, #tpu.memory_space<vmem>>, vector<1x1x16xi32>,
      %get3A_217 = vector.shape_cast %get3A_216 : vector<1x1x16xi32> to vector<16xi32>
      %eq3A_218 = arith.constant 0 : i32
      %eq3A_219 = vector.broadcast %eq3A_218 : i32 to vector<16xi32>
      %eq3A_220 = arith.cmpi eq, %get3A_217, %eq3A_219 : vector<16xi32>
      %sub3A_221 = arith.constant 1.000000e-01 : f32
      %sub3A_222 = vector.broadcast %sub3A_221 : f32 to vector<16xf32>
      %sub3A_223 = arith.subf %get3A_208, %sub3A_222 : vector<16xf32>
      %sub3A_224 = arith.constant 1.000000e+00 : f32
      %sub3A_225 = vector.broadcast %sub3A_224 : f32 to vector<16xf32>
      %sub3A_226 = arith.subf %sub3A_225, %get3A_208 : vector<16xf32>
      %select_n3A_227 = arith.select %eq3A_220, %sub3A_223, %sub3A_226 : vector<16xi1>, vector<16xf32>
      %max3A_228 = arith.constant 0.000000e+00 : f32
      %max3A_229 = vector.broadcast %max3A_228 : f32 to vector<16xf32>
      %max3A_230 = arith.maximumf %select_n3A_227, %max3A_229 : vector<16xf32>
      %min3A_231 = arith.constant 1.000000e+00 : f32
      %min3A_232 = vector.broadcast %min3A_231 : f32 to vector<16xf32>
      %min3A_233 = arith.minimumf %max3A_230, %min3A_232 : vector<16xf32>
      %mul3A_234 = arith.mulf %min3A_233, %min3A_233 : vector<16xf32>
      %add3A_235 = arith.addf %scan3A_161, %mul3A_234 : vector<16xf32>
      %add3A_236 = arith.constant 32 : i32
      %add3A_237 = arith.addi %mul3A_169, %add3A_236 : i32
      %get3A_238 = arith.constant 0 : i32
      %get3A_239 = arith.constant 0 : i32
      %get3A_240 = arith.index_cast %get3A_238 : i32 to index
      %get3A_241 = arith.index_cast %get3A_239 : i32 to index
      %get3A_242 = arith.index_cast %add3A_237 : i32 to index
      %get3A_243 = tpu.vector_load %arg5[%get3A_240, %get3A_241, %get3A_242] {strides = array<i32>} : memref<2x2x8192xf32, #tpu.memory_space<vmem>>, vector<1x1x16xf32>,
      %get3A_244 = vector.shape_cast %get3A_243 : vector<1x1x16xf32> to vector<16xf32>
      %add3A_245 = arith.constant 32 : i32
      %add3A_246 = arith.addi %mul3A_169, %add3A_245 : i32
      %get3A_247 = arith.constant 0 : i32
      %get3A_248 = arith.constant 0 : i32
      %get3A_249 = arith.index_cast %get3A_247 : i32 to index
      %get3A_250 = arith.index_cast %get3A_248 : i32 to index
      %get3A_251 = arith.index_cast %add3A_246 : i32 to index
      %get3A_252 = tpu.vector_load %arg6[%get3A_249, %get3A_250, %get3A_251] {strides = array<i32>} : memref<2x2x8192xi32, #tpu.memory_space<vmem>>, vector<1x1x16xi32>,
      %get3A_253 = vector.shape_cast %get3A_252 : vector<1x1x16xi32> to vector<16xi32>
      %eq3A_254 = arith.constant 0 : i32
      %eq3A_255 = vector.broadcast %eq3A_254 : i32 to vector<16xi32>
      %eq3A_256 = arith.cmpi eq, %get3A_253, %eq3A_255 : vector<16xi32>
      %sub3A_257 = arith.constant 1.000000e-01 : f32
      %sub3A_258 = vector.broadcast %sub3A_257 : f32 to vector<16xf32>
      %sub3A_259 = arith.subf %get3A_244, %sub3A_258 : vector<16xf32>
      %sub3A_260 = arith.constant 1.000000e+00 : f32
      %sub3A_261 = vector.broadcast %sub3A_260 : f32 to vector<16xf32>
      %sub3A_262 = arith.subf %sub3A_261, %get3A_244 : vector<16xf32>
      %select_n3A_263 = arith.select %eq3A_256, %sub3A_259, %sub3A_262 : vector<16xi1>, vector<16xf32>
      %max3A_264 = arith.constant 0.000000e+00 : f32
      %max3A_265 = vector.broadcast %max3A_264 : f32 to vector<16xf32>
      %max3A_266 = arith.maximumf %select_n3A_263, %max3A_265 : vector<16xf32>
      %min3A_267 = arith.constant 1.000000e+00 : f32
      %min3A_268 = vector.broadcast %min3A_267 : f32 to vector<16xf32>
      %min3A_269 = arith.minimumf %max3A_266, %min3A_268 : vector<16xf32>
      %mul3A_270 = arith.mulf %min3A_269, %min3A_269 : vector<16xf32>
      %add3A_271 = arith.addf %scan3A_162, %mul3A_270 : vector<16xf32>
      %add3A_272 = arith.constant 48 : i32
      %add3A_273 = arith.addi %mul3A_169, %add3A_272 : i32
      %get3A_274 = arith.constant 0 : i32
      %get3A_275 = arith.constant 0 : i32
      %get3A_276 = arith.index_cast %get3A_274 : i32 to index
      %get3A_277 = arith.index_cast %get3A_275 : i32 to index
      %get3A_278 = arith.index_cast %add3A_273 : i32 to index
      %get3A_279 = tpu.vector_load %arg5[%get3A_276, %get3A_277, %get3A_278] {strides = array<i32>} : memref<2x2x8192xf32, #tpu.memory_space<vmem>>, vector<1x1x16xf32>,
      %get3A_280 = vector.shape_cast %get3A_279 : vector<1x1x16xf32> to vector<16xf32>
      %add3A_281 = arith.constant 48 : i32
      %add3A_282 = arith.addi %mul3A_169, %add3A_281 : i32
      %get3A_283 = arith.constant 0 : i32
      %get3A_284 = arith.constant 0 : i32
      %get3A_285 = arith.index_cast %get3A_283 : i32 to index
      %get3A_286 = arith.index_cast %get3A_284 : i32 to index
      %get3A_287 = arith.index_cast %add3A_282 : i32 to index
      %get3A_288 = tpu.vector_load %arg6[%get3A_285, %get3A_286, %get3A_287] {strides = array<i32>} : memref<2x2x8192xi32, #tpu.memory_space<vmem>>, vector<1x1x16xi32>,
      %get3A_289 = vector.shape_cast %get3A_288 : vector<1x1x16xi32> to vector<16xi32>
      %eq3A_290 = arith.constant 0 : i32
      %eq3A_291 = vector.broadcast %eq3A_290 : i32 to vector<16xi32>
      %eq3A_292 = arith.cmpi eq, %get3A_289, %eq3A_291 : vector<16xi32>
      %sub3A_293 = arith.constant 1.000000e-01 : f32
      %sub3A_294 = vector.broadcast %sub3A_293 : f32 to vector<16xf32>
      %sub3A_295 = arith.subf %get3A_280, %sub3A_294 : vector<16xf32>
      %sub3A_296 = arith.constant 1.000000e+00 : f32
      %sub3A_297 = vector.broadcast %sub3A_296 : f32 to vector<16xf32>
      %sub3A_298 = arith.subf %sub3A_297, %get3A_280 : vector<16xf32>
      %select_n3A_299 = arith.select %eq3A_292, %sub3A_295, %sub3A_298 : vector<16xi1>, vector<16xf32>
      %max3A_300 = arith.constant 0.000000e+00 : f32
      %max3A_301 = vector.broadcast %max3A_300 : f32 to vector<16xf32>
      %max3A_302 = arith.maximumf %select_n3A_299, %max3A_301 : vector<16xf32>
      %min3A_303 = arith.constant 1.000000e+00 : f32
      %min3A_304 = vector.broadcast %min3A_303 : f32 to vector<16xf32>
      %min3A_305 = arith.minimumf %max3A_302, %min3A_304 : vector<16xf32>
      %mul3A_306 = arith.mulf %min3A_305, %min3A_305 : vector<16xf32>
      %add3A_307 = arith.addf %scan3A_163, %mul3A_306 : vector<16xf32>
      %add3A_308 = arith.constant 64 : i32
      %add3A_309 = arith.addi %mul3A_169, %add3A_308 : i32
      %get3A_310 = arith.constant 0 : i32
      %get3A_311 = arith.constant 0 : i32
      %get3A_312 = arith.index_cast %get3A_310 : i32 to index
      %get3A_313 = arith.index_cast %get3A_311 : i32 to index
      %get3A_314 = arith.index_cast %add3A_309 : i32 to index
      %get3A_315 = tpu.vector_load %arg5[%get3A_312, %get3A_313, %get3A_314] {strides = array<i32>} : memref<2x2x8192xf32, #tpu.memory_space<vmem>>, vector<1x1x16xf32>,
      %get3A_316 = vector.shape_cast %get3A_315 : vector<1x1x16xf32> to vector<16xf32>
      %add3A_317 = arith.constant 64 : i32
      %add3A_318 = arith.addi %mul3A_169, %add3A_317 : i32
      %get3A_319 = arith.constant 0 : i32
      %get3A_320 = arith.constant 0 : i32
      %get3A_321 = arith.index_cast %get3A_319 : i32 to index
      %get3A_322 = arith.index_cast %get3A_320 : i32 to index
      %get3A_323 = arith.index_cast %add3A_318 : i32 to index
      %get3A_324 = tpu.vector_load %arg6[%get3A_321, %get3A_322, %get3A_323] {strides = array<i32>} : memref<2x2x8192xi32, #tpu.memory_space<vmem>>, vector<1x1x16xi32>,
      %get3A_325 = vector.shape_cast %get3A_324 : vector<1x1x16xi32> to vector<16xi32>
      %eq3A_326 = arith.constant 0 : i32
      %eq3A_327 = vector.broadcast %eq3A_326 : i32 to vector<16xi32>
      %eq3A_328 = arith.cmpi eq, %get3A_325, %eq3A_327 : vector<16xi32>
      %sub3A_329 = arith.constant 1.000000e-01 : f32
      %sub3A_330 = vector.broadcast %sub3A_329 : f32 to vector<16xf32>
      %sub3A_331 = arith.subf %get3A_316, %sub3A_330 : vector<16xf32>
      %sub3A_332 = arith.constant 1.000000e+00 : f32
      %sub3A_333 = vector.broadcast %sub3A_332 : f32 to vector<16xf32>
      %sub3A_334 = arith.subf %sub3A_333, %get3A_316 : vector<16xf32>
      %select_n3A_335 = arith.select %eq3A_328, %sub3A_331, %sub3A_334 : vector<16xi1>, vector<16xf32>
      %max3A_336 = arith.constant 0.000000e+00 : f32
      %max3A_337 = vector.broadcast %max3A_336 : f32 to vector<16xf32>
      %max3A_338 = arith.maximumf %select_n3A_335, %max3A_337 : vector<16xf32>
      %min3A_339 = arith.constant 1.000000e+00 : f32
      %min3A_340 = vector.broadcast %min3A_339 : f32 to vector<16xf32>
      %min3A_341 = arith.minimumf %max3A_338, %min3A_340 : vector<16xf32>
      %mul3A_342 = arith.mulf %min3A_341, %min3A_341 : vector<16xf32>
      %add3A_343 = arith.addf %scan3A_164, %mul3A_342 : vector<16xf32>
      %add3A_344 = arith.constant 80 : i32
      %add3A_345 = arith.addi %mul3A_169, %add3A_344 : i32
      %get3A_346 = arith.constant 0 : i32
      %get3A_347 = arith.constant 0 : i32
      %get3A_348 = arith.index_cast %get3A_346 : i32 to index
      %get3A_349 = arith.index_cast %get3A_347 : i32 to index
      %get3A_350 = arith.index_cast %add3A_345 : i32 to index
      %get3A_351 = tpu.vector_load %arg5[%get3A_348, %get3A_349, %get3A_350] {strides = array<i32>} : memref<2x2x8192xf32, #tpu.memory_space<vmem>>, vector<1x1x16xf32>,
      %get3A_352 = vector.shape_cast %get3A_351 : vector<1x1x16xf32> to vector<16xf32>
      %add3A_353 = arith.constant 80 : i32
      %add3A_354 = arith.addi %mul3A_169, %add3A_353 : i32
      %get3A_355 = arith.constant 0 : i32
      %get3A_356 = arith.constant 0 : i32
      %get3A_357 = arith.index_cast %get3A_355 : i32 to index
      %get3A_358 = arith.index_cast %get3A_356 : i32 to index
      %get3A_359 = arith.index_cast %add3A_354 : i32 to index
      %get3A_360 = tpu.vector_load %arg6[%get3A_357, %get3A_358, %get3A_359] {strides = array<i32>} : memref<2x2x8192xi32, #tpu.memory_space<vmem>>, vector<1x1x16xi32>,
      %get3A_361 = vector.shape_cast %get3A_360 : vector<1x1x16xi32> to vector<16xi32>
      %eq3A_362 = arith.constant 0 : i32
      %eq3A_363 = vector.broadcast %eq3A_362 : i32 to vector<16xi32>
      %eq3A_364 = arith.cmpi eq, %get3A_361, %eq3A_363 : vector<16xi32>
      %sub3A_365 = arith.constant 1.000000e-01 : f32
      %sub3A_366 = vector.broadcast %sub3A_365 : f32 to vector<16xf32>
      %sub3A_367 = arith.subf %get3A_352, %sub3A_366 : vector<16xf32>
      %sub3A_368 = arith.constant 1.000000e+00 : f32
      %sub3A_369 = vector.broadcast %sub3A_368 : f32 to vector<16xf32>
      %sub3A_370 = arith.subf %sub3A_369, %get3A_352 : vector<16xf32>
      %select_n3A_371 = arith.select %eq3A_364, %sub3A_367, %sub3A_370 : vector<16xi1>, vector<16xf32>
      %max3A_372 = arith.constant 0.000000e+00 : f32
      %max3A_373 = vector.broadcast %max3A_372 : f32 to vector<16xf32>
      %max3A_374 = arith.maximumf %select_n3A_371, %max3A_373 : vector<16xf32>
      %min3A_375 = arith.constant 1.000000e+00 : f32
      %min3A_376 = vector.broadcast %min3A_375 : f32 to vector<16xf32>
      %min3A_377 = arith.minimumf %max3A_374, %min3A_376 : vector<16xf32>
      %mul3A_378 = arith.mulf %min3A_377, %min3A_377 : vector<16xf32>
      %add3A_379 = arith.addf %scan3A_165, %mul3A_378 : vector<16xf32>
      %add3A_380 = arith.constant 96 : i32
      %add3A_381 = arith.addi %mul3A_169, %add3A_380 : i32
      %get3A_382 = arith.constant 0 : i32
      %get3A_383 = arith.constant 0 : i32
      %get3A_384 = arith.index_cast %get3A_382 : i32 to index
      %get3A_385 = arith.index_cast %get3A_383 : i32 to index
      %get3A_386 = arith.index_cast %add3A_381 : i32 to index
      %get3A_387 = tpu.vector_load %arg5[%get3A_384, %get3A_385, %get3A_386] {strides = array<i32>} : memref<2x2x8192xf32, #tpu.memory_space<vmem>>, vector<1x1x16xf32>,
      %get3A_388 = vector.shape_cast %get3A_387 : vector<1x1x16xf32> to vector<16xf32>
      %add3A_389 = arith.constant 96 : i32
      %add3A_390 = arith.addi %mul3A_169, %add3A_389 : i32
      %get3A_391 = arith.constant 0 : i32
      %get3A_392 = arith.constant 0 : i32
      %get3A_393 = arith.index_cast %get3A_391 : i32 to index
      %get3A_394 = arith.index_cast %get3A_392 : i32 to index
      %get3A_395 = arith.index_cast %add3A_390 : i32 to index
      %get3A_396 = tpu.vector_load %arg6[%get3A_393, %get3A_394, %get3A_395] {strides = array<i32>} : memref<2x2x8192xi32, #tpu.memory_space<vmem>>, vector<1x1x16xi32>,
      %get3A_397 = vector.shape_cast %get3A_396 : vector<1x1x16xi32> to vector<16xi32>
      %eq3A_398 = arith.constant 0 : i32
      %eq3A_399 = vector.broadcast %eq3A_398 : i32 to vector<16xi32>
      %eq3A_400 = arith.cmpi eq, %get3A_397, %eq3A_399 : vector<16xi32>
      %sub3A_401 = arith.constant 1.000000e-01 : f32
      %sub3A_402 = vector.broadcast %sub3A_401 : f32 to vector<16xf32>
      %sub3A_403 = arith.subf %get3A_388, %sub3A_402 : vector<16xf32>
      %sub3A_404 = arith.constant 1.000000e+00 : f32
      %sub3A_405 = vector.broadcast %sub3A_404 : f32 to vector<16xf32>
      %sub3A_406 = arith.subf %sub3A_405, %get3A_388 : vector<16xf32>
      %select_n3A_407 = arith.select %eq3A_400, %sub3A_403, %sub3A_406 : vector<16xi1>, vector<16xf32>
      %max3A_408 = arith.constant 0.000000e+00 : f32
      %max3A_409 = vector.broadcast %max3A_408 : f32 to vector<16xf32>
      %max3A_410 = arith.maximumf %select_n3A_407, %max3A_409 : vector<16xf32>
      %min3A_411 = arith.constant 1.000000e+00 : f32
      %min3A_412 = vector.broadcast %min3A_411 : f32 to vector<16xf32>
      %min3A_413 = arith.minimumf %max3A_410, %min3A_412 : vector<16xf32>
      %mul3A_414 = arith.mulf %min3A_413, %min3A_413 : vector<16xf32>
      %add3A_415 = arith.addf %scan3A_166, %mul3A_414 : vector<16xf32>
      %add3A_416 = arith.constant 112 : i32
      %add3A_417 = arith.addi %mul3A_169, %add3A_416 : i32
      %get3A_418 = arith.constant 0 : i32
      %get3A_419 = arith.constant 0 : i32
      %get3A_420 = arith.index_cast %get3A_418 : i32 to index
      %get3A_421 = arith.index_cast %get3A_419 : i32 to index
      %get3A_422 = arith.index_cast %add3A_417 : i32 to index
      %get3A_423 = tpu.vector_load %arg5[%get3A_420, %get3A_421, %get3A_422] {strides = array<i32>} : memref<2x2x8192xf32, #tpu.memory_space<vmem>>, vector<1x1x16xf32>,
      %get3A_424 = vector.shape_cast %get3A_423 : vector<1x1x16xf32> to vector<16xf32>
      %add3A_425 = arith.constant 112 : i32
      %add3A_426 = arith.addi %mul3A_169, %add3A_425 : i32
      %get3A_427 = arith.constant 0 : i32
      %get3A_428 = arith.constant 0 : i32
      %get3A_429 = arith.index_cast %get3A_427 : i32 to index
      %get3A_430 = arith.index_cast %get3A_428 : i32 to index
      %get3A_431 = arith.index_cast %add3A_426 : i32 to index
      %get3A_432 = tpu.vector_load %arg6[%get3A_429, %get3A_430, %get3A_431] {strides = array<i32>} : memref<2x2x8192xi32, #tpu.memory_space<vmem>>, vector<1x1x16xi32>,
      %get3A_433 = vector.shape_cast %get3A_432 : vector<1x1x16xi32> to vector<16xi32>
      %eq3A_434 = arith.constant 0 : i32
      %eq3A_435 = vector.broadcast %eq3A_434 : i32 to vector<16xi32>
      %eq3A_436 = arith.cmpi eq, %get3A_433, %eq3A_435 : vector<16xi32>
      %sub3A_437 = arith.constant 1.000000e-01 : f32
      %sub3A_438 = vector.broadcast %sub3A_437 : f32 to vector<16xf32>
      %sub3A_439 = arith.subf %get3A_424, %sub3A_438 : vector<16xf32>
      %sub3A_440 = arith.constant 1.000000e+00 : f32
      %sub3A_441 = vector.broadcast %sub3A_440 : f32 to vector<16xf32>
      %sub3A_442 = arith.subf %sub3A_441, %get3A_424 : vector<16xf32>
      %select_n3A_443 = arith.select %eq3A_436, %sub3A_439, %sub3A_442 : vector<16xi1>, vector<16xf32>
      %max3A_444 = arith.constant 0.000000e+00 : f32
      %max3A_445 = vector.broadcast %max3A_444 : f32 to vector<16xf32>
      %max3A_446 = arith.maximumf %select_n3A_443, %max3A_445 : vector<16xf32>
      %min3A_447 = arith.constant 1.000000e+00 : f32
      %min3A_448 = vector.broadcast %min3A_447 : f32 to vector<16xf32>
      %min3A_449 = arith.minimumf %max3A_446, %min3A_448 : vector<16xf32>
      %mul3A_450 = arith.mulf %min3A_449, %min3A_449 : vector<16xf32>
      %add3A_451 = arith.addf %scan3A_167, %mul3A_450 : vector<16xf32>
      %add3A_452 = arith.constant 0 : i32
      %add3A_453 = arith.addi %mul3A_169, %add3A_452 : i32
      %get3A_454 = arith.constant 0 : i32
      %get3A_455 = arith.constant 1 : i32
      %get3A_456 = arith.index_cast %get3A_454 : i32 to index
      %get3A_457 = arith.index_cast %get3A_455 : i32 to index
      %get3A_458 = arith.index_cast %add3A_453 : i32 to index
      %get3A_459 = tpu.vector_load %arg5[%get3A_456, %get3A_457, %get3A_458] {strides = array<i32>} : memref<2x2x8192xf32, #tpu.memory_space<vmem>>, vector<1x1x16xf32>,
      %get3A_460 = vector.shape_cast %get3A_459 : vector<1x1x16xf32> to vector<16xf32>
      %add3A_461 = arith.constant 0 : i32
      %add3A_462 = arith.addi %mul3A_169, %add3A_461 : i32
      %get3A_463 = arith.constant 0 : i32
      %get3A_464 = arith.constant 1 : i32
      %get3A_465 = arith.index_cast %get3A_463 : i32 to index
      %get3A_466 = arith.index_cast %get3A_464 : i32 to index
      %get3A_467 = arith.index_cast %add3A_462 : i32 to index
      %get3A_468 = tpu.vector_load %arg6[%get3A_465, %get3A_466, %get3A_467] {strides = array<i32>} : memref<2x2x8192xi32, #tpu.memory_space<vmem>>, vector<1x1x16xi32>,
      %get3A_469 = vector.shape_cast %get3A_468 : vector<1x1x16xi32> to vector<16xi32>
      %eq3A_470 = arith.constant 0 : i32
      %eq3A_471 = vector.broadcast %eq3A_470 : i32 to vector<16xi32>
      %eq3A_472 = arith.cmpi eq, %get3A_469, %eq3A_471 : vector<16xi32>
      %sub3A_473 = arith.constant 1.000000e-01 : f32
      %sub3A_474 = vector.broadcast %sub3A_473 : f32 to vector<16xf32>
      %sub3A_475 = arith.subf %get3A_460, %sub3A_474 : vector<16xf32>
      %sub3A_476 = arith.constant 1.000000e+00 : f32
      %sub3A_477 = vector.broadcast %sub3A_476 : f32 to vector<16xf32>
      %sub3A_478 = arith.subf %sub3A_477, %get3A_460 : vector<16xf32>
      %select_n3A_479 = arith.select %eq3A_472, %sub3A_475, %sub3A_478 : vector<16xi1>, vector<16xf32>
      %max3A_480 = arith.constant 0.000000e+00 : f32
      %max3A_481 = vector.broadcast %max3A_480 : f32 to vector<16xf32>
      %max3A_482 = arith.maximumf %select_n3A_479, %max3A_481 : vector<16xf32>
      %min3A_483 = arith.constant 1.000000e+00 : f32
      %min3A_484 = vector.broadcast %min3A_483 : f32 to vector<16xf32>
      %min3A_485 = arith.minimumf %max3A_482, %min3A_484 : vector<16xf32>
      %mul3A_486 = arith.mulf %min3A_485, %min3A_485 : vector<16xf32>
      %add3A_487 = arith.addf %add3A_199, %mul3A_486 : vector<16xf32>
      %add3A_488 = arith.constant 16 : i32
      %add3A_489 = arith.addi %mul3A_169, %add3A_488 : i32
      %get3A_490 = arith.constant 0 : i32
      %get3A_491 = arith.constant 1 : i32
      %get3A_492 = arith.index_cast %get3A_490 : i32 to index
      %get3A_493 = arith.index_cast %get3A_491 : i32 to index
      %get3A_494 = arith.index_cast %add3A_489 : i32 to index
      %get3A_495 = tpu.vector_load %arg5[%get3A_492, %get3A_493, %get3A_494] {strides = array<i32>} : memref<2x2x8192xf32, #tpu.memory_space<vmem>>, vector<1x1x16xf32>,
      %get3A_496 = vector.shape_cast %get3A_495 : vector<1x1x16xf32> to vector<16xf32>
      %add3A_497 = arith.constant 16 : i32
      %add3A_498 = arith.addi %mul3A_169, %add3A_497 : i32
      %get3A_499 = arith.constant 0 : i32
      %get3A_500 = arith.constant 1 : i32
      %get3A_501 = arith.index_cast %get3A_499 : i32 to index
      %get3A_502 = arith.index_cast %get3A_500 : i32 to index
      %get3A_503 = arith.index_cast %add3A_498 : i32 to index
      %get3A_504 = tpu.vector_load %arg6[%get3A_501, %get3A_502, %get3A_503] {strides = array<i32>} : memref<2x2x8192xi32, #tpu.memory_space<vmem>>, vector<1x1x16xi32>,
      %get3A_505 = vector.shape_cast %get3A_504 : vector<1x1x16xi32> to vector<16xi32>
      %eq3A_506 = arith.constant 0 : i32
      %eq3A_507 = vector.broadcast %eq3A_506 : i32 to vector<16xi32>
      %eq3A_508 = arith.cmpi eq, %get3A_505, %eq3A_507 : vector<16xi32>
      %sub3A_509 = arith.constant 1.000000e-01 : f32
      %sub3A_510 = vector.broadcast %sub3A_509 : f32 to vector<16xf32>
      %sub3A_511 = arith.subf %get3A_496, %sub3A_510 : vector<16xf32>
      %sub3A_512 = arith.constant 1.000000e+00 : f32
      %sub3A_513 = vector.broadcast %sub3A_512 : f32 to vector<16xf32>
      %sub3A_514 = arith.subf %sub3A_513, %get3A_496 : vector<16xf32>
      %select_n3A_515 = arith.select %eq3A_508, %sub3A_511, %sub3A_514 : vector<16xi1>, vector<16xf32>
      %max3A_516 = arith.constant 0.000000e+00 : f32
      %max3A_517 = vector.broadcast %max3A_516 : f32 to vector<16xf32>
      %max3A_518 = arith.maximumf %select_n3A_515, %max3A_517 : vector<16xf32>
      %min3A_519 = arith.constant 1.000000e+00 : f32
      %min3A_520 = vector.broadcast %min3A_519 : f32 to vector<16xf32>
      %min3A_521 = arith.minimumf %max3A_518, %min3A_520 : vector<16xf32>
      %mul3A_522 = arith.mulf %min3A_521, %min3A_521 : vector<16xf32>
      %add3A_523 = arith.addf %add3A_235, %mul3A_522 : vector<16xf32>
      %add3A_524 = arith.constant 32 : i32
      %add3A_525 = arith.addi %mul3A_169, %add3A_524 : i32
      %get3A_526 = arith.constant 0 : i32
      %get3A_527 = arith.constant 1 : i32
      %get3A_528 = arith.index_cast %get3A_526 : i32 to index
      %get3A_529 = arith.index_cast %get3A_527 : i32 to index
      %get3A_530 = arith.index_cast %add3A_525 : i32 to index
      %get3A_531 = tpu.vector_load %arg5[%get3A_528, %get3A_529, %get3A_530] {strides = array<i32>} : memref<2x2x8192xf32, #tpu.memory_space<vmem>>, vector<1x1x16xf32>,
      %get3A_532 = vector.shape_cast %get3A_531 : vector<1x1x16xf32> to vector<16xf32>
      %add3A_533 = arith.constant 32 : i32
      %add3A_534 = arith.addi %mul3A_169, %add3A_533 : i32
      %get3A_535 = arith.constant 0 : i32
      %get3A_536 = arith.constant 1 : i32
      %get3A_537 = arith.index_cast %get3A_535 : i32 to index
      %get3A_538 = arith.index_cast %get3A_536 : i32 to index
      %get3A_539 = arith.index_cast %add3A_534 : i32 to index
      %get3A_540 = tpu.vector_load %arg6[%get3A_537, %get3A_538, %get3A_539] {strides = array<i32>} : memref<2x2x8192xi32, #tpu.memory_space<vmem>>, vector<1x1x16xi32>,
      %get3A_541 = vector.shape_cast %get3A_540 : vector<1x1x16xi32> to vector<16xi32>
      %eq3A_542 = arith.constant 0 : i32
      %eq3A_543 = vector.broadcast %eq3A_542 : i32 to vector<16xi32>
      %eq3A_544 = arith.cmpi eq, %get3A_541, %eq3A_543 : vector<16xi32>
      %sub3A_545 = arith.constant 1.000000e-01 : f32
      %sub3A_546 = vector.broadcast %sub3A_545 : f32 to vector<16xf32>
      %sub3A_547 = arith.subf %get3A_532, %sub3A_546 : vector<16xf32>
      %sub3A_548 = arith.constant 1.000000e+00 : f32
      %sub3A_549 = vector.broadcast %sub3A_548 : f32 to vector<16xf32>
      %sub3A_550 = arith.subf %sub3A_549, %get3A_532 : vector<16xf32>
      %select_n3A_551 = arith.select %eq3A_544, %sub3A_547, %sub3A_550 : vector<16xi1>, vector<16xf32>
      %max3A_552 = arith.constant 0.000000e+00 : f32
      %max3A_553 = vector.broadcast %max3A_552 : f32 to vector<16xf32>
      %max3A_554 = arith.maximumf %select_n3A_551, %max3A_553 : vector<16xf32>
      %min3A_555 = arith.constant 1.000000e+00 : f32
      %min3A_556 = vector.broadcast %min3A_555 : f32 to vector<16xf32>
      %min3A_557 = arith.minimumf %max3A_554, %min3A_556 : vector<16xf32>
      %mul3A_558 = arith.mulf %min3A_557, %min3A_557 : vector<16xf32>
      %add3A_559 = arith.addf %add3A_271, %mul3A_558 : vector<16xf32>
      %add3A_560 = arith.constant 48 : i32
      %add3A_561 = arith.addi %mul3A_169, %add3A_560 : i32
      %get3A_562 = arith.constant 0 : i32
      %get3A_563 = arith.constant 1 : i32
      %get3A_564 = arith.index_cast %get3A_562 : i32 to index
      %get3A_565 = arith.index_cast %get3A_563 : i32 to index
      %get3A_566 = arith.index_cast %add3A_561 : i32 to index
      %get3A_567 = tpu.vector_load %arg5[%get3A_564, %get3A_565, %get3A_566] {strides = array<i32>} : memref<2x2x8192xf32, #tpu.memory_space<vmem>>, vector<1x1x16xf32>,
      %get3A_568 = vector.shape_cast %get3A_567 : vector<1x1x16xf32> to vector<16xf32>
      %add3A_569 = arith.constant 48 : i32
      %add3A_570 = arith.addi %mul3A_169, %add3A_569 : i32
      %get3A_571 = arith.constant 0 : i32
      %get3A_572 = arith.constant 1 : i32
      %get3A_573 = arith.index_cast %get3A_571 : i32 to index
      %get3A_574 = arith.index_cast %get3A_572 : i32 to index
      %get3A_575 = arith.index_cast %add3A_570 : i32 to index
      %get3A_576 = tpu.vector_load %arg6[%get3A_573, %get3A_574, %get3A_575] {strides = array<i32>} : memref<2x2x8192xi32, #tpu.memory_space<vmem>>, vector<1x1x16xi32>,
      %get3A_577 = vector.shape_cast %get3A_576 : vector<1x1x16xi32> to vector<16xi32>
      %eq3A_578 = arith.constant 0 : i32
      %eq3A_579 = vector.broadcast %eq3A_578 : i32 to vector<16xi32>
      %eq3A_580 = arith.cmpi eq, %get3A_577, %eq3A_579 : vector<16xi32>
      %sub3A_581 = arith.constant 1.000000e-01 : f32
      %sub3A_582 = vector.broadcast %sub3A_581 : f32 to vector<16xf32>
      %sub3A_583 = arith.subf %get3A_568, %sub3A_582 : vector<16xf32>
      %sub3A_584 = arith.constant 1.000000e+00 : f32
      %sub3A_585 = vector.broadcast %sub3A_584 : f32 to vector<16xf32>
      %sub3A_586 = arith.subf %sub3A_585, %get3A_568 : vector<16xf32>
      %select_n3A_587 = arith.select %eq3A_580, %sub3A_583, %sub3A_586 : vector<16xi1>, vector<16xf32>
      %max3A_588 = arith.constant 0.000000e+00 : f32
      %max3A_589 = vector.broadcast %max3A_588 : f32 to vector<16xf32>
      %max3A_590 = arith.maximumf %select_n3A_587, %max3A_589 : vector<16xf32>
      %min3A_591 = arith.constant 1.000000e+00 : f32
      %min3A_592 = vector.broadcast %min3A_591 : f32 to vector<16xf32>
      %min3A_593 = arith.minimumf %max3A_590, %min3A_592 : vector<16xf32>
      %mul3A_594 = arith.mulf %min3A_593, %min3A_593 : vector<16xf32>
      %add3A_595 = arith.addf %add3A_307, %mul3A_594 : vector<16xf32>
      %add3A_596 = arith.constant 64 : i32
      %add3A_597 = arith.addi %mul3A_169, %add3A_596 : i32
      %get3A_598 = arith.constant 0 : i32
      %get3A_599 = arith.constant 1 : i32
      %get3A_600 = arith.index_cast %get3A_598 : i32 to index
      %get3A_601 = arith.index_cast %get3A_599 : i32 to index
      %get3A_602 = arith.index_cast %add3A_597 : i32 to index
      %get3A_603 = tpu.vector_load %arg5[%get3A_600, %get3A_601, %get3A_602] {strides = array<i32>} : memref<2x2x8192xf32, #tpu.memory_space<vmem>>, vector<1x1x16xf32>,
      %get3A_604 = vector.shape_cast %get3A_603 : vector<1x1x16xf32> to vector<16xf32>
      %add3A_605 = arith.constant 64 : i32
      %add3A_606 = arith.addi %mul3A_169, %add3A_605 : i32
      %get3A_607 = arith.constant 0 : i32
      %get3A_608 = arith.constant 1 : i32
      %get3A_609 = arith.index_cast %get3A_607 : i32 to index
      %get3A_610 = arith.index_cast %get3A_608 : i32 to index
      %get3A_611 = arith.index_cast %add3A_606 : i32 to index
      %get3A_612 = tpu.vector_load %arg6[%get3A_609, %get3A_610, %get3A_611] {strides = array<i32>} : memref<2x2x8192xi32, #tpu.memory_space<vmem>>, vector<1x1x16xi32>,
      %get3A_613 = vector.shape_cast %get3A_612 : vector<1x1x16xi32> to vector<16xi32>
      %eq3A_614 = arith.constant 0 : i32
      %eq3A_615 = vector.broadcast %eq3A_614 : i32 to vector<16xi32>
      %eq3A_616 = arith.cmpi eq, %get3A_613, %eq3A_615 : vector<16xi32>
      %sub3A_617 = arith.constant 1.000000e-01 : f32
      %sub3A_618 = vector.broadcast %sub3A_617 : f32 to vector<16xf32>
      %sub3A_619 = arith.subf %get3A_604, %sub3A_618 : vector<16xf32>
      %sub3A_620 = arith.constant 1.000000e+00 : f32
      %sub3A_621 = vector.broadcast %sub3A_620 : f32 to vector<16xf32>
      %sub3A_622 = arith.subf %sub3A_621, %get3A_604 : vector<16xf32>
      %select_n3A_623 = arith.select %eq3A_616, %sub3A_619, %sub3A_622 : vector<16xi1>, vector<16xf32>
      %max3A_624 = arith.constant 0.000000e+00 : f32
      %max3A_625 = vector.broadcast %max3A_624 : f32 to vector<16xf32>
      %max3A_626 = arith.maximumf %select_n3A_623, %max3A_625 : vector<16xf32>
      %min3A_627 = arith.constant 1.000000e+00 : f32
      %min3A_628 = vector.broadcast %min3A_627 : f32 to vector<16xf32>
      %min3A_629 = arith.minimumf %max3A_626, %min3A_628 : vector<16xf32>
      %mul3A_630 = arith.mulf %min3A_629, %min3A_629 : vector<16xf32>
      %add3A_631 = arith.addf %add3A_343, %mul3A_630 : vector<16xf32>
      %add3A_632 = arith.constant 80 : i32
      %add3A_633 = arith.addi %mul3A_169, %add3A_632 : i32
      %get3A_634 = arith.constant 0 : i32
      %get3A_635 = arith.constant 1 : i32
      %get3A_636 = arith.index_cast %get3A_634 : i32 to index
      %get3A_637 = arith.index_cast %get3A_635 : i32 to index
      %get3A_638 = arith.index_cast %add3A_633 : i32 to index
      %get3A_639 = tpu.vector_load %arg5[%get3A_636, %get3A_637, %get3A_638] {strides = array<i32>} : memref<2x2x8192xf32, #tpu.memory_space<vmem>>, vector<1x1x16xf32>,
      %get3A_640 = vector.shape_cast %get3A_639 : vector<1x1x16xf32> to vector<16xf32>
      %add3A_641 = arith.constant 80 : i32
      %add3A_642 = arith.addi %mul3A_169, %add3A_641 : i32
      %get3A_643 = arith.constant 0 : i32
      %get3A_644 = arith.constant 1 : i32
      %get3A_645 = arith.index_cast %get3A_643 : i32 to index
      %get3A_646 = arith.index_cast %get3A_644 : i32 to index
      %get3A_647 = arith.index_cast %add3A_642 : i32 to index
      %get3A_648 = tpu.vector_load %arg6[%get3A_645, %get3A_646, %get3A_647] {strides = array<i32>} : memref<2x2x8192xi32, #tpu.memory_space<vmem>>, vector<1x1x16xi32>,
      %get3A_649 = vector.shape_cast %get3A_648 : vector<1x1x16xi32> to vector<16xi32>
      %eq3A_650 = arith.constant 0 : i32
      %eq3A_651 = vector.broadcast %eq3A_650 : i32 to vector<16xi32>
      %eq3A_652 = arith.cmpi eq, %get3A_649, %eq3A_651 : vector<16xi32>
      %sub3A_653 = arith.constant 1.000000e-01 : f32
      %sub3A_654 = vector.broadcast %sub3A_653 : f32 to vector<16xf32>
      %sub3A_655 = arith.subf %get3A_640, %sub3A_654 : vector<16xf32>
      %sub3A_656 = arith.constant 1.000000e+00 : f32
      %sub3A_657 = vector.broadcast %sub3A_656 : f32 to vector<16xf32>
      %sub3A_658 = arith.subf %sub3A_657, %get3A_640 : vector<16xf32>
      %select_n3A_659 = arith.select %eq3A_652, %sub3A_655, %sub3A_658 : vector<16xi1>, vector<16xf32>
      %max3A_660 = arith.constant 0.000000e+00 : f32
      %max3A_661 = vector.broadcast %max3A_660 : f32 to vector<16xf32>
      %max3A_662 = arith.maximumf %select_n3A_659, %max3A_661 : vector<16xf32>
      %min3A_663 = arith.constant 1.000000e+00 : f32
      %min3A_664 = vector.broadcast %min3A_663 : f32 to vector<16xf32>
      %min3A_665 = arith.minimumf %max3A_662, %min3A_664 : vector<16xf32>
      %mul3A_666 = arith.mulf %min3A_665, %min3A_665 : vector<16xf32>
      %add3A_667 = arith.addf %add3A_379, %mul3A_666 : vector<16xf32>
      %add3A_668 = arith.constant 96 : i32
      %add3A_669 = arith.addi %mul3A_169, %add3A_668 : i32
      %get3A_670 = arith.constant 0 : i32
      %get3A_671 = arith.constant 1 : i32
      %get3A_672 = arith.index_cast %get3A_670 : i32 to index
      %get3A_673 = arith.index_cast %get3A_671 : i32 to index
      %get3A_674 = arith.index_cast %add3A_669 : i32 to index
      %get3A_675 = tpu.vector_load %arg5[%get3A_672, %get3A_673, %get3A_674] {strides = array<i32>} : memref<2x2x8192xf32, #tpu.memory_space<vmem>>, vector<1x1x16xf32>,
      %get3A_676 = vector.shape_cast %get3A_675 : vector<1x1x16xf32> to vector<16xf32>
      %add3A_677 = arith.constant 96 : i32
      %add3A_678 = arith.addi %mul3A_169, %add3A_677 : i32
      %get3A_679 = arith.constant 0 : i32
      %get3A_680 = arith.constant 1 : i32
      %get3A_681 = arith.index_cast %get3A_679 : i32 to index
      %get3A_682 = arith.index_cast %get3A_680 : i32 to index
      %get3A_683 = arith.index_cast %add3A_678 : i32 to index
      %get3A_684 = tpu.vector_load %arg6[%get3A_681, %get3A_682, %get3A_683] {strides = array<i32>} : memref<2x2x8192xi32, #tpu.memory_space<vmem>>, vector<1x1x16xi32>,
      %get3A_685 = vector.shape_cast %get3A_684 : vector<1x1x16xi32> to vector<16xi32>
      %eq3A_686 = arith.constant 0 : i32
      %eq3A_687 = vector.broadcast %eq3A_686 : i32 to vector<16xi32>
      %eq3A_688 = arith.cmpi eq, %get3A_685, %eq3A_687 : vector<16xi32>
      %sub3A_689 = arith.constant 1.000000e-01 : f32
      %sub3A_690 = vector.broadcast %sub3A_689 : f32 to vector<16xf32>
      %sub3A_691 = arith.subf %get3A_676, %sub3A_690 : vector<16xf32>
      %sub3A_692 = arith.constant 1.000000e+00 : f32
      %sub3A_693 = vector.broadcast %sub3A_692 : f32 to vector<16xf32>
      %sub3A_694 = arith.subf %sub3A_693, %get3A_676 : vector<16xf32>
      %select_n3A_695 = arith.select %eq3A_688, %sub3A_691, %sub3A_694 : vector<16xi1>, vector<16xf32>
      %max3A_696 = arith.constant 0.000000e+00 : f32
      %max3A_697 = vector.broadcast %max3A_696 : f32 to vector<16xf32>
      %max3A_698 = arith.maximumf %select_n3A_695, %max3A_697 : vector<16xf32>
      %min3A_699 = arith.constant 1.000000e+00 : f32
      %min3A_700 = vector.broadcast %min3A_699 : f32 to vector<16xf32>
      %min3A_701 = arith.minimumf %max3A_698, %min3A_700 : vector<16xf32>
      %mul3A_702 = arith.mulf %min3A_701, %min3A_701 : vector<16xf32>
      %add3A_703 = arith.addf %add3A_415, %mul3A_702 : vector<16xf32>
      %add3A_704 = arith.constant 112 : i32
      %add3A_705 = arith.addi %mul3A_169, %add3A_704 : i32
      %get3A_706 = arith.constant 0 : i32
      %get3A_707 = arith.constant 1 : i32
      %get3A_708 = arith.index_cast %get3A_706 : i32 to index
      %get3A_709 = arith.index_cast %get3A_707 : i32 to index
      %get3A_710 = arith.index_cast %add3A_705 : i32 to index
      %get3A_711 = tpu.vector_load %arg5[%get3A_708, %get3A_709, %get3A_710] {strides = array<i32>} : memref<2x2x8192xf32, #tpu.memory_space<vmem>>, vector<1x1x16xf32>,
      %get3A_712 = vector.shape_cast %get3A_711 : vector<1x1x16xf32> to vector<16xf32>
      %add3A_713 = arith.constant 112 : i32
      %add3A_714 = arith.addi %mul3A_169, %add3A_713 : i32
      %get3A_715 = arith.constant 0 : i32
      %get3A_716 = arith.constant 1 : i32
      %get3A_717 = arith.index_cast %get3A_715 : i32 to index
      %get3A_718 = arith.index_cast %get3A_716 : i32 to index
      %get3A_719 = arith.index_cast %add3A_714 : i32 to index
      %get3A_720 = tpu.vector_load %arg6[%get3A_717, %get3A_718, %get3A_719] {strides = array<i32>} : memref<2x2x8192xi32, #tpu.memory_space<vmem>>, vector<1x1x16xi32>,
      %get3A_721 = vector.shape_cast %get3A_720 : vector<1x1x16xi32> to vector<16xi32>
      %eq3A_722 = arith.constant 0 : i32
      %eq3A_723 = vector.broadcast %eq3A_722 : i32 to vector<16xi32>
      %eq3A_724 = arith.cmpi eq, %get3A_721, %eq3A_723 : vector<16xi32>
      %sub3A_725 = arith.constant 1.000000e-01 : f32
      %sub3A_726 = vector.broadcast %sub3A_725 : f32 to vector<16xf32>
      %sub3A_727 = arith.subf %get3A_712, %sub3A_726 : vector<16xf32>
      %sub3A_728 = arith.constant 1.000000e+00 : f32
      %sub3A_729 = vector.broadcast %sub3A_728 : f32 to vector<16xf32>
      %sub3A_730 = arith.subf %sub3A_729, %get3A_712 : vector<16xf32>
      %select_n3A_731 = arith.select %eq3A_724, %sub3A_727, %sub3A_730 : vector<16xi1>, vector<16xf32>
      %max3A_732 = arith.constant 0.000000e+00 : f32
      %max3A_733 = vector.broadcast %max3A_732 : f32 to vector<16xf32>
      %max3A_734 = arith.maximumf %select_n3A_731, %max3A_733 : vector<16xf32>
      %min3A_735 = arith.constant 1.000000e+00 : f32
      %min3A_736 = vector.broadcast %min3A_735 : f32 to vector<16xf32>
      %min3A_737 = arith.minimumf %max3A_734, %min3A_736 : vector<16xf32>
      %mul3A_738 = arith.mulf %min3A_737, %min3A_737 : vector<16xf32>
      %add3A_739 = arith.addf %add3A_451, %mul3A_738 : vector<16xf32>
      scf.yield %add3A_487, %add3A_523, %add3A_559, %add3A_595, %add3A_631, %add3A_667, %add3A_703, %add3A_739 : vector<16xf32>, vector<16xf32>, vector<16xf32>, vector<16xf32>, vector<16xf32>, vector<16xf32>, vector<16xf32>, vector<16xf32>
    }
    %scan3A_112 = arith.constant 64 : i32
    %dma_wait3A_113 = arith.constant 1 : i32
    %dma_wait3A_114 = arith.constant 0 : i32
    %dma_wait3A_115 = arith.constant 0 : i32
    %dma_wait3A_116 = tpu.memref_slice %arg5[%dma_wait3A_113, %dma_wait3A_114, %dma_wait3A_115] : memref<2x2x8192xf32, #tpu.memory_space<vmem>> -> memref<1x2x8192xf32, #tpu.memory_space<vmem>>
    %dma_wait3A_117 = tpu.memref_squeeze %dma_wait3A_116 : memref<1x2x8192xf32, #tpu.memory_space<vmem>> -> memref<2x8192xf32, #tpu.memory_space<vmem>>
    %dma_wait3A_118 = arith.constant 0 : i32
    %dma_wait3A_119 = arith.constant 0 : i32
    %dma_wait3A_120 = tpu.memref_slice %arg2[%dma_wait3A_118, %dma_wait3A_119] : memref<8192x8192xf32, #tpu.memory_space<hbm>> -> memref<2x8192xf32, #tpu.memory_space<hbm>>
    %dma_wait3A_121 = arith.constant 0 : i32
    %dma_wait3A_122 = arith.constant 0 : i32
    %dma_wait3A_123 = tpu.memref_slice %arg5[%dma_wait3A_113, %dma_wait3A_121, %dma_wait3A_122] : memref<2x2x8192xf32, #tpu.memory_space<vmem>> -> memref<1x2x8192xf32, #tpu.memory_space<vmem>>
    %dma_wait3A_124 = tpu.memref_squeeze %dma_wait3A_123 : memref<1x2x8192xf32, #tpu.memory_space<vmem>> -> memref<2x8192xf32, #tpu.memory_space<vmem>>
    %dma_wait3A_125 = arith.constant 0 : i32
    %dma_wait3A_126 = arith.constant 0 : i32
    %dma_wait3A_127 = tpu.memref_slice %arg2[%dma_wait3A_125, %dma_wait3A_126] : memref<8192x8192xf32, #tpu.memory_space<hbm>> -> memref<2x8192xf32, #tpu.memory_space<hbm>>
    tpu.wait_dma2 semaphore(%arg8 : memref<!tpu.dma_semaphore, #tpu.memory_space<semaphore_mem>>) src(%dma_wait3A_127 : memref<2x8192xf32, #tpu.memory_space<hbm>>) dst(%dma_wait3A_124 : memref<2x8192xf32, #tpu.memory_space<vmem>>)
    %dma_wait3A_128 = arith.constant 1 : i32
    %dma_wait3A_129 = arith.constant 0 : i32
    %dma_wait3A_130 = arith.constant 0 : i32
    %dma_wait3A_131 = tpu.memref_slice %arg6[%dma_wait3A_128, %dma_wait3A_129, %dma_wait3A_130] : memref<2x2x8192xi32, #tpu.memory_space<vmem>> -> memref<1x2x8192xi32, #tpu.memory_space<vmem>>
    %dma_wait3A_132 = tpu.memref_squeeze %dma_wait3A_131 : memref<1x2x8192xi32, #tpu.memory_space<vmem>> -> memref<2x8192xi32, #tpu.memory_space<vmem>>
    %dma_wait3A_133 = arith.constant 0 : i32
    %dma_wait3A_134 = arith.constant 0 : i32
    %dma_wait3A_135 = tpu.memref_slice %arg3[%dma_wait3A_133, %dma_wait3A_134] : memref<8192x8192xi32, #tpu.memory_space<hbm>> -> memref<2x8192xi32, #tpu.memory_space<hbm>>
    %dma_wait3A_136 = arith.constant 0 : i32
    %dma_wait3A_137 = arith.constant 0 : i32
    %dma_wait3A_138 = tpu.memref_slice %arg6[%dma_wait3A_128, %dma_wait3A_136, %dma_wait3A_137] : memref<2x2x8192xi32, #tpu.memory_space<vmem>> -> memref<1x2x8192xi32, #tpu.memory_space<vmem>>
    %dma_wait3A_139 = tpu.memref_squeeze %dma_wait3A_138 : memref<1x2x8192xi32, #tpu.memory_space<vmem>> -> memref<2x8192xi32, #tpu.memory_space<vmem>>
    %dma_wait3A_140 = arith.constant 0 : i32
    %dma_wait3A_141 = arith.constant 0 : i32
    %dma_wait3A_142 = tpu.memref_slice %arg3[%dma_wait3A_140, %dma_wait3A_141] : memref<8192x8192xi32, #tpu.memory_space<hbm>> -> memref<2x8192xi32, #tpu.memory_space<hbm>>
    tpu.wait_dma2 semaphore(%arg9 : memref<!tpu.dma_semaphore, #tpu.memory_space<semaphore_mem>>) src(%dma_wait3A_142 : memref<2x8192xi32, #tpu.memory_space<hbm>>) dst(%dma_wait3A_139 : memref<2x8192xi32, #tpu.memory_space<vmem>>)
    %scan3A_143 = arith.constant 0 : i32
    %scan3A_144 = arith.constant 64 : i32
    %scan3A_145 = arith.addi %scan3A_143, %scan3A_144 : i32
    %scan3A_146 = arith.constant 1 : i32
    %scan3A_147:8 = scf.for %scan3A_159 = %scan3A_143 to %scan3A_145 step %scan3A_146 iter_args(%scan3A_160 = %scan3A_111#0, %scan3A_161 = %scan3A_111#1, %scan3A_162 = %scan3A_111#2, %scan3A_163 = %scan3A_111#3, %scan3A_164 = %scan3A_111#4, %scan3A_165 = %scan3A_111#5, %scan3A_166 = %scan3A_111#6, %scan3A_167 = %scan3A_111#7) -> (vector<16xf32>, vector<16xf32>, vector<16xf32>, vector<16xf32>, vector<16xf32>, vector<16xf32>, vector<16xf32>, vector<16xf32>)  : i32 {
      %mul3A_168 = arith.constant 128 : i32
      %mul3A_169 = arith.muli %scan3A_159, %mul3A_168 : i32
      %add3A_170 = arith.constant 0 : i32
      %add3A_171 = arith.addi %mul3A_169, %add3A_170 : i32
      %get3A = arith.constant 1 : i32
      %get3A_172 = arith.constant 0 : i32
      %get3A_173 = arith.index_cast %get3A : i32 to index
      %get3A_174 = arith.index_cast %get3A_172 : i32 to index
      %get3A_175 = arith.index_cast %add3A_171 : i32 to index
      %get3A_176 = tpu.vector_load %arg5[%get3A_173, %get3A_174, %get3A_175] {strides = array<i32>} : memref<2x2x8192xf32, #tpu.memory_space<vmem>>, vector<1x1x16xf32>,
      %get3A_177 = vector.shape_cast %get3A_176 : vector<1x1x16xf32> to vector<16xf32>
      %add3A_178 = arith.constant 0 : i32
      %add3A_179 = arith.addi %mul3A_169, %add3A_178 : i32
      %get3A_180 = arith.constant 1 : i32
      %get3A_181 = arith.constant 0 : i32
      %get3A_182 = arith.index_cast %get3A_180 : i32 to index
      %get3A_183 = arith.index_cast %get3A_181 : i32 to index
      %get3A_184 = arith.index_cast %add3A_179 : i32 to index
      %get3A_185 = tpu.vector_load %arg6[%get3A_182, %get3A_183, %get3A_184] {strides = array<i32>} : memref<2x2x8192xi32, #tpu.memory_space<vmem>>, vector<1x1x16xi32>,
      %get3A_186 = vector.shape_cast %get3A_185 : vector<1x1x16xi32> to vector<16xi32>
      %eq3A = arith.constant 0 : i32
      %eq3A_187 = vector.broadcast %eq3A : i32 to vector<16xi32>
      %eq3A_188 = arith.cmpi eq, %get3A_186, %eq3A_187 : vector<16xi32>
      %sub3A = arith.constant 1.000000e-01 : f32
      %sub3A_189 = vector.broadcast %sub3A : f32 to vector<16xf32>
      %sub3A_190 = arith.subf %get3A_177, %sub3A_189 : vector<16xf32>
      %sub3A_191 = arith.constant 1.000000e+00 : f32
      %sub3A_192 = vector.broadcast %sub3A_191 : f32 to vector<16xf32>
      %sub3A_193 = arith.subf %sub3A_192, %get3A_177 : vector<16xf32>
      %select_n3A = arith.select %eq3A_188, %sub3A_190, %sub3A_193 : vector<16xi1>, vector<16xf32>
      %max3A = arith.constant 0.000000e+00 : f32
      %max3A_194 = vector.broadcast %max3A : f32 to vector<16xf32>
      %max3A_195 = arith.maximumf %select_n3A, %max3A_194 : vector<16xf32>
      %min3A = arith.constant 1.000000e+00 : f32
      %min3A_196 = vector.broadcast %min3A : f32 to vector<16xf32>
      %min3A_197 = arith.minimumf %max3A_195, %min3A_196 : vector<16xf32>
      %mul3A_198 = arith.mulf %min3A_197, %min3A_197 : vector<16xf32>
      %add3A_199 = arith.addf %scan3A_160, %mul3A_198 : vector<16xf32>
      %add3A_200 = arith.constant 16 : i32
      %add3A_201 = arith.addi %mul3A_169, %add3A_200 : i32
      %get3A_202 = arith.constant 1 : i32
      %get3A_203 = arith.constant 0 : i32
      %get3A_204 = arith.index_cast %get3A_202 : i32 to index
      %get3A_205 = arith.index_cast %get3A_203 : i32 to index
      %get3A_206 = arith.index_cast %add3A_201 : i32 to index
      %get3A_207 = tpu.vector_load %arg5[%get3A_204, %get3A_205, %get3A_206] {strides = array<i32>} : memref<2x2x8192xf32, #tpu.memory_space<vmem>>, vector<1x1x16xf32>,
      %get3A_208 = vector.shape_cast %get3A_207 : vector<1x1x16xf32> to vector<16xf32>
      %add3A_209 = arith.constant 16 : i32
      %add3A_210 = arith.addi %mul3A_169, %add3A_209 : i32
      %get3A_211 = arith.constant 1 : i32
      %get3A_212 = arith.constant 0 : i32
      %get3A_213 = arith.index_cast %get3A_211 : i32 to index
      %get3A_214 = arith.index_cast %get3A_212 : i32 to index
      %get3A_215 = arith.index_cast %add3A_210 : i32 to index
      %get3A_216 = tpu.vector_load %arg6[%get3A_213, %get3A_214, %get3A_215] {strides = array<i32>} : memref<2x2x8192xi32, #tpu.memory_space<vmem>>, vector<1x1x16xi32>,
      %get3A_217 = vector.shape_cast %get3A_216 : vector<1x1x16xi32> to vector<16xi32>
      %eq3A_218 = arith.constant 0 : i32
      %eq3A_219 = vector.broadcast %eq3A_218 : i32 to vector<16xi32>
      %eq3A_220 = arith.cmpi eq, %get3A_217, %eq3A_219 : vector<16xi32>
      %sub3A_221 = arith.constant 1.000000e-01 : f32
      %sub3A_222 = vector.broadcast %sub3A_221 : f32 to vector<16xf32>
      %sub3A_223 = arith.subf %get3A_208, %sub3A_222 : vector<16xf32>
      %sub3A_224 = arith.constant 1.000000e+00 : f32
      %sub3A_225 = vector.broadcast %sub3A_224 : f32 to vector<16xf32>
      %sub3A_226 = arith.subf %sub3A_225, %get3A_208 : vector<16xf32>
      %select_n3A_227 = arith.select %eq3A_220, %sub3A_223, %sub3A_226 : vector<16xi1>, vector<16xf32>
      %max3A_228 = arith.constant 0.000000e+00 : f32
      %max3A_229 = vector.broadcast %max3A_228 : f32 to vector<16xf32>
      %max3A_230 = arith.maximumf %select_n3A_227, %max3A_229 : vector<16xf32>
      %min3A_231 = arith.constant 1.000000e+00 : f32
      %min3A_232 = vector.broadcast %min3A_231 : f32 to vector<16xf32>
      %min3A_233 = arith.minimumf %max3A_230, %min3A_232 : vector<16xf32>
      %mul3A_234 = arith.mulf %min3A_233, %min3A_233 : vector<16xf32>
      %add3A_235 = arith.addf %scan3A_161, %mul3A_234 : vector<16xf32>
      %add3A_236 = arith.constant 32 : i32
      %add3A_237 = arith.addi %mul3A_169, %add3A_236 : i32
      %get3A_238 = arith.constant 1 : i32
      %get3A_239 = arith.constant 0 : i32
      %get3A_240 = arith.index_cast %get3A_238 : i32 to index
      %get3A_241 = arith.index_cast %get3A_239 : i32 to index
      %get3A_242 = arith.index_cast %add3A_237 : i32 to index
      %get3A_243 = tpu.vector_load %arg5[%get3A_240, %get3A_241, %get3A_242] {strides = array<i32>} : memref<2x2x8192xf32, #tpu.memory_space<vmem>>, vector<1x1x16xf32>,
      %get3A_244 = vector.shape_cast %get3A_243 : vector<1x1x16xf32> to vector<16xf32>
      %add3A_245 = arith.constant 32 : i32
      %add3A_246 = arith.addi %mul3A_169, %add3A_245 : i32
      %get3A_247 = arith.constant 1 : i32
      %get3A_248 = arith.constant 0 : i32
      %get3A_249 = arith.index_cast %get3A_247 : i32 to index
      %get3A_250 = arith.index_cast %get3A_248 : i32 to index
      %get3A_251 = arith.index_cast %add3A_246 : i32 to index
      %get3A_252 = tpu.vector_load %arg6[%get3A_249, %get3A_250, %get3A_251] {strides = array<i32>} : memref<2x2x8192xi32, #tpu.memory_space<vmem>>, vector<1x1x16xi32>,
      %get3A_253 = vector.shape_cast %get3A_252 : vector<1x1x16xi32> to vector<16xi32>
      %eq3A_254 = arith.constant 0 : i32
      %eq3A_255 = vector.broadcast %eq3A_254 : i32 to vector<16xi32>
      %eq3A_256 = arith.cmpi eq, %get3A_253, %eq3A_255 : vector<16xi32>
      %sub3A_257 = arith.constant 1.000000e-01 : f32
      %sub3A_258 = vector.broadcast %sub3A_257 : f32 to vector<16xf32>
      %sub3A_259 = arith.subf %get3A_244, %sub3A_258 : vector<16xf32>
      %sub3A_260 = arith.constant 1.000000e+00 : f32
      %sub3A_261 = vector.broadcast %sub3A_260 : f32 to vector<16xf32>
      %sub3A_262 = arith.subf %sub3A_261, %get3A_244 : vector<16xf32>
      %select_n3A_263 = arith.select %eq3A_256, %sub3A_259, %sub3A_262 : vector<16xi1>, vector<16xf32>
      %max3A_264 = arith.constant 0.000000e+00 : f32
      %max3A_265 = vector.broadcast %max3A_264 : f32 to vector<16xf32>
      %max3A_266 = arith.maximumf %select_n3A_263, %max3A_265 : vector<16xf32>
      %min3A_267 = arith.constant 1.000000e+00 : f32
      %min3A_268 = vector.broadcast %min3A_267 : f32 to vector<16xf32>
      %min3A_269 = arith.minimumf %max3A_266, %min3A_268 : vector<16xf32>
      %mul3A_270 = arith.mulf %min3A_269, %min3A_269 : vector<16xf32>
      %add3A_271 = arith.addf %scan3A_162, %mul3A_270 : vector<16xf32>
      %add3A_272 = arith.constant 48 : i32
      %add3A_273 = arith.addi %mul3A_169, %add3A_272 : i32
      %get3A_274 = arith.constant 1 : i32
      %get3A_275 = arith.constant 0 : i32
      %get3A_276 = arith.index_cast %get3A_274 : i32 to index
      %get3A_277 = arith.index_cast %get3A_275 : i32 to index
      %get3A_278 = arith.index_cast %add3A_273 : i32 to index
      %get3A_279 = tpu.vector_load %arg5[%get3A_276, %get3A_277, %get3A_278] {strides = array<i32>} : memref<2x2x8192xf32, #tpu.memory_space<vmem>>, vector<1x1x16xf32>,
      %get3A_280 = vector.shape_cast %get3A_279 : vector<1x1x16xf32> to vector<16xf32>
      %add3A_281 = arith.constant 48 : i32
      %add3A_282 = arith.addi %mul3A_169, %add3A_281 : i32
      %get3A_283 = arith.constant 1 : i32
      %get3A_284 = arith.constant 0 : i32
      %get3A_285 = arith.index_cast %get3A_283 : i32 to index
      %get3A_286 = arith.index_cast %get3A_284 : i32 to index
      %get3A_287 = arith.index_cast %add3A_282 : i32 to index
      %get3A_288 = tpu.vector_load %arg6[%get3A_285, %get3A_286, %get3A_287] {strides = array<i32>} : memref<2x2x8192xi32, #tpu.memory_space<vmem>>, vector<1x1x16xi32>,
      %get3A_289 = vector.shape_cast %get3A_288 : vector<1x1x16xi32> to vector<16xi32>
      %eq3A_290 = arith.constant 0 : i32
      %eq3A_291 = vector.broadcast %eq3A_290 : i32 to vector<16xi32>
      %eq3A_292 = arith.cmpi eq, %get3A_289, %eq3A_291 : vector<16xi32>
      %sub3A_293 = arith.constant 1.000000e-01 : f32
      %sub3A_294 = vector.broadcast %sub3A_293 : f32 to vector<16xf32>
      %sub3A_295 = arith.subf %get3A_280, %sub3A_294 : vector<16xf32>
      %sub3A_296 = arith.constant 1.000000e+00 : f32
      %sub3A_297 = vector.broadcast %sub3A_296 : f32 to vector<16xf32>
      %sub3A_298 = arith.subf %sub3A_297, %get3A_280 : vector<16xf32>
      %select_n3A_299 = arith.select %eq3A_292, %sub3A_295, %sub3A_298 : vector<16xi1>, vector<16xf32>
      %max3A_300 = arith.constant 0.000000e+00 : f32
      %max3A_301 = vector.broadcast %max3A_300 : f32 to vector<16xf32>
      %max3A_302 = arith.maximumf %select_n3A_299, %max3A_301 : vector<16xf32>
      %min3A_303 = arith.constant 1.000000e+00 : f32
      %min3A_304 = vector.broadcast %min3A_303 : f32 to vector<16xf32>
      %min3A_305 = arith.minimumf %max3A_302, %min3A_304 : vector<16xf32>
      %mul3A_306 = arith.mulf %min3A_305, %min3A_305 : vector<16xf32>
      %add3A_307 = arith.addf %scan3A_163, %mul3A_306 : vector<16xf32>
      %add3A_308 = arith.constant 64 : i32
      %add3A_309 = arith.addi %mul3A_169, %add3A_308 : i32
      %get3A_310 = arith.constant 1 : i32
      %get3A_311 = arith.constant 0 : i32
      %get3A_312 = arith.index_cast %get3A_310 : i32 to index
      %get3A_313 = arith.index_cast %get3A_311 : i32 to index
      %get3A_314 = arith.index_cast %add3A_309 : i32 to index
      %get3A_315 = tpu.vector_load %arg5[%get3A_312, %get3A_313, %get3A_314] {strides = array<i32>} : memref<2x2x8192xf32, #tpu.memory_space<vmem>>, vector<1x1x16xf32>,
      %get3A_316 = vector.shape_cast %get3A_315 : vector<1x1x16xf32> to vector<16xf32>
      %add3A_317 = arith.constant 64 : i32
      %add3A_318 = arith.addi %mul3A_169, %add3A_317 : i32
      %get3A_319 = arith.constant 1 : i32
      %get3A_320 = arith.constant 0 : i32
      %get3A_321 = arith.index_cast %get3A_319 : i32 to index
      %get3A_322 = arith.index_cast %get3A_320 : i32 to index
      %get3A_323 = arith.index_cast %add3A_318 : i32 to index
      %get3A_324 = tpu.vector_load %arg6[%get3A_321, %get3A_322, %get3A_323] {strides = array<i32>} : memref<2x2x8192xi32, #tpu.memory_space<vmem>>, vector<1x1x16xi32>,
      %get3A_325 = vector.shape_cast %get3A_324 : vector<1x1x16xi32> to vector<16xi32>
      %eq3A_326 = arith.constant 0 : i32
      %eq3A_327 = vector.broadcast %eq3A_326 : i32 to vector<16xi32>
      %eq3A_328 = arith.cmpi eq, %get3A_325, %eq3A_327 : vector<16xi32>
      %sub3A_329 = arith.constant 1.000000e-01 : f32
      %sub3A_330 = vector.broadcast %sub3A_329 : f32 to vector<16xf32>
      %sub3A_331 = arith.subf %get3A_316, %sub3A_330 : vector<16xf32>
      %sub3A_332 = arith.constant 1.000000e+00 : f32
      %sub3A_333 = vector.broadcast %sub3A_332 : f32 to vector<16xf32>
      %sub3A_334 = arith.subf %sub3A_333, %get3A_316 : vector<16xf32>
      %select_n3A_335 = arith.select %eq3A_328, %sub3A_331, %sub3A_334 : vector<16xi1>, vector<16xf32>
      %max3A_336 = arith.constant 0.000000e+00 : f32
      %max3A_337 = vector.broadcast %max3A_336 : f32 to vector<16xf32>
      %max3A_338 = arith.maximumf %select_n3A_335, %max3A_337 : vector<16xf32>
      %min3A_339 = arith.constant 1.000000e+00 : f32
      %min3A_340 = vector.broadcast %min3A_339 : f32 to vector<16xf32>
      %min3A_341 = arith.minimumf %max3A_338, %min3A_340 : vector<16xf32>
      %mul3A_342 = arith.mulf %min3A_341, %min3A_341 : vector<16xf32>
      %add3A_343 = arith.addf %scan3A_164, %mul3A_342 : vector<16xf32>
      %add3A_344 = arith.constant 80 : i32
      %add3A_345 = arith.addi %mul3A_169, %add3A_344 : i32
      %get3A_346 = arith.constant 1 : i32
      %get3A_347 = arith.constant 0 : i32
      %get3A_348 = arith.index_cast %get3A_346 : i32 to index
      %get3A_349 = arith.index_cast %get3A_347 : i32 to index
      %get3A_350 = arith.index_cast %add3A_345 : i32 to index
      %get3A_351 = tpu.vector_load %arg5[%get3A_348, %get3A_349, %get3A_350] {strides = array<i32>} : memref<2x2x8192xf32, #tpu.memory_space<vmem>>, vector<1x1x16xf32>,
      %get3A_352 = vector.shape_cast %get3A_351 : vector<1x1x16xf32> to vector<16xf32>
      %add3A_353 = arith.constant 80 : i32
      %add3A_354 = arith.addi %mul3A_169, %add3A_353 : i32
      %get3A_355 = arith.constant 1 : i32
      %get3A_356 = arith.constant 0 : i32
      %get3A_357 = arith.index_cast %get3A_355 : i32 to index
      %get3A_358 = arith.index_cast %get3A_356 : i32 to index
      %get3A_359 = arith.index_cast %add3A_354 : i32 to index
      %get3A_360 = tpu.vector_load %arg6[%get3A_357, %get3A_358, %get3A_359] {strides = array<i32>} : memref<2x2x8192xi32, #tpu.memory_space<vmem>>, vector<1x1x16xi32>,
      %get3A_361 = vector.shape_cast %get3A_360 : vector<1x1x16xi32> to vector<16xi32>
      %eq3A_362 = arith.constant 0 : i32
      %eq3A_363 = vector.broadcast %eq3A_362 : i32 to vector<16xi32>
      %eq3A_364 = arith.cmpi eq, %get3A_361, %eq3A_363 : vector<16xi32>
      %sub3A_365 = arith.constant 1.000000e-01 : f32
      %sub3A_366 = vector.broadcast %sub3A_365 : f32 to vector<16xf32>
      %sub3A_367 = arith.subf %get3A_352, %sub3A_366 : vector<16xf32>
      %sub3A_368 = arith.constant 1.000000e+00 : f32
      %sub3A_369 = vector.broadcast %sub3A_368 : f32 to vector<16xf32>
      %sub3A_370 = arith.subf %sub3A_369, %get3A_352 : vector<16xf32>
      %select_n3A_371 = arith.select %eq3A_364, %sub3A_367, %sub3A_370 : vector<16xi1>, vector<16xf32>
      %max3A_372 = arith.constant 0.000000e+00 : f32
      %max3A_373 = vector.broadcast %max3A_372 : f32 to vector<16xf32>
      %max3A_374 = arith.maximumf %select_n3A_371, %max3A_373 : vector<16xf32>
      %min3A_375 = arith.constant 1.000000e+00 : f32
      %min3A_376 = vector.broadcast %min3A_375 : f32 to vector<16xf32>
      %min3A_377 = arith.minimumf %max3A_374, %min3A_376 : vector<16xf32>
      %mul3A_378 = arith.mulf %min3A_377, %min3A_377 : vector<16xf32>
      %add3A_379 = arith.addf %scan3A_165, %mul3A_378 : vector<16xf32>
      %add3A_380 = arith.constant 96 : i32
      %add3A_381 = arith.addi %mul3A_169, %add3A_380 : i32
      %get3A_382 = arith.constant 1 : i32
      %get3A_383 = arith.constant 0 : i32
      %get3A_384 = arith.index_cast %get3A_382 : i32 to index
      %get3A_385 = arith.index_cast %get3A_383 : i32 to index
      %get3A_386 = arith.index_cast %add3A_381 : i32 to index
      %get3A_387 = tpu.vector_load %arg5[%get3A_384, %get3A_385, %get3A_386] {strides = array<i32>} : memref<2x2x8192xf32, #tpu.memory_space<vmem>>, vector<1x1x16xf32>,
      %get3A_388 = vector.shape_cast %get3A_387 : vector<1x1x16xf32> to vector<16xf32>
      %add3A_389 = arith.constant 96 : i32
      %add3A_390 = arith.addi %mul3A_169, %add3A_389 : i32
      %get3A_391 = arith.constant 1 : i32
      %get3A_392 = arith.constant 0 : i32
      %get3A_393 = arith.index_cast %get3A_391 : i32 to index
      %get3A_394 = arith.index_cast %get3A_392 : i32 to index
      %get3A_395 = arith.index_cast %add3A_390 : i32 to index
      %get3A_396 = tpu.vector_load %arg6[%get3A_393, %get3A_394, %get3A_395] {strides = array<i32>} : memref<2x2x8192xi32, #tpu.memory_space<vmem>>, vector<1x1x16xi32>,
      %get3A_397 = vector.shape_cast %get3A_396 : vector<1x1x16xi32> to vector<16xi32>
      %eq3A_398 = arith.constant 0 : i32
      %eq3A_399 = vector.broadcast %eq3A_398 : i32 to vector<16xi32>
      %eq3A_400 = arith.cmpi eq, %get3A_397, %eq3A_399 : vector<16xi32>
      %sub3A_401 = arith.constant 1.000000e-01 : f32
      %sub3A_402 = vector.broadcast %sub3A_401 : f32 to vector<16xf32>
      %sub3A_403 = arith.subf %get3A_388, %sub3A_402 : vector<16xf32>
      %sub3A_404 = arith.constant 1.000000e+00 : f32
      %sub3A_405 = vector.broadcast %sub3A_404 : f32 to vector<16xf32>
      %sub3A_406 = arith.subf %sub3A_405, %get3A_388 : vector<16xf32>
      %select_n3A_407 = arith.select %eq3A_400, %sub3A_403, %sub3A_406 : vector<16xi1>, vector<16xf32>
      %max3A_408 = arith.constant 0.000000e+00 : f32
      %max3A_409 = vector.broadcast %max3A_408 : f32 to vector<16xf32>
      %max3A_410 = arith.maximumf %select_n3A_407, %max3A_409 : vector<16xf32>
      %min3A_411 = arith.constant 1.000000e+00 : f32
      %min3A_412 = vector.broadcast %min3A_411 : f32 to vector<16xf32>
      %min3A_413 = arith.minimumf %max3A_410, %min3A_412 : vector<16xf32>
      %mul3A_414 = arith.mulf %min3A_413, %min3A_413 : vector<16xf32>
      %add3A_415 = arith.addf %scan3A_166, %mul3A_414 : vector<16xf32>
      %add3A_416 = arith.constant 112 : i32
      %add3A_417 = arith.addi %mul3A_169, %add3A_416 : i32
      %get3A_418 = arith.constant 1 : i32
      %get3A_419 = arith.constant 0 : i32
      %get3A_420 = arith.index_cast %get3A_418 : i32 to index
      %get3A_421 = arith.index_cast %get3A_419 : i32 to index
      %get3A_422 = arith.index_cast %add3A_417 : i32 to index
      %get3A_423 = tpu.vector_load %arg5[%get3A_420, %get3A_421, %get3A_422] {strides = array<i32>} : memref<2x2x8192xf32, #tpu.memory_space<vmem>>, vector<1x1x16xf32>,
      %get3A_424 = vector.shape_cast %get3A_423 : vector<1x1x16xf32> to vector<16xf32>
      %add3A_425 = arith.constant 112 : i32
      %add3A_426 = arith.addi %mul3A_169, %add3A_425 : i32
      %get3A_427 = arith.constant 1 : i32
      %get3A_428 = arith.constant 0 : i32
      %get3A_429 = arith.index_cast %get3A_427 : i32 to index
      %get3A_430 = arith.index_cast %get3A_428 : i32 to index
      %get3A_431 = arith.index_cast %add3A_426 : i32 to index
      %get3A_432 = tpu.vector_load %arg6[%get3A_429, %get3A_430, %get3A_431] {strides = array<i32>} : memref<2x2x8192xi32, #tpu.memory_space<vmem>>, vector<1x1x16xi32>,
      %get3A_433 = vector.shape_cast %get3A_432 : vector<1x1x16xi32> to vector<16xi32>
      %eq3A_434 = arith.constant 0 : i32
      %eq3A_435 = vector.broadcast %eq3A_434 : i32 to vector<16xi32>
      %eq3A_436 = arith.cmpi eq, %get3A_433, %eq3A_435 : vector<16xi32>
      %sub3A_437 = arith.constant 1.000000e-01 : f32
      %sub3A_438 = vector.broadcast %sub3A_437 : f32 to vector<16xf32>
      %sub3A_439 = arith.subf %get3A_424, %sub3A_438 : vector<16xf32>
      %sub3A_440 = arith.constant 1.000000e+00 : f32
      %sub3A_441 = vector.broadcast %sub3A_440 : f32 to vector<16xf32>
      %sub3A_442 = arith.subf %sub3A_441, %get3A_424 : vector<16xf32>
      %select_n3A_443 = arith.select %eq3A_436, %sub3A_439, %sub3A_442 : vector<16xi1>, vector<16xf32>
      %max3A_444 = arith.constant 0.000000e+00 : f32
      %max3A_445 = vector.broadcast %max3A_444 : f32 to vector<16xf32>
      %max3A_446 = arith.maximumf %select_n3A_443, %max3A_445 : vector<16xf32>
      %min3A_447 = arith.constant 1.000000e+00 : f32
      %min3A_448 = vector.broadcast %min3A_447 : f32 to vector<16xf32>
      %min3A_449 = arith.minimumf %max3A_446, %min3A_448 : vector<16xf32>
      %mul3A_450 = arith.mulf %min3A_449, %min3A_449 : vector<16xf32>
      %add3A_451 = arith.addf %scan3A_167, %mul3A_450 : vector<16xf32>
      %add3A_452 = arith.constant 0 : i32
      %add3A_453 = arith.addi %mul3A_169, %add3A_452 : i32
      %get3A_454 = arith.constant 1 : i32
      %get3A_455 = arith.constant 1 : i32
      %get3A_456 = arith.index_cast %get3A_454 : i32 to index
      %get3A_457 = arith.index_cast %get3A_455 : i32 to index
      %get3A_458 = arith.index_cast %add3A_453 : i32 to index
      %get3A_459 = tpu.vector_load %arg5[%get3A_456, %get3A_457, %get3A_458] {strides = array<i32>} : memref<2x2x8192xf32, #tpu.memory_space<vmem>>, vector<1x1x16xf32>,
      %get3A_460 = vector.shape_cast %get3A_459 : vector<1x1x16xf32> to vector<16xf32>
      %add3A_461 = arith.constant 0 : i32
      %add3A_462 = arith.addi %mul3A_169, %add3A_461 : i32
      %get3A_463 = arith.constant 1 : i32
      %get3A_464 = arith.constant 1 : i32
      %get3A_465 = arith.index_cast %get3A_463 : i32 to index
      %get3A_466 = arith.index_cast %get3A_464 : i32 to index
      %get3A_467 = arith.index_cast %add3A_462 : i32 to index
      %get3A_468 = tpu.vector_load %arg6[%get3A_465, %get3A_466, %get3A_467] {strides = array<i32>} : memref<2x2x8192xi32, #tpu.memory_space<vmem>>, vector<1x1x16xi32>,
      %get3A_469 = vector.shape_cast %get3A_468 : vector<1x1x16xi32> to vector<16xi32>
      %eq3A_470 = arith.constant 0 : i32
      %eq3A_471 = vector.broadcast %eq3A_470 : i32 to vector<16xi32>
      %eq3A_472 = arith.cmpi eq, %get3A_469, %eq3A_471 : vector<16xi32>
      %sub3A_473 = arith.constant 1.000000e-01 : f32
      %sub3A_474 = vector.broadcast %sub3A_473 : f32 to vector<16xf32>
      %sub3A_475 = arith.subf %get3A_460, %sub3A_474 : vector<16xf32>
      %sub3A_476 = arith.constant 1.000000e+00 : f32
      %sub3A_477 = vector.broadcast %sub3A_476 : f32 to vector<16xf32>
      %sub3A_478 = arith.subf %sub3A_477, %get3A_460 : vector<16xf32>
      %select_n3A_479 = arith.select %eq3A_472, %sub3A_475, %sub3A_478 : vector<16xi1>, vector<16xf32>
      %max3A_480 = arith.constant 0.000000e+00 : f32
      %max3A_481 = vector.broadcast %max3A_480 : f32 to vector<16xf32>
      %max3A_482 = arith.maximumf %select_n3A_479, %max3A_481 : vector<16xf32>
      %min3A_483 = arith.constant 1.000000e+00 : f32
      %min3A_484 = vector.broadcast %min3A_483 : f32 to vector<16xf32>
      %min3A_485 = arith.minimumf %max3A_482, %min3A_484 : vector<16xf32>
      %mul3A_486 = arith.mulf %min3A_485, %min3A_485 : vector<16xf32>
      %add3A_487 = arith.addf %add3A_199, %mul3A_486 : vector<16xf32>
      %add3A_488 = arith.constant 16 : i32
      %add3A_489 = arith.addi %mul3A_169, %add3A_488 : i32
      %get3A_490 = arith.constant 1 : i32
      %get3A_491 = arith.constant 1 : i32
      %get3A_492 = arith.index_cast %get3A_490 : i32 to index
      %get3A_493 = arith.index_cast %get3A_491 : i32 to index
      %get3A_494 = arith.index_cast %add3A_489 : i32 to index
      %get3A_495 = tpu.vector_load %arg5[%get3A_492, %get3A_493, %get3A_494] {strides = array<i32>} : memref<2x2x8192xf32, #tpu.memory_space<vmem>>, vector<1x1x16xf32>,
      %get3A_496 = vector.shape_cast %get3A_495 : vector<1x1x16xf32> to vector<16xf32>
      %add3A_497 = arith.constant 16 : i32
      %add3A_498 = arith.addi %mul3A_169, %add3A_497 : i32
      %get3A_499 = arith.constant 1 : i32
      %get3A_500 = arith.constant 1 : i32
      %get3A_501 = arith.index_cast %get3A_499 : i32 to index
      %get3A_502 = arith.index_cast %get3A_500 : i32 to index
      %get3A_503 = arith.index_cast %add3A_498 : i32 to index
      %get3A_504 = tpu.vector_load %arg6[%get3A_501, %get3A_502, %get3A_503] {strides = array<i32>} : memref<2x2x8192xi32, #tpu.memory_space<vmem>>, vector<1x1x16xi32>,
      %get3A_505 = vector.shape_cast %get3A_504 : vector<1x1x16xi32> to vector<16xi32>
      %eq3A_506 = arith.constant 0 : i32
      %eq3A_507 = vector.broadcast %eq3A_506 : i32 to vector<16xi32>
      %eq3A_508 = arith.cmpi eq, %get3A_505, %eq3A_507 : vector<16xi32>
      %sub3A_509 = arith.constant 1.000000e-01 : f32
      %sub3A_510 = vector.broadcast %sub3A_509 : f32 to vector<16xf32>
      %sub3A_511 = arith.subf %get3A_496, %sub3A_510 : vector<16xf32>
      %sub3A_512 = arith.constant 1.000000e+00 : f32
      %sub3A_513 = vector.broadcast %sub3A_512 : f32 to vector<16xf32>
      %sub3A_514 = arith.subf %sub3A_513, %get3A_496 : vector<16xf32>
      %select_n3A_515 = arith.select %eq3A_508, %sub3A_511, %sub3A_514 : vector<16xi1>, vector<16xf32>
      %max3A_516 = arith.constant 0.000000e+00 : f32
      %max3A_517 = vector.broadcast %max3A_516 : f32 to vector<16xf32>
      %max3A_518 = arith.maximumf %select_n3A_515, %max3A_517 : vector<16xf32>
      %min3A_519 = arith.constant 1.000000e+00 : f32
      %min3A_520 = vector.broadcast %min3A_519 : f32 to vector<16xf32>
      %min3A_521 = arith.minimumf %max3A_518, %min3A_520 : vector<16xf32>
      %mul3A_522 = arith.mulf %min3A_521, %min3A_521 : vector<16xf32>
      %add3A_523 = arith.addf %add3A_235, %mul3A_522 : vector<16xf32>
      %add3A_524 = arith.constant 32 : i32
      %add3A_525 = arith.addi %mul3A_169, %add3A_524 : i32
      %get3A_526 = arith.constant 1 : i32
      %get3A_527 = arith.constant 1 : i32
      %get3A_528 = arith.index_cast %get3A_526 : i32 to index
      %get3A_529 = arith.index_cast %get3A_527 : i32 to index
      %get3A_530 = arith.index_cast %add3A_525 : i32 to index
      %get3A_531 = tpu.vector_load %arg5[%get3A_528, %get3A_529, %get3A_530] {strides = array<i32>} : memref<2x2x8192xf32, #tpu.memory_space<vmem>>, vector<1x1x16xf32>,
      %get3A_532 = vector.shape_cast %get3A_531 : vector<1x1x16xf32> to vector<16xf32>
      %add3A_533 = arith.constant 32 : i32
      %add3A_534 = arith.addi %mul3A_169, %add3A_533 : i32
      %get3A_535 = arith.constant 1 : i32
      %get3A_536 = arith.constant 1 : i32
      %get3A_537 = arith.index_cast %get3A_535 : i32 to index
      %get3A_538 = arith.index_cast %get3A_536 : i32 to index
      %get3A_539 = arith.index_cast %add3A_534 : i32 to index
      %get3A_540 = tpu.vector_load %arg6[%get3A_537, %get3A_538, %get3A_539] {strides = array<i32>} : memref<2x2x8192xi32, #tpu.memory_space<vmem>>, vector<1x1x16xi32>,
      %get3A_541 = vector.shape_cast %get3A_540 : vector<1x1x16xi32> to vector<16xi32>
      %eq3A_542 = arith.constant 0 : i32
      %eq3A_543 = vector.broadcast %eq3A_542 : i32 to vector<16xi32>
      %eq3A_544 = arith.cmpi eq, %get3A_541, %eq3A_543 : vector<16xi32>
      %sub3A_545 = arith.constant 1.000000e-01 : f32
      %sub3A_546 = vector.broadcast %sub3A_545 : f32 to vector<16xf32>
      %sub3A_547 = arith.subf %get3A_532, %sub3A_546 : vector<16xf32>
      %sub3A_548 = arith.constant 1.000000e+00 : f32
      %sub3A_549 = vector.broadcast %sub3A_548 : f32 to vector<16xf32>
      %sub3A_550 = arith.subf %sub3A_549, %get3A_532 : vector<16xf32>
      %select_n3A_551 = arith.select %eq3A_544, %sub3A_547, %sub3A_550 : vector<16xi1>, vector<16xf32>
      %max3A_552 = arith.constant 0.000000e+00 : f32
      %max3A_553 = vector.broadcast %max3A_552 : f32 to vector<16xf32>
      %max3A_554 = arith.maximumf %select_n3A_551, %max3A_553 : vector<16xf32>
      %min3A_555 = arith.constant 1.000000e+00 : f32
      %min3A_556 = vector.broadcast %min3A_555 : f32 to vector<16xf32>
      %min3A_557 = arith.minimumf %max3A_554, %min3A_556 : vector<16xf32>
      %mul3A_558 = arith.mulf %min3A_557, %min3A_557 : vector<16xf32>
      %add3A_559 = arith.addf %add3A_271, %mul3A_558 : vector<16xf32>
      %add3A_560 = arith.constant 48 : i32
      %add3A_561 = arith.addi %mul3A_169, %add3A_560 : i32
      %get3A_562 = arith.constant 1 : i32
      %get3A_563 = arith.constant 1 : i32
      %get3A_564 = arith.index_cast %get3A_562 : i32 to index
      %get3A_565 = arith.index_cast %get3A_563 : i32 to index
      %get3A_566 = arith.index_cast %add3A_561 : i32 to index
      %get3A_567 = tpu.vector_load %arg5[%get3A_564, %get3A_565, %get3A_566] {strides = array<i32>} : memref<2x2x8192xf32, #tpu.memory_space<vmem>>, vector<1x1x16xf32>,
      %get3A_568 = vector.shape_cast %get3A_567 : vector<1x1x16xf32> to vector<16xf32>
      %add3A_569 = arith.constant 48 : i32
      %add3A_570 = arith.addi %mul3A_169, %add3A_569 : i32
      %get3A_571 = arith.constant 1 : i32
      %get3A_572 = arith.constant 1 : i32
      %get3A_573 = arith.index_cast %get3A_571 : i32 to index
      %get3A_574 = arith.index_cast %get3A_572 : i32 to index
      %get3A_575 = arith.index_cast %add3A_570 : i32 to index
      %get3A_576 = tpu.vector_load %arg6[%get3A_573, %get3A_574, %get3A_575] {strides = array<i32>} : memref<2x2x8192xi32, #tpu.memory_space<vmem>>, vector<1x1x16xi32>,
      %get3A_577 = vector.shape_cast %get3A_576 : vector<1x1x16xi32> to vector<16xi32>
      %eq3A_578 = arith.constant 0 : i32
      %eq3A_579 = vector.broadcast %eq3A_578 : i32 to vector<16xi32>
      %eq3A_580 = arith.cmpi eq, %get3A_577, %eq3A_579 : vector<16xi32>
      %sub3A_581 = arith.constant 1.000000e-01 : f32
      %sub3A_582 = vector.broadcast %sub3A_581 : f32 to vector<16xf32>
      %sub3A_583 = arith.subf %get3A_568, %sub3A_582 : vector<16xf32>
      %sub3A_584 = arith.constant 1.000000e+00 : f32
      %sub3A_585 = vector.broadcast %sub3A_584 : f32 to vector<16xf32>
      %sub3A_586 = arith.subf %sub3A_585, %get3A_568 : vector<16xf32>
      %select_n3A_587 = arith.select %eq3A_580, %sub3A_583, %sub3A_586 : vector<16xi1>, vector<16xf32>
      %max3A_588 = arith.constant 0.000000e+00 : f32
      %max3A_589 = vector.broadcast %max3A_588 : f32 to vector<16xf32>
      %max3A_590 = arith.maximumf %select_n3A_587, %max3A_589 : vector<16xf32>
      %min3A_591 = arith.constant 1.000000e+00 : f32
      %min3A_592 = vector.broadcast %min3A_591 : f32 to vector<16xf32>
      %min3A_593 = arith.minimumf %max3A_590, %min3A_592 : vector<16xf32>
      %mul3A_594 = arith.mulf %min3A_593, %min3A_593 : vector<16xf32>
      %add3A_595 = arith.addf %add3A_307, %mul3A_594 : vector<16xf32>
      %add3A_596 = arith.constant 64 : i32
      %add3A_597 = arith.addi %mul3A_169, %add3A_596 : i32
      %get3A_598 = arith.constant 1 : i32
      %get3A_599 = arith.constant 1 : i32
      %get3A_600 = arith.index_cast %get3A_598 : i32 to index
      %get3A_601 = arith.index_cast %get3A_599 : i32 to index
      %get3A_602 = arith.index_cast %add3A_597 : i32 to index
      %get3A_603 = tpu.vector_load %arg5[%get3A_600, %get3A_601, %get3A_602] {strides = array<i32>} : memref<2x2x8192xf32, #tpu.memory_space<vmem>>, vector<1x1x16xf32>,
      %get3A_604 = vector.shape_cast %get3A_603 : vector<1x1x16xf32> to vector<16xf32>
      %add3A_605 = arith.constant 64 : i32
      %add3A_606 = arith.addi %mul3A_169, %add3A_605 : i32
      %get3A_607 = arith.constant 1 : i32
      %get3A_608 = arith.constant 1 : i32
      %get3A_609 = arith.index_cast %get3A_607 : i32 to index
      %get3A_610 = arith.index_cast %get3A_608 : i32 to index
      %get3A_611 = arith.index_cast %add3A_606 : i32 to index
      %get3A_612 = tpu.vector_load %arg6[%get3A_609, %get3A_610, %get3A_611] {strides = array<i32>} : memref<2x2x8192xi32, #tpu.memory_space<vmem>>, vector<1x1x16xi32>,
      %get3A_613 = vector.shape_cast %get3A_612 : vector<1x1x16xi32> to vector<16xi32>
      %eq3A_614 = arith.constant 0 : i32
      %eq3A_615 = vector.broadcast %eq3A_614 : i32 to vector<16xi32>
      %eq3A_616 = arith.cmpi eq, %get3A_613, %eq3A_615 : vector<16xi32>
      %sub3A_617 = arith.constant 1.000000e-01 : f32
      %sub3A_618 = vector.broadcast %sub3A_617 : f32 to vector<16xf32>
      %sub3A_619 = arith.subf %get3A_604, %sub3A_618 : vector<16xf32>
      %sub3A_620 = arith.constant 1.000000e+00 : f32
      %sub3A_621 = vector.broadcast %sub3A_620 : f32 to vector<16xf32>
      %sub3A_622 = arith.subf %sub3A_621, %get3A_604 : vector<16xf32>
      %select_n3A_623 = arith.select %eq3A_616, %sub3A_619, %sub3A_622 : vector<16xi1>, vector<16xf32>
      %max3A_624 = arith.constant 0.000000e+00 : f32
      %max3A_625 = vector.broadcast %max3A_624 : f32 to vector<16xf32>
      %max3A_626 = arith.maximumf %select_n3A_623, %max3A_625 : vector<16xf32>
      %min3A_627 = arith.constant 1.000000e+00 : f32
      %min3A_628 = vector.broadcast %min3A_627 : f32 to vector<16xf32>
      %min3A_629 = arith.minimumf %max3A_626, %min3A_628 : vector<16xf32>
      %mul3A_630 = arith.mulf %min3A_629, %min3A_629 : vector<16xf32>
      %add3A_631 = arith.addf %add3A_343, %mul3A_630 : vector<16xf32>
      %add3A_632 = arith.constant 80 : i32
      %add3A_633 = arith.addi %mul3A_169, %add3A_632 : i32
      %get3A_634 = arith.constant 1 : i32
      %get3A_635 = arith.constant 1 : i32
      %get3A_636 = arith.index_cast %get3A_634 : i32 to index
      %get3A_637 = arith.index_cast %get3A_635 : i32 to index
      %get3A_638 = arith.index_cast %add3A_633 : i32 to index
      %get3A_639 = tpu.vector_load %arg5[%get3A_636, %get3A_637, %get3A_638] {strides = array<i32>} : memref<2x2x8192xf32, #tpu.memory_space<vmem>>, vector<1x1x16xf32>,
      %get3A_640 = vector.shape_cast %get3A_639 : vector<1x1x16xf32> to vector<16xf32>
      %add3A_641 = arith.constant 80 : i32
      %add3A_642 = arith.addi %mul3A_169, %add3A_641 : i32
      %get3A_643 = arith.constant 1 : i32
      %get3A_644 = arith.constant 1 : i32
      %get3A_645 = arith.index_cast %get3A_643 : i32 to index
      %get3A_646 = arith.index_cast %get3A_644 : i32 to index
      %get3A_647 = arith.index_cast %add3A_642 : i32 to index
      %get3A_648 = tpu.vector_load %arg6[%get3A_645, %get3A_646, %get3A_647] {strides = array<i32>} : memref<2x2x8192xi32, #tpu.memory_space<vmem>>, vector<1x1x16xi32>,
      %get3A_649 = vector.shape_cast %get3A_648 : vector<1x1x16xi32> to vector<16xi32>
      %eq3A_650 = arith.constant 0 : i32
      %eq3A_651 = vector.broadcast %eq3A_650 : i32 to vector<16xi32>
      %eq3A_652 = arith.cmpi eq, %get3A_649, %eq3A_651 : vector<16xi32>
      %sub3A_653 = arith.constant 1.000000e-01 : f32
      %sub3A_654 = vector.broadcast %sub3A_653 : f32 to vector<16xf32>
      %sub3A_655 = arith.subf %get3A_640, %sub3A_654 : vector<16xf32>
      %sub3A_656 = arith.constant 1.000000e+00 : f32
      %sub3A_657 = vector.broadcast %sub3A_656 : f32 to vector<16xf32>
      %sub3A_658 = arith.subf %sub3A_657, %get3A_640 : vector<16xf32>
      %select_n3A_659 = arith.select %eq3A_652, %sub3A_655, %sub3A_658 : vector<16xi1>, vector<16xf32>
      %max3A_660 = arith.constant 0.000000e+00 : f32
      %max3A_661 = vector.broadcast %max3A_660 : f32 to vector<16xf32>
      %max3A_662 = arith.maximumf %select_n3A_659, %max3A_661 : vector<16xf32>
      %min3A_663 = arith.constant 1.000000e+00 : f32
      %min3A_664 = vector.broadcast %min3A_663 : f32 to vector<16xf32>
      %min3A_665 = arith.minimumf %max3A_662, %min3A_664 : vector<16xf32>
      %mul3A_666 = arith.mulf %min3A_665, %min3A_665 : vector<16xf32>
      %add3A_667 = arith.addf %add3A_379, %mul3A_666 : vector<16xf32>
      %add3A_668 = arith.constant 96 : i32
      %add3A_669 = arith.addi %mul3A_169, %add3A_668 : i32
      %get3A_670 = arith.constant 1 : i32
      %get3A_671 = arith.constant 1 : i32
      %get3A_672 = arith.index_cast %get3A_670 : i32 to index
      %get3A_673 = arith.index_cast %get3A_671 : i32 to index
      %get3A_674 = arith.index_cast %add3A_669 : i32 to index
      %get3A_675 = tpu.vector_load %arg5[%get3A_672, %get3A_673, %get3A_674] {strides = array<i32>} : memref<2x2x8192xf32, #tpu.memory_space<vmem>>, vector<1x1x16xf32>,
      %get3A_676 = vector.shape_cast %get3A_675 : vector<1x1x16xf32> to vector<16xf32>
      %add3A_677 = arith.constant 96 : i32
      %add3A_678 = arith.addi %mul3A_169, %add3A_677 : i32
      %get3A_679 = arith.constant 1 : i32
      %get3A_680 = arith.constant 1 : i32
      %get3A_681 = arith.index_cast %get3A_679 : i32 to index
      %get3A_682 = arith.index_cast %get3A_680 : i32 to index
      %get3A_683 = arith.index_cast %add3A_678 : i32 to index
      %get3A_684 = tpu.vector_load %arg6[%get3A_681, %get3A_682, %get3A_683] {strides = array<i32>} : memref<2x2x8192xi32, #tpu.memory_space<vmem>>, vector<1x1x16xi32>,
      %get3A_685 = vector.shape_cast %get3A_684 : vector<1x1x16xi32> to vector<16xi32>
      %eq3A_686 = arith.constant 0 : i32
      %eq3A_687 = vector.broadcast %eq3A_686 : i32 to vector<16xi32>
      %eq3A_688 = arith.cmpi eq, %get3A_685, %eq3A_687 : vector<16xi32>
      %sub3A_689 = arith.constant 1.000000e-01 : f32
      %sub3A_690 = vector.broadcast %sub3A_689 : f32 to vector<16xf32>
      %sub3A_691 = arith.subf %get3A_676, %sub3A_690 : vector<16xf32>
      %sub3A_692 = arith.constant 1.000000e+00 : f32
      %sub3A_693 = vector.broadcast %sub3A_692 : f32 to vector<16xf32>
      %sub3A_694 = arith.subf %sub3A_693, %get3A_676 : vector<16xf32>
      %select_n3A_695 = arith.select %eq3A_688, %sub3A_691, %sub3A_694 : vector<16xi1>, vector<16xf32>
      %max3A_696 = arith.constant 0.000000e+00 : f32
      %max3A_697 = vector.broadcast %max3A_696 : f32 to vector<16xf32>
      %max3A_698 = arith.maximumf %select_n3A_695, %max3A_697 : vector<16xf32>
      %min3A_699 = arith.constant 1.000000e+00 : f32
      %min3A_700 = vector.broadcast %min3A_699 : f32 to vector<16xf32>
      %min3A_701 = arith.minimumf %max3A_698, %min3A_700 : vector<16xf32>
      %mul3A_702 = arith.mulf %min3A_701, %min3A_701 : vector<16xf32>
      %add3A_703 = arith.addf %add3A_415, %mul3A_702 : vector<16xf32>
      %add3A_704 = arith.constant 112 : i32
      %add3A_705 = arith.addi %mul3A_169, %add3A_704 : i32
      %get3A_706 = arith.constant 1 : i32
      %get3A_707 = arith.constant 1 : i32
      %get3A_708 = arith.index_cast %get3A_706 : i32 to index
      %get3A_709 = arith.index_cast %get3A_707 : i32 to index
      %get3A_710 = arith.index_cast %add3A_705 : i32 to index
      %get3A_711 = tpu.vector_load %arg5[%get3A_708, %get3A_709, %get3A_710] {strides = array<i32>} : memref<2x2x8192xf32, #tpu.memory_space<vmem>>, vector<1x1x16xf32>,
      %get3A_712 = vector.shape_cast %get3A_711 : vector<1x1x16xf32> to vector<16xf32>
      %add3A_713 = arith.constant 112 : i32
      %add3A_714 = arith.addi %mul3A_169, %add3A_713 : i32
      %get3A_715 = arith.constant 1 : i32
      %get3A_716 = arith.constant 1 : i32
      %get3A_717 = arith.index_cast %get3A_715 : i32 to index
      %get3A_718 = arith.index_cast %get3A_716 : i32 to index
      %get3A_719 = arith.index_cast %add3A_714 : i32 to index
      %get3A_720 = tpu.vector_load %arg6[%get3A_717, %get3A_718, %get3A_719] {strides = array<i32>} : memref<2x2x8192xi32, #tpu.memory_space<vmem>>, vector<1x1x16xi32>,
      %get3A_721 = vector.shape_cast %get3A_720 : vector<1x1x16xi32> to vector<16xi32>
      %eq3A_722 = arith.constant 0 : i32
      %eq3A_723 = vector.broadcast %eq3A_722 : i32 to vector<16xi32>
      %eq3A_724 = arith.cmpi eq, %get3A_721, %eq3A_723 : vector<16xi32>
      %sub3A_725 = arith.constant 1.000000e-01 : f32
      %sub3A_726 = vector.broadcast %sub3A_725 : f32 to vector<16xf32>
      %sub3A_727 = arith.subf %get3A_712, %sub3A_726 : vector<16xf32>
      %sub3A_728 = arith.constant 1.000000e+00 : f32
      %sub3A_729 = vector.broadcast %sub3A_728 : f32 to vector<16xf32>
      %sub3A_730 = arith.subf %sub3A_729, %get3A_712 : vector<16xf32>
      %select_n3A_731 = arith.select %eq3A_724, %sub3A_727, %sub3A_730 : vector<16xi1>, vector<16xf32>
      %max3A_732 = arith.constant 0.000000e+00 : f32
      %max3A_733 = vector.broadcast %max3A_732 : f32 to vector<16xf32>
      %max3A_734 = arith.maximumf %select_n3A_731, %max3A_733 : vector<16xf32>
      %min3A_735 = arith.constant 1.000000e+00 : f32
      %min3A_736 = vector.broadcast %min3A_735 : f32 to vector<16xf32>
      %min3A_737 = arith.minimumf %max3A_734, %min3A_736 : vector<16xf32>
      %mul3A_738 = arith.mulf %min3A_737, %min3A_737 : vector<16xf32>
      %add3A_739 = arith.addf %add3A_451, %mul3A_738 : vector<16xf32>
      scf.yield %add3A_487, %add3A_523, %add3A_559, %add3A_595, %add3A_631, %add3A_667, %add3A_703, %add3A_739 : vector<16xf32>, vector<16xf32>, vector<16xf32>, vector<16xf32>, vector<16xf32>, vector<16xf32>, vector<16xf32>, vector<16xf32>
    }
    %scan3A_148 = arith.constant 64 : i32
    %add3A_149 = arith.addf %scan3A_147#0, %scan3A_147#1 : vector<16xf32>
    %add3A_150 = arith.addf %add3A_149, %scan3A_147#2 : vector<16xf32>
    %add3A_151 = arith.addf %add3A_150, %scan3A_147#3 : vector<16xf32>
    %add3A_152 = arith.addf %add3A_151, %scan3A_147#4 : vector<16xf32>
    %add3A_153 = arith.addf %add3A_152, %scan3A_147#5 : vector<16xf32>
    %add3A_154 = arith.addf %add3A_153, %scan3A_147#6 : vector<16xf32>
    %add3A_155 = arith.addf %add3A_154, %scan3A_147#7 : vector<16xf32>
    %swap3A = arith.constant 0 : index
    %swap3A_156 = tpu.vector_load %arg7[%swap3A] {strides = array<i32>} : memref<16xf32, #tpu.memory_space<vmem>>, vector<16xf32>,
    %swap3A_157 = vector.shape_cast %swap3A_156 : vector<16xf32> to vector<16xf32>
    %swap3A_158 = vector.shape_cast %add3A_155 : vector<16xf32> to vector<16xf32>
    tpu.vector_store %arg7[%swap3A], %swap3A_158 {strides = array<i32>} : memref<16xf32, #tpu.memory_space<vmem>>, vector<16xf32>,
    "tpu.region"() ({
      %run_scoped3A = tpu.sem_alloc : memref<!tpu.dma_semaphore, #tpu.memory_space<semaphore_mem>>
      %dma_start3A_159 = arith.constant 0 : i32
      %dma_start3A_160 = tpu.memref_slice %arg4[%add3A, %dma_start3A_159] : memref<32x16xf32, #tpu.memory_space<hbm>> -> memref<1x16xf32, #tpu.memory_space<hbm>>
      %dma_start3A_161 = tpu.memref_squeeze %dma_start3A_160 : memref<1x16xf32, #tpu.memory_space<hbm>> -> memref<16xf32, #tpu.memory_space<hbm>>
      %dma_start3A_162 = arith.constant 0 : i32
      %dma_start3A_163 = tpu.memref_slice %arg4[%add3A, %dma_start3A_162] : memref<32x16xf32, #tpu.memory_space<hbm>> -> memref<1x16xf32, #tpu.memory_space<hbm>>
      %dma_start3A_164 = tpu.memref_squeeze %dma_start3A_163 : memref<1x16xf32, #tpu.memory_space<hbm>> -> memref<16xf32, #tpu.memory_space<hbm>>
      tpu.enqueue_dma source(%arg7 : memref<16xf32, #tpu.memory_space<vmem>>) target(%dma_start3A_164 : memref<16xf32, #tpu.memory_space<hbm>>) target_semaphore(%run_scoped3A : memref<!tpu.dma_semaphore, #tpu.memory_space<semaphore_mem>>)
      %dma_wait3A_165 = arith.constant 0 : i32
      %dma_wait3A_166 = tpu.memref_slice %arg4[%add3A, %dma_wait3A_165] : memref<32x16xf32, #tpu.memory_space<hbm>> -> memref<1x16xf32, #tpu.memory_space<hbm>>
      %dma_wait3A_167 = tpu.memref_squeeze %dma_wait3A_166 : memref<1x16xf32, #tpu.memory_space<hbm>> -> memref<16xf32, #tpu.memory_space<hbm>>
      %dma_wait3A_168 = arith.constant 0 : i32
      %dma_wait3A_169 = tpu.memref_slice %arg4[%add3A, %dma_wait3A_168] : memref<32x16xf32, #tpu.memory_space<hbm>> -> memref<1x16xf32, #tpu.memory_space<hbm>>
      %dma_wait3A_170 = tpu.memref_squeeze %dma_wait3A_169 : memref<1x16xf32, #tpu.memory_space<hbm>> -> memref<16xf32, #tpu.memory_space<hbm>>
      tpu.wait_dma2 semaphore(%run_scoped3A : memref<!tpu.dma_semaphore, #tpu.memory_space<semaphore_mem>>) src(%arg7 : memref<16xf32, #tpu.memory_space<vmem>>) dst(%dma_wait3A_170 : memref<16xf32, #tpu.memory_space<hbm>>)
      tpu.yield
    }) : () -> ()
    return
  }
}

module attributes {stable_mosaic.version = 14 : i64} {
  func.func @_tc_body(%arg0: i32, %arg1: memref<256x8192xf32, #tpu.memory_space<vmem>>, %arg2: memref<256x8192xi32, #tpu.memory_space<vmem>>, %arg3: memref<1x1xf32, #tpu.memory_space<smem>>) attributes {dimension_semantics = [#tpu.dimension_semantics<arbitrary>], iteration_bounds = array<i64: 30>, scalar_prefetch = 0 : i64, scratch_operands = 0 : i64, tpu.core_type = #tpu.core_type<tc>, window_params = [{transform_indices = @transform_0, window_bounds = array<i64: 256, 8192>}, {transform_indices = @transform_1, window_bounds = array<i64: 256, 8192>}, {transform_indices = @transform_2, window_bounds = array<i64: 1, 1>}]} {
    %get3A = arith.constant 0 : index
    %get3A_0 = arith.constant 0 : index
    %get3A_1 = vector.load %arg1[%get3A, %get3A_0] : memref<256x8192xf32, #tpu.memory_space<vmem>>, vector<256x8192xf32>
    %get3A_2 = arith.constant 0 : index
    %get3A_3 = arith.constant 0 : index
    %get3A_4 = vector.load %arg2[%get3A_2, %get3A_3] : memref<256x8192xi32, #tpu.memory_space<vmem>>, vector<256x8192xi32>
    %eq3A = arith.constant 0 : i32
    %eq3A_5 = vector.broadcast %eq3A : i32 to vector<256x8192xi32>
    %eq3A_6 = arith.cmpi eq, %get3A_4, %eq3A_5 : vector<256x8192xi32>
    %sub3A = arith.constant 1.000000e-01 : f32
    %sub3A_7 = vector.broadcast %sub3A : f32 to vector<256x8192xf32>
    %sub3A_8 = arith.subf %get3A_1, %sub3A_7 : vector<256x8192xf32>
    %sub3A_9 = arith.constant 1.000000e+00 : f32
    %sub3A_10 = vector.broadcast %sub3A_9 : f32 to vector<256x8192xf32>
    %sub3A_11 = arith.subf %sub3A_10, %get3A_1 : vector<256x8192xf32>
    %select_n3A = arith.select %eq3A_6, %sub3A_8, %sub3A_11 : vector<256x8192xi1>, vector<256x8192xf32>
    %jit3A = arith.constant 0.000000e+00 : f32
    %jit3A_12 = arith.constant 1.000000e+00 : f32
    %max3A = vector.broadcast %jit3A : f32 to vector<256x8192xf32>
    %max3A_13 = arith.maximumf %max3A, %select_n3A : vector<256x8192xf32>
    %min3A = vector.broadcast %jit3A_12 : f32 to vector<256x8192xf32>
    %min3A_14 = arith.minimumf %min3A, %max3A_13 : vector<256x8192xf32>
    %mul3A = arith.mulf %min3A_14, %min3A_14 : vector<256x8192xf32>
    %reduce_sum3A = vector.shape_cast %mul3A : vector<256x8192xf32> to vector<1x256x8192xf32>
    %reduce_sum3A_15 = arith.constant dense<0.000000e+00> : vector<1xf32>
    %reduce_sum3A_16 = vector.multi_reduction <add>, %reduce_sum3A, %reduce_sum3A_15 [1, 2] : vector<1x256x8192xf32> to vector<1xf32>
    %reduce_sum3A_17 = vector.shape_cast %reduce_sum3A_16 : vector<1xf32> to vector<1x1x1xf32>
    %reduce_sum3A_18 = vector.extract %reduce_sum3A_17[0, 0, 0] : f32 from vector<1x1x1xf32>
    %eq3A_19 = arith.constant 0 : i32
    %eq3A_20 = arith.cmpi eq, %arg0, %eq3A_19 : i32
    %convert_element_type3A = arith.extui %eq3A_20 : i1 to i32
    %cond3A = arith.constant 0 : i32
    %cond3A_21 = arith.cmpi ne, %convert_element_type3A, %cond3A : i32
    scf.if %cond3A_21 {
      %swap3A_27 = arith.constant 0.000000e+00 : f32
      %swap3A_28 = arith.constant 0 : index
      %swap3A_29 = arith.constant 0 : index
      %swap3A_30 = memref.load %arg3[%swap3A_28, %swap3A_29] : memref<1x1xf32, #tpu.memory_space<smem>>
      memref.store %swap3A_27, %arg3[%swap3A_28, %swap3A_29] : memref<1x1xf32, #tpu.memory_space<smem>>
    } else {
    }
    %get3A_22 = arith.constant 0 : index
    %get3A_23 = arith.constant 0 : index
    %get3A_24 = memref.load %arg3[%get3A_22, %get3A_23] : memref<1x1xf32, #tpu.memory_space<smem>>
    %add3A = arith.addf %get3A_24, %reduce_sum3A_18 : f32
    %swap3A = arith.constant 0 : index
    %swap3A_25 = arith.constant 0 : index
    %swap3A_26 = memref.load %arg3[%swap3A, %swap3A_25] : memref<1x1xf32, #tpu.memory_space<smem>>
    memref.store %add3A, %arg3[%swap3A, %swap3A_25] : memref<1x1xf32, #tpu.memory_space<smem>>
    return
  }
  func.func @transform_0(%arg0: i32) -> (i32, i32) {
    %add3A = arith.constant 2 : i32
    %add3A_0 = arith.addi %arg0, %add3A : i32
    %c0_i32 = arith.constant 0 : i32
    %c0_i32_1 = arith.constant 0 : i32
    return %add3A_0, %c0_i32 : i32, i32
  }
  func.func @transform_1(%arg0: i32) -> (i32, i32) {
    %add3A = arith.constant 2 : i32
    %add3A_0 = arith.addi %arg0, %add3A : i32
    %c0_i32 = arith.constant 0 : i32
    %c0_i32_1 = arith.constant 0 : i32
    return %add3A_0, %c0_i32 : i32, i32
  }
  func.func @transform_2(%arg0: i32) -> (i32, i32) {
    %c0_i32 = arith.constant 0 : i32
    %c0_i32_0 = arith.constant 0 : i32
    %c0_i32_1 = arith.constant 0 : i32
    return %c0_i32, %c0_i32_0 : i32, i32
  }
}

</mosaic_0001>

<sc_bundles>
// kernel: kernel.4.cloned.1.call-start
scs
__scs_entry_jumppad:
0x0: {  	(pc) =	sbr.rel $0x88, $3  }
0x1: {  	(tag) =	ssettag $0x0;
	lr =	simm.s32 $0x1  }
0x2: {  	[smem:$0x3F9F] =	sst lr;
	_ =	strace $0xD0000000  }
0x3: {  	_ = 	snop  }
0x4: {  	_ = 	snop  }
0x5: {  	_ = 	snop  }
0x6: {  	_ = 	snop  }
0x7: {  	_ = 	snop  }
__scs_overlays_trampoline_lowered:
0x8: {  	[smem:$0x3FAE] =	sst s0  }
0x9: {  	[smem:$0x3FAF] =	sst s1  }
0xa: {  	[smem:$0x3FB0] =	sst s2  }
0xb: {  	[smem:$0x3FB1] =	sst s3  }
0xc: {  	[smem:$0x3FB2] =	sst s4  }
0xd: {  	[smem:$0x3FB3] =	sst s5  }
0xe: {  	[smem:$0x3FB4] =	sst s6  }
0xf: {  	[smem:$0x3FB5] =	sst s7  }
0x10: {  	[smem:$0x3FB6] =	sst s8  }
0x11: {  	[smem:$0x3FB7] =	sst s9;
	s0 =	simm.s32 @!p0 $0x0  }
0x12: {  	s1 =	sld [smem:$0x3F9D];
	s0 =	simm.s32 @p0 $0x1  }
0x13: {  	[smem:$0x3FB8] =	sst s0;
	s0 =	simm.s32 @!p1 $0x0  }
0x14: {  	s2 =	sld [smem:$0x3F9C];
	s0 =	simm.s32 @p1 $0x1  }
0x15: {  	[smem:$0x3FB9] =	sst s0;
	s0 =	simm.s32 @!p2 $0x0  }
0x16: {  	s3 =	sld [smem:$0x3FDB];
	s0 =	simm.s32 @p2 $0x1  }
0x17: {  	s4 =	simm.s32 $0x1BF5;
	[smem:$0x3FBB] =	sst s0  }
0x18: {  	s0 =	sld [smem:$0x3F9E];
	_ =	swait.ge [sflag:s4], $0x0  }
0x19: {  	s7 =	sld [smem:$0x3F9F]  }
0x1a: {  	s8 =	sadd.s32 $0xFFFFE003, lr  }
0x1b: {  	s9 =	sadd.s32 $0xFFFFFEF7, lr;
	s5 =	simm.s32 $0xFFFFFFFF;
	p2 =	slt.u32 s8, $0xFFFFF086  }
0x1c: {  	p1 =	slt.u32 s9, $0xF7A;
	s5 =	simm.s32 @!p2 $0x0  }
0x1d: {  	s5 =	simm.s32 @p1 $0x1;
	p0 =	seq.s32 s7, s2  }
0x1e: {  	s7 =	smul.u32 @!p0 $0xF7A, s2;
	p2 =	seq.s32 @!p0 s5, $0x0  }
0x1f: {  	s9 =	smul.u32 $0xF7A, s1;
	s8 =	simm.s32 @!p0 $0x1BF5;
	p2 =	por !p2, p0  }
0x20: {  	[sflag:s8] =	ssyncset.s32 @!p0 $0xFFFFF086;
	s6 =	sadd.s32 @!p0 s3, s7;
	s7 =	simm.s32 @!p0 $0x108  }
0x21: {  	s3 =	sadd.s32 s3, s9;
	s6 =	sadd.s32 @!p0 $0x88, s6;
	s7 =	simm.s32 @p2 $0x1082  }
0x22: {  	[simem:s7], [sflag:s8] =	dma.local @!p0 [hbm:s6], $0xF7A  }
0x23: {  	s9 =	sor.u32 $0xD0000000, s2;
	s6 =	simm.s32 $0x108;
	_ =	swait.ge @!p0 [sflag:s8], $0x0  }
0x24: {  	s3 =	sadd.s32 $0x88, s3;
	s6 =	simm.s32 @!p1 $0x1082;
	[sflag:s4] =	ssyncset.s32 $0xFFFFF086  }
0x25: {  	[simem:s6], [sflag:s4] =	dma.local [hbm:s3], $0xF7A  }
0x26: {  	[smem:$0x3F9F] =	sst s1;
	(tag) =	ssettag s2;
	_ =	strace s9  }
0x27: {  	s1 =	sld [smem:$0x3FAF]  }
0x28: {  	s2 =	sld [smem:$0x3FB0]  }
0x29: {  	s4 =	sld [smem:$0x3FB2]  }
0x2a: {  	p0 =	seq.s32 s5, $0x0;
	s5 =	sld [smem:$0x3FB3]  }
0x2b: {  	s6 =	sld [smem:$0x3FB4]  }
0x2c: {  	s7 =	sld [smem:$0x3FB5]  }
0x2d: {  	s3 =	simm.s32 $0x108;
	s8 =	sld [smem:$0x3FB6]  }
0x2e: {  	s3 =	simm.s32 @!p0 $0x1082;
	s9 =	sld [smem:$0x3FB7]  }
0x2f: {  	lr =	sadd.s32 s0, s3;
	s0 =	sld [smem:$0x3FAE]  }
0x30: {  	s3 =	sld [smem:$0x3FB1]  }
0x31: {  	[smem:$0x3FBA] =	sst s10  }
0x32: {  	s10 =	sld [smem:$0x3FB8];
	_ =	sdelay $0x3  }
0x33: {  	p0 =	seq.s32 s10, $0x1;
	s10 =	sld [smem:$0x3FBA];
	_ =	sdelay $0x3  }
0x34: {  	[smem:$0x3FBA] =	sst s10  }
0x35: {  	s10 =	sld [smem:$0x3FB9];
	_ =	sdelay $0x3  }
0x36: {  	p1 =	seq.s32 s10, $0x1;
	s10 =	sld [smem:$0x3FBA];
	_ =	sdelay $0x3  }
0x37: {  	[smem:$0x3FBA] =	sst s10  }
0x38: {  	s10 =	sld [smem:$0x3FBB]  }
0x39: {  	_ = 	snop;
	(pc) =	sbr.ind lr, $3  }
0x3a: {  	_ = 	snop  }
0x3b: {  	_ = 	snop  }
0x3c: {  	p2 =	seq.s32 s10, $0x1;
	s10 =	sld [smem:$0x3FBA]  }
0x3d: {  	_ =	shalt  }
0x3e: {  	_ =	shalt  }
0x3f: {  	_ =	shalt  }
0x40: {  	_ =	shalt  }
0x41: {  	_ =	shalt  }
0x42: {  	_ =	shalt  }
0x43: {  	_ =	shalt  }
0x44: {  	_ =	shalt  }
0x45: {  	_ =	shalt  }
0x46: {  	_ =	shalt  }
0x47: {  	_ =	shalt  }
0x48: {  	_ =	shalt  }
0x49: {  	_ =	shalt  }
0x4a: {  	_ =	shalt  }
0x4b: {  	_ =	shalt  }
0x4c: {  	_ =	shalt  }
0x4d: {  	_ =	shalt  }
0x4e: {  	_ =	shalt  }
0x4f: {  	_ =	shalt  }
0x50: {  	_ =	shalt  }
0x51: {  	_ =	shalt  }
0x52: {  	_ =	shalt  }
0x53: {  	_ =	shalt  }
0x54: {  	_ =	shalt  }
0x55: {  	_ =	shalt  }
0x56: {  	_ =	shalt  }
0x57: {  	_ =	shalt  }
0x58: {  	_ =	shalt  }
0x59: {  	_ =	shalt  }
0x5a: {  	_ =	shalt  }
0x5b: {  	_ =	shalt  }
0x5c: {  	_ =	shalt  }
0x5d: {  	_ =	shalt  }
0x5e: {  	_ =	shalt  }
0x5f: {  	_ =	shalt  }
0x60: {  	_ =	shalt  }
0x61: {  	_ =	shalt  }
0x62: {  	_ =	shalt  }
0x63: {  	_ =	shalt  }
0x64: {  	_ =	shalt  }
0x65: {  	_ =	shalt  }
0x66: {  	_ =	shalt  }
0x67: {  	_ =	shalt  }
0x68: {  	_ =	shalt  }
0x69: {  	_ =	shalt  }
0x6a: {  	_ =	shalt  }
0x6b: {  	_ =	shalt  }
0x6c: {  	_ =	shalt  }
0x6d: {  	_ =	shalt  }
0x6e: {  	_ =	shalt  }
0x6f: {  	_ =	shalt  }
0x70: {  	_ =	shalt  }
0x71: {  	_ =	shalt  }
0x72: {  	_ =	shalt  }
0x73: {  	_ =	shalt  }
0x74: {  	_ =	shalt  }
0x75: {  	_ =	shalt  }
0x76: {  	_ =	shalt  }
0x77: {  	_ =	shalt  }
0x78: {  	_ =	shalt  }
0x79: {  	_ =	shalt  }
0x7a: {  	_ =	shalt  }
0x7b: {  	_ =	shalt  }
0x7c: {  	_ =	shalt  }
0x7d: {  	_ =	shalt  }
0x7e: {  	_ =	shalt  }
0x7f: {  	_ =	shalt  }
0x80: {  	_ =	shalt  }
0x81: {  	_ =	shalt  }
0x82: {  	_ =	shalt  }
0x83: {  	_ =	shalt  }
0x84: {  	_ =	shalt  }
0x85: {  	_ =	shalt  }
0x86: {  	_ =	shalt  }
0x87: {  	_ =	shalt  }
.Lfunc_end0:
.L_simem_size_0:
called_computation_lowered:
.L_overlay_start_0:
0x88: {  	s2 =	sld [smem:$0x3FD9]  }
0x89: {  	s3 =	sld [smem:$0x3FFE];
	_ =	sdelay $0x1  }
0x8a: {  	s1 =	srdreg.scid  }
0x8b: {  	s0 =	sand.u32 $0x1, s1  }
0x8c: {  	s17 =	sshll.u32 s0, $0xA;
	s2 =	sadd.s32 s3, s2  }
0x8d: {  	s2 =	sadd.s32 s2, s17  }
0x8e: {  	[smem:$0x3FC6] =	sst s2  }
0x8f: {  	_ = 	snop  }
0x90: {  	s2 =	sld [smem:$0x3FC9]  }
0x91: {  	s18 =	sld [smem:$0x3FC8];
	(tm) =	ssettm $0x1  }
0x92: {  	s4 =	sld [smem:$0x3FFB];
	_ =	sdelay $0x3  }
0x93: {  	_ =	strace s4  }
0x94: {  	s4 =	sld [smem:$0x3FFC];
	_ =	sdelay $0x3  }
0x95: {  	_ =	strace s4  }
0x96: {  	s4 =	sld [smem:$0x3FFD];
	_ =	sdelay $0x3  }
0x97: {  	_ =	strace s4  }
0x98: {  	_ =	strace $0x8FFFFFFF  }
0x99: {  	s19 =	sld [smem:$0x3FDB];
	_ =	sdelay $0x1  }
0x9a: {  	s5 =	simm.s32 $_scs_section_size  }
0x9b: {  	s6 =	simm.s32 $_size__tile_overlayer_lowered;
	s7 =	simm.s32 $_tile_overlayer_lowered  }
0x9c: {  	s22 =	simm.s32 $0x1BFF;
	s21 =	sshll.u32 s7, $0x1;
	s4 =	sadd.s32 s5, s19  }
0x9d: {  	s8 =	simm.s32 $0x0;
	s20 =	sshll.u32 s6, $0x1;
	s6 =	sadd.s32 s21, s4  }
0x9e: {  	[timem:s8], [sflag:s22] =	dma.local [hbm:s6], s20  }
0x9f: {  	_ =	swait.ge [sflag:s22], s20  }
0xa0: {  	s5 =	ssub.s32 $0x0, s20;
	[sflag:s22] =	ssyncset.done $0x0  }
0xa1: {  	[sflag:s22] =	ssyncadd.s32 s5;
	_ =	sdelay $0x1  }
0xa2: {  	s23 =	simm.s32 $0x1B8B  }
0xa3: {  	_ =	swait.ge [sflag:s23], $0x1  }
0xa4: {  	[sflag:s23] =	ssyncset.done $0x0  }
0xa5: {  	s25 =	simm.s32 $0x1B8E;
	s24 =	sld [smem:$0x3FFE];
	[sflag:s23] =	ssyncadd.s32 $0xFFFFFFFF  }
0xa6: {  	s26 =	simm.s32 $execute0_lowered;
	[smem:$0x3FD2] =	sst s25  }
0xa7: {  	s6 =	sshll.u32 s26, $0x1;
	_ =	strace $0x80000046;
	[dreg:$0x1] =	wrdreg $0xFFFFFFFF  }
0xa8: {  	s28 =	simm.s32 $_size_execute0_lowered;
	s4 =	sadd.s32 s4, s6;
	[dreg:$0x0] =	wrdreg $0x0  }
0xa9: {  	s6 =	sshll.u32 s28, $0x1;
	[dreg:$0x2] =	wrdreg s4  }
0xaa: {  	[dreg:$0x3] =	wrdreg s6  }
0xab: {  	[dreg:$0x4] =	wrdreg $0xC0  }
0xac: {  	_ =	task [dreg:s8], $0x5FFFF  }
0xad: {  	[dreg:$0x1] =	wrdreg $0xFFFFFFFF  }
0xae: {  	[dreg:$0x0] =	wrdreg $0x60  }
0xaf: {  	[dreg:$0x2] =	wrdreg s2  }
0xb0: {  	[dreg:$0x3] =	wrdreg s18  }
0xb1: {  	[dreg:$0x4] =	wrdreg s24  }
0xb2: {  	[dreg:$0x5] =	wrdreg $0x9  }
0xb3: {  	_ =	task.clear_ibuf [dreg:s8], $0x6FFFF;
	_ =	strace $0x90000046  }
0xb4: {  	s29 =	simm.s32 $0x9;
	_ =	strace $0x80000048  }
0xb5: {  	_ =	swait.ge [sflag:s29], $0x1  }
0xb6: {  	[sflag:s29] =	ssyncadd.s32 $0xFFFFFFFF  }
0xb7: {  	_ =	strace $0x90000048  }
0xb8: {  	_ =	sfence  }
0xb9: {  	s30 =	sld [smem:$0x0];
	_ =	sdelay $0x2  }
0xba: {  	s31 =	sshll.u32 s1, $0xD;
	s1 =	sshrl.u32 s1, $0x2  }
0xbb: {  	s3 =	sand.u32 $0x4000, s31;
	s1 =	sadd.s32 s1, s30  }
0xbc: {  	s0 =	sor.u32 s3, s0;
	s1 =	sshll.u32 s1, $0x11  }
0xbd: {  	s0 =	sor.u32 s1, s0  }
0xbe: {  	s0 =	sadd.s32 $0x8F2B, s0  }
0xbf: {  	[sflag:s0] =	ssyncadd.remote.s32 $0x1  }
0xc0: {  	_ =	sfence.sel $0xFFFF  }
0xc1: {  	[dreg:$0x0] =	wrdreg $0xFFFFFFFF;
	(pc) =	sbr.abs _section_cstart, $3  }
0xc2: {  	[dreg:$0x1] =	wrdreg $0xFFFFFFFF  }
0xc3: {  	_ =	task.clear_ibuf [dreg:s8], $0x2FFFF;
	_ =	strace $0x9FFFFFFF  }
0xc4: {  	(tm) =	ssettm $0x7FFFFFFF  }
0xc5: {  	_ =	shalt  }
tec
execute0_lowered:
.L_overlay_start_1:
0x0: {  	(tag) =	ssettag $0x1  }
0x1: {  	s1 =	rddreg [dreg:$0x0]  }
0x2: {  	s3 =	rddreg [dreg:$0x1]  }
0x3: {  	s10 =	rddreg [dreg:$0x2];
	s4 =	srdreg.scid  }
0x4: {  	s0 =	rddreg [dreg:$0x3];
	s2 =	stileid.u32;
	s12 =	simm.s32 $0x100  }
0x5: {  	s13 =	simm.s32 $0x400;
	s14 =	simm.s32 $0x8000;
	s15 =	simm.s32 $0x4000  }
0x6: {  	s16 =	simm.s32 $0xC000;
	s17 =	simm.s32 $0x1;
	s18 =	simm.s32 $0x2  }
0x7: {  	s19 =	simm.s32 $0x10000;
	s20 =	simm.s32 $0x3;
	s21 =	simm.s32 $0x0  }
0x8: {  	s5 =	sand.u32 $0x1, s4;
	s4 =	simm.s32 $0x0;
	s7 =	sshll.u32 s2, $0x1  }
0x9: {  	s6 =	ssub.s32 $0x2, s5;
	[smem:$0x7FF] =	sst s4;
	s5 =	sor.u32 s5, s7  }
0xa: {  	s8 =	sshrl.u32 s6, $0x1;
	_ =	strace $0x80000047;
	s7 =	sshll.u32 s5, $0xE  }
0xb: {  	s5 =	sshll.u32 s5, $0x4;
	s11 =	ssub.s32 s6, s8;
	s6 =	sadd.s32 s1, s7  }
0xc: {  	s9 =	sor.u32 $0x20, s7;
	s7 =	sadd.s32 s3, s7;
	s10 =	sadd.s32 s10, s5  }
0xd: {  	s8 =	sadd.s32 s1, s9;
	s9 =	sadd.s32 s3, s9;
	s11 =	smax.u32 s11, $0x1  }
.LBB2_1:
0xe: {  	[tilespmem:s4], [sflag:$0x1] =	stream.strided.gather [hbm4b:s6+s12], $0x4000, s13, s12, $0x38;
	[tilespmem:$0x10080] =	vst v63  }
0xf: {  	_ = 	snop  }
0x10: {  	[tilespmem:s14], [sflag:$0x2] =	stream.strided.gather [hbm4b:s7+s12], $0x4000, s13, s12, $0x38;
	[tilespmem:$0x10080] =	vst v63  }
0x11: {  	_ = 	snop  }
0x12: {  	v6 =	vimm.f32 $0.0e+00;
	v1 =	vimm.f32 $0.0e+00;
	[tilespmem:s15], [sflag:$0x1] =	stream.strided.gather [hbm4b:s8+s12], $0x4000, s13, s12, $0x38;
	[tilespmem:$0x10080] =	vst v63  }
0x13: {  	v5 =	vimm.f32 $0.0e+00;
	v2 =	vimm.f32 $0.0e+00;
	v3 =	vimm.f32 $0.0e+00;
	s22 =	simm.s32 $0x0  }
0x14: {  	v4 =	vimm.f32 $0.0e+00;
	v0 =	vimm.f32 $0.0e+00;
	v7 =	vimm.f32 $0.0e+00;
	[tilespmem:s16], [sflag:$0x2] =	stream.strided.gather [hbm4b:s9+s12], $0x4000, s13, s12, $0x38;
	[tilespmem:$0x10080] =	vst v63  }
.LBB2_2:
0x15: {  	_ =	swait.ge [sflag:s17], $0x4000  }
0x16: {  	[sflag:s17] =	ssyncset.done $0x0  }
0x17: {  	[sflag:s17] =	ssyncadd.s32 $0xFFFFC000  }
0x18: {  	_ =	swait.ge [sflag:s18], $0x4000  }
0x19: {  	[sflag:s18] =	ssyncset.done $0x0  }
0x1a: {  	s24 =	simm.s32 $0x0;
	[sflag:s18] =	ssyncadd.s32 $0xFFFFC000  }
0x1b: {  	v9 =	vld [tilespmem:s24+$0x8050]  }
0x1c: {  	v20 =	vld [tilespmem:s24+$0x8040]  }
0x1d: {  	v8 =	vld [tilespmem:s24+$0x8020]  }
0x1e: {  	v13 =	vld [tilespmem:s24+$0x8070]  }
0x1f: {  	v14 =	vld [tilespmem:s24+$0x8060]  }
0x20: {  	v15 =	vld [tilespmem:s24+$0x70]  }
0x21: {  	v10 =	vld [tilespmem:s24+$0x40]  }
0x22: {  	v16 =	vld [tilespmem:s24+$0x50]  }
0x23: {  	v21 =	vld [tilespmem:s24+$0x20]  }
0x24: {  	v11 =	vld [tilespmem:s24+$0x60]  }
0x25: {  	v12 =	vld [tilespmem:s24+$0x0];
	vm2 =	veq.s32 v8, $0x0;
	vm0 =	veq.s32 v14, $0x0  }
0x26: {  	vm3 =	veq.s32 v13, $0x0;
	v14 =	vadd.f32 $-1.000000010e-01, v15;
	v8 =	vld [tilespmem:s24+$0x10];
	v17 =	vsub.f32 $1.000000000e+00, v15  }
0x27: {  	v13 =	vld [tilespmem:s24+$0x8000];
	vm4 =	veq.s32 v9, $0x0;
	v18 =	vadd.f32 $-1.000000010e-01, v16;
	v19 =	vsub.f32 $1.000000000e+00, v16  }
0x28: {  	s23 =	simm.s32 $0x400;
	v15 =	vadd.f32 $-1.000000010e-01, v21;
	v16 =	vsub.f32 $1.000000000e+00, v21;
	vm1 =	veq.s32 v20, $0x0;
	v9 =	vld [tilespmem:s24+$0x80]  }
.LBB2_3:
0x29: {  	p0 =	sne.s32 s23, $0xFC00;
	v20 =	vld [tilespmem:s24+$0x8010];
	v21 =	vadd.f32 $-1.000000010e-01, v10;
	v18 =	vsel vm4, v18, v19;
	v14 =	vsel vm3, v14, v17;
	s25 =	smov.u32 s23;
	s23 =	sadd.s32 $0x400, s23  }
0x2a: {  	v19 =	vadd.f32 $-1.000000010e-01, v11;
	v17 =	vadd.f32 $-1.000000010e-01, v12;
	v14 =	vmax.f32 v14, $0.0e+00;
	v22 =	vld [tilespmem:s24+$0xE0]  }
0x2b: {  	v12 =	vsub.f32 $1.000000000e+00, v12;
	v15 =	vsel vm2, v15, v16;
	v16 =	vld [tilespmem:s24+$0x30];
	v14 =	vmin.f32 v14, $1.000000000e+00  }
0x2c: {  	v11 =	vsub.f32 $1.000000000e+00, v11;
	vm2 =	veq.s32 v13, $0x0;
	v13 =	vld [tilespmem:s24+$0x8030];
	v14 =	vmul.f32 v14, v14  }
0x2d: {  	v12 =	vsel vm2, v17, v12;
	v17 =	vadd.f32 $-1.000000010e-01, v8;
	v23 =	vld [tilespmem:s24+$0x8080];
	v24 =	vsub.f32 $1.000000000e+00, v9  }
0x2e: {  	v10 =	vsub.f32 $1.000000000e+00, v10;
	v15 =	vmax.f32 v15, $0.0e+00;
	v12 =	vmax.f32 v12, $0.0e+00;
	v25 =	vld [tilespmem:s24+$0xF0]  }
0x2f: {  	v15 =	vmin.f32 v15, $1.000000000e+00;
	v12 =	vmin.f32 v12, $1.000000000e+00;
	v26 =	vsub.f32 $1.000000000e+00, v22;
	v27 =	vld [tilespmem:s24+$0x80F0]  }
0x30: {  	v15 =	vmul.f32 v15, v15;
	v12 =	vmul.f32 v12, v12;
	v28 =	vsub.f32 $1.000000000e+00, v16;
	v29 =	vld [tilespmem:s24+$0x80E0]  }
0x31: {  	v11 =	vsel vm0, v19, v11;
	vm2 =	veq.s32 v20, $0x0;
	v16 =	vadd.f32 $-1.000000010e-01, v16;
	v19 =	vld [tilespmem:s24+$0xA0]  }
0x32: {  	v11 =	vmax.f32 v11, $0.0e+00;
	v7 =	vadd.f32 v12, v7;
	vm3 =	veq.s32 v23, $0x0;
	v12 =	vld [tilespmem:s24+$0xD0]  }
0x33: {  	v10 =	vsel vm1, v21, v10;
	vm4 =	veq.s32 v13, $0x0;
	v13 =	vld [tilespmem:s24+$0xC0];
	v20 =	vsub.f32 $1.000000000e+00, v25  }
0x34: {  	v18 =	vmax.f32 v18, $0.0e+00;
	v22 =	vadd.f32 $-1.000000010e-01, v22;
	v21 =	vld [tilespmem:s24+$0xB0];
	vm0 =	veq.s32 v27, $0x0  }
0x35: {  	v11 =	vmin.f32 v11, $1.000000000e+00;
	v16 =	vsel vm4, v16, v28;
	v23 =	vld [tilespmem:s24+$0x80B0];
	vm1 =	veq.s32 v29, $0x0  }
0x36: {  	v10 =	vmax.f32 v10, $0.0e+00;
	v9 =	vadd.f32 $-1.000000010e-01, v9;
	v11 =	vmul.f32 v11, v11;
	v27 =	vld [tilespmem:s24+$0x80C0]  }
0x37: {  	v10 =	vmin.f32 v10, $1.000000000e+00;
	v16 =	vmax.f32 v16, $0.0e+00;
	v29 =	vsub.f32 $1.000000000e+00, v19;
	v28 =	vld [tilespmem:s24+$0x80A0]  }
0x38: {  	v18 =	vmin.f32 v18, $1.000000000e+00;
	v22 =	vsel vm1, v22, v26;
	v30 =	vsub.f32 $1.000000000e+00, v13;
	v31 =	vld [tilespmem:s24+$0x80D0]  }
0x39: {  	v6 =	vadd.f32 v14, v6;
	v22 =	vmax.f32 v22, $0.0e+00;
	v14 =	vld [tilespmem:s24+$0x90];
	v26 =	vsub.f32 $1.000000000e+00, v21  }
0x3a: {  	v19 =	vadd.f32 $-1.000000010e-01, v19;
	v22 =	vmin.f32 v22, $1.000000000e+00;
	v32 =	vld [tilespmem:s24+$0x8090];
	vm4 =	veq.s32 v23, $0x0  }
0x3b: {  	v1 =	vadd.f32 v11, v1;
	v9 =	vsel vm3, v9, v24;
	v11 =	vadd.f32 $-1.000000010e-01, v25  }
0x3c: {  	v18 =	vmul.f32 v18, v18;
	v16 =	vmin.f32 v16, $1.000000000e+00;
	vm3 =	veq.s32 v27, $0x0  }
0x3d: {  	v10 =	vmul.f32 v10, v10;
	v4 =	vadd.f32 v15, v4;
	vm1 =	veq.s32 v31, $0x0  }
0x3e: {  	v5 =	vadd.f32 v18, v5;
	v15 =	vmul.f32 v16, v16;
	v16 =	vsub.f32 $1.000000000e+00, v14  }
0x3f: {  	v9 =	vmax.f32 v9, $0.0e+00;
	v18 =	vadd.f32 $-1.000000010e-01, v21;
	vm5 =	veq.s32 v32, $0x0  }
0x40: {  	v3 =	vadd.f32 v15, v3;
	vm6 =	veq.s32 v28, $0x0;
	v14 =	vadd.f32 $-1.000000010e-01, v14  }
0x41: {  	v2 =	vadd.f32 v10, v2;
	v10 =	vadd.f32 $-1.000000010e-01, v13;
	v13 =	vmul.f32 v22, v22  }
0x42: {  	v8 =	vsub.f32 $1.000000000e+00, v8;
	v11 =	vsel vm0, v11, v20;
	v15 =	vsel vm6, v19, v29  }
0x43: {  	v9 =	vmin.f32 v9, $1.000000000e+00;
	v19 =	vsub.f32 $1.000000000e+00, v12;
	v15 =	vmax.f32 v15, $0.0e+00  }
0x44: {  	v8 =	vsel vm2, v17, v8;
	v9 =	vmul.f32 v9, v9;
	v14 =	vsel vm5, v14, v16  }
0x45: {  	v10 =	vsel vm3, v10, v30;
	v12 =	vadd.f32 $-1.000000010e-01, v12;
	v16 =	vsel vm4, v18, v26  }
0x46: {  	v8 =	vmax.f32 v8, $0.0e+00;
	v1 =	vadd.f32 v13, v1;
	v16 =	vmax.f32 v16, $0.0e+00  }
0x47: {  	v11 =	vmax.f32 v11, $0.0e+00;
	v10 =	vmax.f32 v10, $0.0e+00;
	v13 =	vmin.f32 v15, $1.000000000e+00  }
0x48: {  	v8 =	vmin.f32 v8, $1.000000000e+00;
	v7 =	vadd.f32 v9, v7;
	v9 =	vmin.f32 v11, $1.000000000e+00  }
0x49: {  	v10 =	vmin.f32 v10, $1.000000000e+00;
	v11 =	vmax.f32 v14, $0.0e+00;
	v14 =	vmin.f32 v16, $1.000000000e+00  }
0x4a: {  	v8 =	vmul.f32 v8, v8;
	s24 =	sshra.s32 s25, $0x2;
	v13 =	vmul.f32 v13, v13;
	v11 =	vmin.f32 v11, $1.000000000e+00  }
0x4b: {  	v10 =	vmul.f32 v10, v10;
	v12 =	vsel vm1, v12, v19;
	v11 =	vmul.f32 v11, v11;
	v15 =	vld [tilespmem:s24+$0x8050]  }
0x4c: {  	v12 =	vmax.f32 v12, $0.0e+00;
	v4 =	vadd.f32 v13, v4;
	v13 =	vmul.f32 v14, v14;
	v20 =	vld [tilespmem:s24+$0x8040]  }
0x4d: {  	v0 =	vadd.f32 v8, v0;
	v2 =	vadd.f32 v10, v2;
	v8 =	vmin.f32 v12, $1.000000000e+00;
	v14 =	vld [tilespmem:s24+$0x8020]  }
0x4e: {  	v9 =	vmul.f32 v9, v9;
	v8 =	vmul.f32 v8, v8;
	v3 =	vadd.f32 v13, v3;
	v16 =	vld [tilespmem:s24+$0x8070]  }
0x4f: {  	v0 =	vadd.f32 v11, v0;
	v13 =	vld [tilespmem:s24+$0x8060]  }
0x50: {  	v6 =	vadd.f32 v9, v6;
	v5 =	vadd.f32 v8, v5;
	v17 =	vld [tilespmem:s24+$0x70]  }
0x51: {  	v10 =	vld [tilespmem:s24+$0x40]  }
0x52: {  	vm2 =	veq.s32 v14, $0x0;
	v9 =	vld [tilespmem:s24+$0x50]  }
0x53: {  	v21 =	vld [tilespmem:s24+$0x20]  }
.Ltmp0:
0x54: {  	v11 =	vld [tilespmem:s24+$0x60];
	(pc) =	sbr.rel @p0 .LBB2_3-.Ltmp0, $4  }
0x55: {  	vm3 =	veq.s32 v16, $0x0;
	vm0 =	veq.s32 v13, $0x0;
	v12 =	vld [tilespmem:s24+$0x0];
	v14 =	vadd.f32 $-1.000000010e-01, v17  }
0x56: {  	v17 =	vsub.f32 $1.000000000e+00, v17;
	v8 =	vld [tilespmem:s24+$0x10]  }
0x57: {  	vm4 =	veq.s32 v15, $0x0;
	v13 =	vld [tilespmem:s24+$0x8000];
	v18 =	vadd.f32 $-1.000000010e-01, v9;
	v19 =	vsub.f32 $1.000000000e+00, v9  }
0x58: {  	vm1 =	veq.s32 v20, $0x0;
	v15 =	vadd.f32 $-1.000000010e-01, v21;
	v16 =	vsub.f32 $1.000000000e+00, v21;
	v9 =	vld [tilespmem:s24+$0x80]  }
0x59: {  	v21 =	vadd.f32 $-1.000000010e-01, v10;
	v18 =	vsel vm4, v18, v19;
	v19 =	vadd.f32 $-1.000000010e-01, v11  }
0x5a: {  	v14 =	vsel vm3, v14, v17;
	v11 =	vsub.f32 $1.000000000e+00, v11;
	v10 =	vsub.f32 $1.000000000e+00, v10  }
0x5b: {  	v20 =	vld [tilespmem:s24+$0x8010];
	v17 =	vadd.f32 $-1.000000010e-01, v12;
	v14 =	vmax.f32 v14, $0.0e+00;
	v12 =	vsub.f32 $1.000000000e+00, v12  }
0x5c: {  	v22 =	vld [tilespmem:s24+$0xE0];
	v15 =	vsel vm2, v15, v16;
	v18 =	vmax.f32 v18, $0.0e+00;
	v14 =	vmin.f32 v14, $1.000000000e+00  }
0x5d: {  	v23 =	vld [tilespmem:s24+$0x8080];
	v15 =	vmax.f32 v15, $0.0e+00;
	v11 =	vsel vm0, v19, v11;
	v10 =	vsel vm1, v21, v10  }
0x5e: {  	v27 =	vld [tilespmem:s24+$0x80F0];
	v18 =	vmin.f32 v18, $1.000000000e+00;
	vm2 =	veq.s32 v13, $0x0;
	v14 =	vmul.f32 v14, v14  }
0x5f: {  	v29 =	vld [tilespmem:s24+$0x80E0];
	v15 =	vmin.f32 v15, $1.000000000e+00;
	v11 =	vmax.f32 v11, $0.0e+00;
	v10 =	vmax.f32 v10, $0.0e+00  }
0x60: {  	v30 =	vld [tilespmem:s24+$0x8090];
	v18 =	vmul.f32 v18, v18;
	v12 =	vsel vm2, v17, v12;
	v17 =	vadd.f32 $-1.000000010e-01, v8  }
0x61: {  	v60 =	vld [tilespmem:s24+$0x80A0];
	v24 =	vsub.f32 $1.000000000e+00, v9;
	v15 =	vmul.f32 v15, v15;
	v11 =	vmin.f32 v11, $1.000000000e+00  }
0x62: {  	v16 =	vld [tilespmem:s24+$0x30];
	v9 =	vadd.f32 $-1.000000010e-01, v9;
	v10 =	vmin.f32 v10, $1.000000000e+00;
	v8 =	vsub.f32 $1.000000000e+00, v8  }
0x63: {  	v55 =	vld [tilespmem:s24+$0x80C0];
	v12 =	vmax.f32 v12, $0.0e+00;
	v26 =	vsub.f32 $1.000000000e+00, v22;
	vm2 =	veq.s32 v20, $0x0  }
0x64: {  	v61 =	vld [tilespmem:s24+$0xD0];
	vm4 =	veq.s32 v23, $0x0;
	v53 =	vadd.f32 $-1.000000010e-01, v22;
	vm0 =	veq.s32 v27, $0x0  }
0x65: {  	v19 =	vld [tilespmem:s24+$0xA0];
	vm1 =	veq.s32 v29, $0x0;
	v11 =	vmul.f32 v11, v11;
	v14 =	vadd.f32 v14, v6  }
0x66: {  	v25 =	vld [tilespmem:s24+$0xF0];
	s23 =	sshll.u32 s22, $0x2;
	v10 =	vmul.f32 v10, v10;
	v5 =	vadd.f32 v18, v5;
	vm5 =	veq.s32 v30, $0x0  }
0x67: {  	v58 =	vld [tilespmem:s24+$0x80D0];
	s25 =	sadd.s32 $0x4, s23;
	vm6 =	veq.s32 v60, $0x0;
	v12 =	vmin.f32 v12, $1.000000000e+00;
	v28 =	vsub.f32 $1.000000000e+00, v16  }
0x68: {  	s26 =	sadd.s32 s5, s25;
	v13 =	vld [tilespmem:s24+$0x8030];
	v16 =	vadd.f32 $-1.000000010e-01, v16;
	v9 =	vsel vm4, v9, v24;
	vm4 =	veq.s32 v55, $0x0  }
0x69: {  	s25 =	sshll.u32 s25, $0x4;
	s26 =	sshll.u32 s26, $0xA;
	v4 =	vadd.f32 v15, v4;
	v8 =	vsel vm2, v17, v8;
	v17 =	vadd.f32 $-1.000000010e-01, v61  }
0x6a: {  	v54 =	vld [tilespmem:s24+$0x80B0];
	s25 =	sand.u32 $0x40, s25;
	s26 =	sand.u32 $0xFFFE000, s26;
	v12 =	vmul.f32 v12, v12;
	v56 =	vsub.f32 $1.000000000e+00, v19;
	v19 =	vadd.f32 $-1.000000010e-01, v19  }
0x6b: {  	v20 =	vld [tilespmem:s24+$0xB0];
	s25 =	sor.u32 s25, s26;
	v21 =	vsel vm1, v53, v26;
	v1 =	vadd.f32 v11, v1;
	v11 =	vadd.f32 $-1.000000010e-01, v25  }
0x6c: {  	s30 =	simm.s32 $0x0;
	v6 =	vld [tilespmem:s24+$0x90];
	s29 =	sadd.s32 s1, s25;
	vm1 =	veq.s32 v58, $0x0;
	v9 =	vmax.f32 v9, $0.0e+00;
	v2 =	vadd.f32 v10, v2  }
0x6d: {  	v8 =	vmax.f32 v8, $0.0e+00;
	vm3 =	veq.s32 v13, $0x0;
	v7 =	vadd.f32 v12, v7;
	v12 =	vld [tilespmem:s24+$0xC0];
	[tilespmem:s30], [sflag:$0x1] =	stream.strided.gather [hbm4b:s29+s12], $0x4000, s13, s12, $0x38  }
0x6e: {  	s31 =	sadd.s32 s3, s25;
	v13 =	vsub.f32 $1.000000000e+00, v25;
	v21 =	vmax.f32 v21, $0.0e+00;
	v9 =	vmin.f32 v9, $1.000000000e+00  }
0x6f: {  	v8 =	vmin.f32 v8, $1.000000000e+00;
	v16 =	vsel vm3, v16, v28;
	vm3 =	veq.s32 v54, $0x0;
	[tilespmem:s14], [sflag:$0x2] =	stream.strided.gather [hbm4b:s31+s12], $0x4000, s13, s12, $0x38;
	[tilespmem:$0x10080] =	vst v63  }
0x70: {  	v21 =	vmin.f32 v21, $1.000000000e+00;
	v9 =	vmul.f32 v9, v9;
	v8 =	vmul.f32 v8, v8;
	_ =	swait.ge [sflag:s17], $0x4000  }
0x71: {  	v16 =	vmax.f32 v16, $0.0e+00;
	v59 =	vsub.f32 $1.000000000e+00, v20;
	v18 =	vadd.f32 $-1.000000010e-01, v20;
	[sflag:s17] =	ssyncset.done $0x0  }
0x72: {  	v11 =	vsel vm0, v11, v13;
	v16 =	vmin.f32 v16, $1.000000000e+00;
	v7 =	vadd.f32 v9, v7;
	[sflag:s17] =	ssyncadd.s32 $0xFFFFC000  }
0x73: {  	v0 =	vadd.f32 v8, v0;
	v15 =	vmul.f32 v16, v16;
	v16 =	vsub.f32 $1.000000000e+00, v6;
	_ =	swait.ge [sflag:s18], $0x4000  }
0x74: {  	v11 =	vmax.f32 v11, $0.0e+00;
	v6 =	vadd.f32 $-1.000000010e-01, v6;
	v57 =	vsub.f32 $1.000000000e+00, v12;
	[sflag:s18] =	ssyncset.done $0x0  }
0x75: {  	s24 =	simm.s32 $0x0;
	v3 =	vadd.f32 v15, v3;
	v10 =	vadd.f32 $-1.000000010e-01, v12;
	v12 =	vmul.f32 v21, v21;
	[sflag:s18] =	ssyncadd.s32 $0xFFFFC000  }
0x76: {  	v15 =	vsel vm6, v19, v56;
	v6 =	vsel vm5, v6, v16;
	v16 =	vsel vm3, v18, v59;
	v18 =	vld [tilespmem:s24+$0xC050]  }
0x77: {  	v9 =	vmin.f32 v11, $1.000000000e+00;
	v13 =	vmax.f32 v15, $0.0e+00;
	v15 =	vsub.f32 $1.000000000e+00, v61;
	v20 =	vld [tilespmem:s24+$0xC040]  }
0x78: {  	v16 =	vmax.f32 v16, $0.0e+00;
	v1 =	vadd.f32 v12, v1;
	v12 =	vmin.f32 v13, $1.000000000e+00;
	v13 =	vld [tilespmem:s24+$0xC020]  }
0x79: {  	v6 =	vmax.f32 v6, $0.0e+00;
	v10 =	vsel vm4, v10, v57;
	v11 =	vmin.f32 v16, $1.000000000e+00;
	v16 =	vld [tilespmem:s24+$0xC070]  }
0x7a: {  	v6 =	vmin.f32 v6, $1.000000000e+00;
	v10 =	vmax.f32 v10, $0.0e+00;
	v15 =	vsel vm1, v17, v15;
	v17 =	vld [tilespmem:s24+$0xC060]  }
0x7b: {  	v12 =	vmul.f32 v12, v12;
	v6 =	vmul.f32 v6, v6;
	v15 =	vmax.f32 v15, $0.0e+00;
	v19 =	vld [tilespmem:s24+$0x4070]  }
0x7c: {  	v11 =	vmul.f32 v11, v11;
	v10 =	vmin.f32 v10, $1.000000000e+00;
	v63 =	vld [tilespmem:s24+$0x4020];
	v15 =	vmin.f32 v15, $1.000000000e+00  }
0x7d: {  	v62 =	vmul.f32 v10, v10;
	v4 =	vadd.f32 v12, v4;
	v8 =	vmul.f32 v15, v15;
	v15 =	vld [tilespmem:s24+$0x4050]  }
0x7e: {  	v9 =	vmul.f32 v9, v9;
	v10 =	vld [tilespmem:s24+$0x4040];
	v3 =	vadd.f32 v11, v3;
	v0 =	vadd.f32 v6, v0  }
0x7f: {  	v11 =	vld [tilespmem:s24+$0x4060];
	v2 =	vadd.f32 v62, v2;
	v6 =	vadd.f32 v8, v5  }
0x80: {  	v12 =	vld [tilespmem:s24+$0x4000];
	v8 =	vadd.f32 v9, v14;
	vm2 =	veq.s32 v13, $0x0;
	vm0 =	veq.s32 v17, $0x0  }
0x81: {  	v5 =	vld [tilespmem:s24+$0x4010];
	vm3 =	veq.s32 v16, $0x0;
	v14 =	vadd.f32 $-1.000000010e-01, v19;
	v17 =	vsub.f32 $1.000000000e+00, v19  }
0x82: {  	v13 =	vld [tilespmem:s24+$0xC000];
	vm4 =	veq.s32 v18, $0x0;
	v18 =	vadd.f32 $-1.000000010e-01, v15;
	v19 =	vsub.f32 $1.000000000e+00, v15  }
0x83: {  	s25 =	simm.s32 $0x400;
	v9 =	vld [tilespmem:s24+$0x4080];
	v16 =	vsub.f32 $1.000000000e+00, v63;
	vm1 =	veq.s32 v20, $0x0;
	v15 =	vadd.f32 $-1.000000010e-01, v63  }
.LBB2_5:
0x84: {  	p0 =	sne.s32 s25, $0xFC00;
	v20 =	vld [tilespmem:s24+$0xC010];
	v21 =	vadd.f32 $-1.000000010e-01, v10;
	v18 =	vsel vm4, v18, v19;
	v14 =	vsel vm3, v14, v17;
	s26 =	smov.u32 s25;
	s25 =	sadd.s32 $0x400, s25  }
0x85: {  	v19 =	vadd.f32 $-1.000000010e-01, v11;
	v17 =	vadd.f32 $-1.000000010e-01, v12;
	v14 =	vmax.f32 v14, $0.0e+00;
	v22 =	vld [tilespmem:s24+$0x40E0]  }
0x86: {  	v12 =	vsub.f32 $1.000000000e+00, v12;
	v15 =	vsel vm2, v15, v16;
	v16 =	vld [tilespmem:s24+$0x4030];
	v14 =	vmin.f32 v14, $1.000000000e+00  }
0x87: {  	v11 =	vsub.f32 $1.000000000e+00, v11;
	vm2 =	veq.s32 v13, $0x0;
	v13 =	vld [tilespmem:s24+$0xC030];
	v14 =	vmul.f32 v14, v14  }
0x88: {  	v12 =	vsel vm2, v17, v12;
	v17 =	vadd.f32 $-1.000000010e-01, v5;
	v23 =	vld [tilespmem:s24+$0xC080];
	v24 =	vsub.f32 $1.000000000e+00, v9  }
0x89: {  	v10 =	vsub.f32 $1.000000000e+00, v10;
	v15 =	vmax.f32 v15, $0.0e+00;
	v12 =	vmax.f32 v12, $0.0e+00;
	v25 =	vld [tilespmem:s24+$0x40F0]  }
0x8a: {  	v15 =	vmin.f32 v15, $1.000000000e+00;
	v12 =	vmin.f32 v12, $1.000000000e+00;
	v26 =	vsub.f32 $1.000000000e+00, v22;
	v27 =	vld [tilespmem:s24+$0xC0F0]  }
0x8b: {  	v15 =	vmul.f32 v15, v15;
	v12 =	vmul.f32 v12, v12;
	v28 =	vsub.f32 $1.000000000e+00, v16;
	v29 =	vld [tilespmem:s24+$0xC0E0]  }
0x8c: {  	v11 =	vsel vm0, v19, v11;
	vm2 =	veq.s32 v20, $0x0;
	v16 =	vadd.f32 $-1.000000010e-01, v16;
	v19 =	vld [tilespmem:s24+$0x40A0]  }
0x8d: {  	v11 =	vmax.f32 v11, $0.0e+00;
	v7 =	vadd.f32 v12, v7;
	vm3 =	veq.s32 v23, $0x0;
	v12 =	vld [tilespmem:s24+$0x40D0]  }
0x8e: {  	v10 =	vsel vm1, v21, v10;
	vm4 =	veq.s32 v13, $0x0;
	v13 =	vld [tilespmem:s24+$0x40C0];
	v20 =	vsub.f32 $1.000000000e+00, v25  }
0x8f: {  	v18 =	vmax.f32 v18, $0.0e+00;
	v22 =	vadd.f32 $-1.000000010e-01, v22;
	v21 =	vld [tilespmem:s24+$0x40B0];
	vm0 =	veq.s32 v27, $0x0  }
0x90: {  	v11 =	vmin.f32 v11, $1.000000000e+00;
	v16 =	vsel vm4, v16, v28;
	v23 =	vld [tilespmem:s24+$0xC0B0];
	vm1 =	veq.s32 v29, $0x0  }
0x91: {  	v10 =	vmax.f32 v10, $0.0e+00;
	v9 =	vadd.f32 $-1.000000010e-01, v9;
	v11 =	vmul.f32 v11, v11;
	v27 =	vld [tilespmem:s24+$0xC0C0]  }
0x92: {  	v10 =	vmin.f32 v10, $1.000000000e+00;
	v16 =	vmax.f32 v16, $0.0e+00;
	v29 =	vsub.f32 $1.000000000e+00, v19;
	v28 =	vld [tilespmem:s24+$0xC0A0]  }
0x93: {  	v18 =	vmin.f32 v18, $1.000000000e+00;
	v22 =	vsel vm1, v22, v26;
	v30 =	vsub.f32 $1.000000000e+00, v13;
	v31 =	vld [tilespmem:s24+$0xC0D0]  }
0x94: {  	v8 =	vadd.f32 v14, v8;
	v22 =	vmax.f32 v22, $0.0e+00;
	v14 =	vld [tilespmem:s24+$0x4090];
	v26 =	vsub.f32 $1.000000000e+00, v21  }
0x95: {  	v19 =	vadd.f32 $-1.000000010e-01, v19;
	v22 =	vmin.f32 v22, $1.000000000e+00;
	v32 =	vld [tilespmem:s24+$0xC090];
	vm4 =	veq.s32 v23, $0x0  }
0x96: {  	v1 =	vadd.f32 v11, v1;
	v9 =	vsel vm3, v9, v24;
	v11 =	vadd.f32 $-1.000000010e-01, v25  }
0x97: {  	v18 =	vmul.f32 v18, v18;
	v16 =	vmin.f32 v16, $1.000000000e+00;
	vm3 =	veq.s32 v27, $0x0  }
0x98: {  	v10 =	vmul.f32 v10, v10;
	v4 =	vadd.f32 v15, v4;
	vm1 =	veq.s32 v31, $0x0  }
0x99: {  	v6 =	vadd.f32 v18, v6;
	v15 =	vmul.f32 v16, v16;
	v16 =	vsub.f32 $1.000000000e+00, v14  }
0x9a: {  	v9 =	vmax.f32 v9, $0.0e+00;
	v18 =	vadd.f32 $-1.000000010e-01, v21;
	vm5 =	veq.s32 v32, $0x0  }
0x9b: {  	v3 =	vadd.f32 v15, v3;
	vm6 =	veq.s32 v28, $0x0;
	v14 =	vadd.f32 $-1.000000010e-01, v14  }
0x9c: {  	v2 =	vadd.f32 v10, v2;
	v10 =	vadd.f32 $-1.000000010e-01, v13;
	v13 =	vmul.f32 v22, v22  }
0x9d: {  	v5 =	vsub.f32 $1.000000000e+00, v5;
	v11 =	vsel vm0, v11, v20;
	v15 =	vsel vm6, v19, v29  }
0x9e: {  	v9 =	vmin.f32 v9, $1.000000000e+00;
	v19 =	vsub.f32 $1.000000000e+00, v12;
	v15 =	vmax.f32 v15, $0.0e+00  }
0x9f: {  	v5 =	vsel vm2, v17, v5;
	v9 =	vmul.f32 v9, v9;
	v14 =	vsel vm5, v14, v16  }
0xa0: {  	v10 =	vsel vm3, v10, v30;
	v12 =	vadd.f32 $-1.000000010e-01, v12;
	v16 =	vsel vm4, v18, v26  }
0xa1: {  	v5 =	vmax.f32 v5, $0.0e+00;
	v1 =	vadd.f32 v13, v1;
	v16 =	vmax.f32 v16, $0.0e+00  }
0xa2: {  	v11 =	vmax.f32 v11, $0.0e+00;
	v10 =	vmax.f32 v10, $0.0e+00;
	v13 =	vmin.f32 v15, $1.000000000e+00  }
0xa3: {  	v5 =	vmin.f32 v5, $1.000000000e+00;
	v7 =	vadd.f32 v9, v7;
	v9 =	vmin.f32 v11, $1.000000000e+00  }
0xa4: {  	v10 =	vmin.f32 v10, $1.000000000e+00;
	v11 =	vmax.f32 v14, $0.0e+00;
	v14 =	vmin.f32 v16, $1.000000000e+00  }
0xa5: {  	v5 =	vmul.f32 v5, v5;
	s24 =	sshra.s32 s26, $0x2;
	v13 =	vmul.f32 v13, v13;
	v11 =	vmin.f32 v11, $1.000000000e+00  }
0xa6: {  	v10 =	vmul.f32 v10, v10;
	v12 =	vsel vm1, v12, v19;
	v11 =	vmul.f32 v11, v11;
	v15 =	vld [tilespmem:s24+$0xC050]  }
0xa7: {  	v12 =	vmax.f32 v12, $0.0e+00;
	v4 =	vadd.f32 v13, v4;
	v13 =	vmul.f32 v14, v14;
	v20 =	vld [tilespmem:s24+$0xC040]  }
0xa8: {  	v0 =	vadd.f32 v5, v0;
	v2 =	vadd.f32 v10, v2;
	v5 =	vmin.f32 v12, $1.000000000e+00;
	v14 =	vld [tilespmem:s24+$0xC020]  }
0xa9: {  	v9 =	vmul.f32 v9, v9;
	v5 =	vmul.f32 v5, v5;
	v3 =	vadd.f32 v13, v3;
	v16 =	vld [tilespmem:s24+$0xC070]  }
0xaa: {  	v0 =	vadd.f32 v11, v0;
	v13 =	vld [tilespmem:s24+$0xC060]  }
0xab: {  	v8 =	vadd.f32 v9, v8;
	v6 =	vadd.f32 v5, v6;
	v17 =	vld [tilespmem:s24+$0x4070]  }
0xac: {  	v10 =	vld [tilespmem:s24+$0x4040]  }
0xad: {  	vm2 =	veq.s32 v14, $0x0;
	v9 =	vld [tilespmem:s24+$0x4050]  }
0xae: {  	v21 =	vld [tilespmem:s24+$0x4020]  }
.Ltmp1:
0xaf: {  	v11 =	vld [tilespmem:s24+$0x4060];
	(pc) =	sbr.rel @p0 .LBB2_5-.Ltmp1, $4  }
0xb0: {  	vm3 =	veq.s32 v16, $0x0;
	vm0 =	veq.s32 v13, $0x0;
	v12 =	vld [tilespmem:s24+$0x4000];
	v14 =	vadd.f32 $-1.000000010e-01, v17  }
0xb1: {  	v17 =	vsub.f32 $1.000000000e+00, v17;
	v5 =	vld [tilespmem:s24+$0x4010]  }
0xb2: {  	vm4 =	veq.s32 v15, $0x0;
	v13 =	vld [tilespmem:s24+$0xC000];
	v18 =	vadd.f32 $-1.000000010e-01, v9;
	v19 =	vsub.f32 $1.000000000e+00, v9  }
0xb3: {  	vm1 =	veq.s32 v20, $0x0;
	v15 =	vadd.f32 $-1.000000010e-01, v21;
	v16 =	vsub.f32 $1.000000000e+00, v21;
	v9 =	vld [tilespmem:s24+$0x4080]  }
0xb4: {  	v57 =	vld [tilespmem:s24+$0xC010]  }
0xb5: {  	v22 =	vld [tilespmem:s24+$0x40E0]  }
0xb6: {  	v20 =	vadd.f32 $-1.000000010e-01, v10;
	v18 =	vsel vm4, v18, v19;
	v60 =	vld [tilespmem:s24+$0x4030]  }
0xb7: {  	v14 =	vsel vm3, v14, v17;
	v21 =	vadd.f32 $-1.000000010e-01, v11;
	v61 =	vsub.f32 $1.000000000e+00, v11;
	v62 =	vld [tilespmem:s24+$0xC030]  }
0xb8: {  	v23 =	vld [tilespmem:s24+$0xC080];
	v32 =	vsub.f32 $1.000000000e+00, v10;
	v58 =	vadd.f32 $-1.000000010e-01, v12;
	v14 =	vmax.f32 v14, $0.0e+00  }
0xb9: {  	v25 =	vld [tilespmem:s24+$0x40F0];
	v59 =	vsub.f32 $1.000000000e+00, v12;
	v15 =	vsel vm2, v15, v16;
	v18 =	vmax.f32 v18, $0.0e+00  }
0xba: {  	v27 =	vld [tilespmem:s24+$0xC0F0];
	v14 =	vmin.f32 v14, $1.000000000e+00;
	v63 =	vadd.f32 $-1.000000010e-01, v5;
	v15 =	vmax.f32 v15, $0.0e+00  }
0xbb: {  	v29 =	vld [tilespmem:s24+$0xC0E0];
	v11 =	vsel vm0, v21, v61;
	v10 =	vsel vm1, v20, v32;
	v18 =	vmin.f32 v18, $1.000000000e+00  }
0xbc: {  	v33 =	vld [tilespmem:s24+$0x40A0];
	v5 =	vsub.f32 $1.000000000e+00, v5;
	vm8 =	veq.s32 v13, $0x0;
	v14 =	vmul.f32 v14, v14  }
0xbd: {  	v34 =	vld [tilespmem:s24+$0x40C0];
	v15 =	vmin.f32 v15, $1.000000000e+00;
	v11 =	vmax.f32 v11, $0.0e+00;
	v10 =	vmax.f32 v10, $0.0e+00  }
0xbe: {  	v36 =	vld [tilespmem:s24+$0x40B0];
	v18 =	vmul.f32 v18, v18;
	v12 =	vsel vm8, v58, v59;
	v24 =	vsub.f32 $1.000000000e+00, v9  }
0xbf: {  	v38 =	vld [tilespmem:s24+$0xC0B0];
	v15 =	vmul.f32 v15, v15;
	v11 =	vmin.f32 v11, $1.000000000e+00;
	v39 =	vadd.f32 $-1.000000010e-01, v9  }
0xc0: {  	v40 =	vld [tilespmem:s24+$0xC0C0];
	v10 =	vmin.f32 v10, $1.000000000e+00;
	v12 =	vmax.f32 v12, $0.0e+00;
	v26 =	vsub.f32 $1.000000000e+00, v22  }
0xc1: {  	v43 =	vld [tilespmem:s24+$0xC0D0];
	v28 =	vsub.f32 $1.000000000e+00, v60;
	vm2 =	veq.s32 v57, $0x0;
	v16 =	vadd.f32 $-1.000000010e-01, v60  }
0xc2: {  	v45 =	vld [tilespmem:s24+$0x4090];
	vm9 =	veq.s32 v23, $0x0;
	vm10 =	veq.s32 v62, $0x0;
	v35 =	vsub.f32 $1.000000000e+00, v25  }
0xc3: {  	v46 =	vld [tilespmem:s24+$0xC090];
	v37 =	vadd.f32 $-1.000000010e-01, v22;
	vm11 =	veq.s32 v27, $0x0;
	v41 =	vsub.f32 $1.000000000e+00, v33  }
0xc4: {  	v47 =	vld [tilespmem:s24+$0xC0A0];
	vm12 =	veq.s32 v29, $0x0;
	v42 =	vsub.f32 $1.000000000e+00, v34;
	v8 =	vadd.f32 v14, v8  }
0xc5: {  	v50 =	vld [tilespmem:s24+$0x40D0];
	v11 =	vmul.f32 v11, v11;
	v44 =	vsub.f32 $1.000000000e+00, v36;
	v19 =	vadd.f32 $-1.000000010e-01, v33  }
0xc6: {  	vm13 =	veq.s32 v38, $0x0;
	v48 =	vadd.f32 $-1.000000010e-01, v25;
	vm14 =	veq.s32 v40, $0x0  }
0xc7: {  	v10 =	vmul.f32 v10, v10;
	vm15 =	veq.s32 v43, $0x0;
	v6 =	vadd.f32 v18, v6  }
0xc8: {  	v51 =	vsub.f32 $1.000000000e+00, v45;
	v20 =	vadd.f32 $-1.000000010e-01, v36;
	vm5 =	veq.s32 v46, $0x0  }
0xc9: {  	v52 =	vadd.f32 $-1.000000010e-01, v45;
	vm6 =	veq.s32 v47, $0x0;
	v53 =	vadd.f32 $-1.000000010e-01, v34  }
0xca: {  	v56 =	vsub.f32 $1.000000000e+00, v50;
	v12 =	vmin.f32 v12, $1.000000000e+00;
	v9 =	vsel vm9, v39, v24  }
0xcb: {  	v4 =	vadd.f32 v15, v4;
	v5 =	vsel vm2, v63, v5;
	v12 =	vmul.f32 v12, v12  }
0xcc: {  	v16 =	vsel vm10, v16, v28;
	v21 =	vsel vm12, v37, v26;
	v1 =	vadd.f32 v11, v1  }
0xcd: {  	v9 =	vmax.f32 v9, $0.0e+00;
	v2 =	vadd.f32 v10, v2;
	v55 =	vsel vm6, v19, v41  }
0xce: {  	v13 =	vsel vm11, v48, v35;
	v15 =	vsel vm5, v52, v51;
	v14 =	vsel vm13, v20, v44  }
0xcf: {  	v10 =	vsel vm14, v53, v42;
	v5 =	vmax.f32 v5, $0.0e+00;
	v16 =	vmax.f32 v16, $0.0e+00  }
0xd0: {  	v21 =	vmax.f32 v21, $0.0e+00;
	v9 =	vmin.f32 v9, $1.000000000e+00;
	v14 =	vmax.f32 v14, $0.0e+00  }
0xd1: {  	v10 =	vmax.f32 v10, $0.0e+00;
	v58 =	vmax.f32 v13, $0.0e+00;
	v5 =	vmin.f32 v5, $1.000000000e+00  }
0xd2: {  	v60 =	vmax.f32 v15, $0.0e+00;
	v7 =	vadd.f32 v12, v7;
	v21 =	vmin.f32 v21, $1.000000000e+00  }
0xd3: {  	v16 =	vmin.f32 v16, $1.000000000e+00;
	v12 =	vmax.f32 v55, $0.0e+00;
	v9 =	vmul.f32 v9, v9  }
0xd4: {  	v59 =	vmin.f32 v58, $1.000000000e+00;
	v61 =	vmin.f32 v14, $1.000000000e+00;
	v5 =	vmul.f32 v5, v5  }
0xd5: {  	s23 =	sadd.s32 $0x6, s23;
	v10 =	vmin.f32 v10, $1.000000000e+00;
	v49 =	vmul.f32 v16, v16;
	v54 =	vmul.f32 v21, v21  }
0xd6: {  	s31 =	sadd.s32 s5, s23;
	v16 =	vadd.f32 $-1.000000010e-01, v50;
	v57 =	vmin.f32 v12, $1.000000000e+00;
	v12 =	vmin.f32 v60, $1.000000000e+00  }
0xd7: {  	s22 =	sadd.s32 $0x1, s22;
	s23 =	sshll.u32 s23, $0x4;
	s24 =	sshll.u32 s31, $0xA;
	v10 =	vmul.f32 v10, v10;
	v13 =	vmul.f32 v61, v61;
	v7 =	vadd.f32 v9, v7  }
0xd8: {  	p0 =	sne.s32 s22, $0x3;
	s23 =	sand.u32 $0x60, s23;
	s24 =	sand.u32 $0xFFFE000, s24;
	v11 =	vmul.f32 v57, v57;
	v12 =	vmul.f32 v12, v12;
	v62 =	vsel vm15, v16, v56  }
.Ltmp2:
0xd9: {  	s23 =	sor.u32 s23, s24;
	v0 =	vadd.f32 v5, v0;
	v9 =	vmul.f32 v59, v59;
	v63 =	vmax.f32 v62, $0.0e+00;
	(pc) =	sbr.rel @p0 .LBB2_2-.Ltmp2, $4  }
0xda: {  	s24 =	sadd.s32 s1, s23;
	v3 =	vadd.f32 v49, v3;
	v1 =	vadd.f32 v54, v1;
	v5 =	vmin.f32 v63, $1.000000000e+00  }
0xdb: {  	[tilespmem:s15], [sflag:$0x1] =	stream.strided.gather [hbm4b:s24+s12], $0x4000, s13, s12, $0x38;
	v2 =	vadd.f32 v10, v2;
	v4 =	vadd.f32 v11, v4;
	v5 =	vmul.f32 v5, v5;
	[tilespmem:$0x10080] =	vst v63  }
0xdc: {  	s23 =	sadd.s32 s3, s23;
	v0 =	vadd.f32 v12, v0;
	v3 =	vadd.f32 v13, v3  }
0xdd: {  	[tilespmem:s16], [sflag:$0x2] =	stream.strided.gather [hbm4b:s23+s12], $0x4000, s13, s12, $0x38;
	v5 =	vadd.f32 v5, v6;
	v6 =	vadd.f32 v9, v8;
	[tilespmem:$0x10080] =	vst v63  }
0xde: {  	_ =	swait.ge [sflag:s17], $0x4000  }
0xdf: {  	[sflag:s17] =	ssyncset.done $0x0  }
0xe0: {  	[sflag:s17] =	ssyncadd.s32 $0xFFFFC000  }
0xe1: {  	_ =	swait.ge [sflag:s18], $0x4000  }
0xe2: {  	[sflag:s18] =	ssyncset.done $0x0  }
0xe3: {  	s22 =	simm.s32 $0x0;
	[sflag:s18] =	ssyncadd.s32 $0xFFFFC000  }
0xe4: {  	v9 =	vld [tilespmem:s22+$0x8050]  }
0xe5: {  	v20 =	vld [tilespmem:s22+$0x8040]  }
0xe6: {  	v8 =	vld [tilespmem:s22+$0x8020]  }
0xe7: {  	v13 =	vld [tilespmem:s22+$0x8070]  }
0xe8: {  	v14 =	vld [tilespmem:s22+$0x8060]  }
0xe9: {  	v15 =	vld [tilespmem:s22+$0x70]  }
0xea: {  	v10 =	vld [tilespmem:s22+$0x40]  }
0xeb: {  	v16 =	vld [tilespmem:s22+$0x50]  }
0xec: {  	v21 =	vld [tilespmem:s22+$0x20]  }
0xed: {  	v11 =	vld [tilespmem:s22+$0x60]  }
0xee: {  	v12 =	vld [tilespmem:s22+$0x0];
	vm2 =	veq.s32 v8, $0x0;
	vm0 =	veq.s32 v14, $0x0  }
0xef: {  	vm3 =	veq.s32 v13, $0x0;
	v14 =	vadd.f32 $-1.000000010e-01, v15;
	v8 =	vld [tilespmem:s22+$0x10];
	v17 =	vsub.f32 $1.000000000e+00, v15  }
0xf0: {  	v13 =	vld [tilespmem:s22+$0x8000];
	vm4 =	veq.s32 v9, $0x0;
	v18 =	vadd.f32 $-1.000000010e-01, v16;
	v19 =	vsub.f32 $1.000000000e+00, v16  }
0xf1: {  	s23 =	simm.s32 $0x400;
	v15 =	vadd.f32 $-1.000000010e-01, v21;
	v16 =	vsub.f32 $1.000000000e+00, v21;
	vm1 =	veq.s32 v20, $0x0;
	v9 =	vld [tilespmem:s22+$0x80]  }
.LBB2_8:
0xf2: {  	p0 =	sne.s32 s23, $0xFC00;
	v20 =	vld [tilespmem:s22+$0x8010];
	v21 =	vadd.f32 $-1.000000010e-01, v10;
	v18 =	vsel vm4, v18, v19;
	v14 =	vsel vm3, v14, v17;
	s24 =	smov.u32 s23;
	s23 =	sadd.s32 $0x400, s23  }
0xf3: {  	v19 =	vadd.f32 $-1.000000010e-01, v11;
	v17 =	vadd.f32 $-1.000000010e-01, v12;
	v14 =	vmax.f32 v14, $0.0e+00;
	v22 =	vld [tilespmem:s22+$0xE0]  }
0xf4: {  	v12 =	vsub.f32 $1.000000000e+00, v12;
	v15 =	vsel vm2, v15, v16;
	v16 =	vld [tilespmem:s22+$0x30];
	v14 =	vmin.f32 v14, $1.000000000e+00  }
0xf5: {  	v11 =	vsub.f32 $1.000000000e+00, v11;
	vm2 =	veq.s32 v13, $0x0;
	v13 =	vld [tilespmem:s22+$0x8030];
	v14 =	vmul.f32 v14, v14  }
0xf6: {  	v12 =	vsel vm2, v17, v12;
	v17 =	vadd.f32 $-1.000000010e-01, v8;
	v23 =	vld [tilespmem:s22+$0x8080];
	v24 =	vsub.f32 $1.000000000e+00, v9  }
0xf7: {  	v10 =	vsub.f32 $1.000000000e+00, v10;
	v15 =	vmax.f32 v15, $0.0e+00;
	v12 =	vmax.f32 v12, $0.0e+00;
	v25 =	vld [tilespmem:s22+$0xF0]  }
0xf8: {  	v15 =	vmin.f32 v15, $1.000000000e+00;
	v12 =	vmin.f32 v12, $1.000000000e+00;
	v26 =	vsub.f32 $1.000000000e+00, v22;
	v27 =	vld [tilespmem:s22+$0x80F0]  }
0xf9: {  	v15 =	vmul.f32 v15, v15;
	v12 =	vmul.f32 v12, v12;
	v28 =	vsub.f32 $1.000000000e+00, v16;
	v29 =	vld [tilespmem:s22+$0x80E0]  }
0xfa: {  	v11 =	vsel vm0, v19, v11;
	vm2 =	veq.s32 v20, $0x0;
	v16 =	vadd.f32 $-1.000000010e-01, v16;
	v19 =	vld [tilespmem:s22+$0xA0]  }
0xfb: {  	v11 =	vmax.f32 v11, $0.0e+00;
	v7 =	vadd.f32 v12, v7;
	vm3 =	veq.s32 v23, $0x0;
	v12 =	vld [tilespmem:s22+$0xD0]  }
0xfc: {  	v10 =	vsel vm1, v21, v10;
	vm4 =	veq.s32 v13, $0x0;
	v13 =	vld [tilespmem:s22+$0xC0];
	v20 =	vsub.f32 $1.000000000e+00, v25  }
0xfd: {  	v18 =	vmax.f32 v18, $0.0e+00;
	v22 =	vadd.f32 $-1.000000010e-01, v22;
	v21 =	vld [tilespmem:s22+$0xB0];
	vm0 =	veq.s32 v27, $0x0  }
0xfe: {  	v11 =	vmin.f32 v11, $1.000000000e+00;
	v16 =	vsel vm4, v16, v28;
	v23 =	vld [tilespmem:s22+$0x80B0];
	vm1 =	veq.s32 v29, $0x0  }
0xff: {  	v10 =	vmax.f32 v10, $0.0e+00;
	v9 =	vadd.f32 $-1.000000010e-01, v9;
	v11 =	vmul.f32 v11, v11;
	v27 =	vld [tilespmem:s22+$0x80C0]  }
0x100: {  	v10 =	vmin.f32 v10, $1.000000000e+00;
	v16 =	vmax.f32 v16, $0.0e+00;
	v29 =	vsub.f32 $1.000000000e+00, v19;
	v28 =	vld [tilespmem:s22+$0x80A0]  }
0x101: {  	v18 =	vmin.f32 v18, $1.000000000e+00;
	v22 =	vsel vm1, v22, v26;
	v30 =	vsub.f32 $1.000000000e+00, v13;
	v31 =	vld [tilespmem:s22+$0x80D0]  }
0x102: {  	v6 =	vadd.f32 v14, v6;
	v22 =	vmax.f32 v22, $0.0e+00;
	v14 =	vld [tilespmem:s22+$0x90];
	v26 =	vsub.f32 $1.000000000e+00, v21  }
0x103: {  	v19 =	vadd.f32 $-1.000000010e-01, v19;
	v22 =	vmin.f32 v22, $1.000000000e+00;
	v32 =	vld [tilespmem:s22+$0x8090];
	vm4 =	veq.s32 v23, $0x0  }
0x104: {  	v1 =	vadd.f32 v11, v1;
	v9 =	vsel vm3, v9, v24;
	v11 =	vadd.f32 $-1.000000010e-01, v25  }
0x105: {  	v18 =	vmul.f32 v18, v18;
	v16 =	vmin.f32 v16, $1.000000000e+00;
	vm3 =	veq.s32 v27, $0x0  }
0x106: {  	v10 =	vmul.f32 v10, v10;
	v4 =	vadd.f32 v15, v4;
	vm1 =	veq.s32 v31, $0x0  }
0x107: {  	v5 =	vadd.f32 v18, v5;
	v15 =	vmul.f32 v16, v16;
	v16 =	vsub.f32 $1.000000000e+00, v14  }
0x108: {  	v9 =	vmax.f32 v9, $0.0e+00;
	v18 =	vadd.f32 $-1.000000010e-01, v21;
	vm5 =	veq.s32 v32, $0x0  }
0x109: {  	v3 =	vadd.f32 v15, v3;
	vm6 =	veq.s32 v28, $0x0;
	v14 =	vadd.f32 $-1.000000010e-01, v14  }
0x10a: {  	v2 =	vadd.f32 v10, v2;
	v10 =	vadd.f32 $-1.000000010e-01, v13;
	v13 =	vmul.f32 v22, v22  }
0x10b: {  	v8 =	vsub.f32 $1.000000000e+00, v8;
	v11 =	vsel vm0, v11, v20;
	v15 =	vsel vm6, v19, v29  }
0x10c: {  	v9 =	vmin.f32 v9, $1.000000000e+00;
	v19 =	vsub.f32 $1.000000000e+00, v12;
	v15 =	vmax.f32 v15, $0.0e+00  }
0x10d: {  	v8 =	vsel vm2, v17, v8;
	v9 =	vmul.f32 v9, v9;
	v14 =	vsel vm5, v14, v16  }
0x10e: {  	v10 =	vsel vm3, v10, v30;
	v12 =	vadd.f32 $-1.000000010e-01, v12;
	v16 =	vsel vm4, v18, v26  }
0x10f: {  	v8 =	vmax.f32 v8, $0.0e+00;
	v1 =	vadd.f32 v13, v1;
	v16 =	vmax.f32 v16, $0.0e+00  }
0x110: {  	v11 =	vmax.f32 v11, $0.0e+00;
	v10 =	vmax.f32 v10, $0.0e+00;
	v13 =	vmin.f32 v15, $1.000000000e+00  }
0x111: {  	v8 =	vmin.f32 v8, $1.000000000e+00;
	v7 =	vadd.f32 v9, v7;
	v9 =	vmin.f32 v11, $1.000000000e+00  }
0x112: {  	v10 =	vmin.f32 v10, $1.000000000e+00;
	v11 =	vmax.f32 v14, $0.0e+00;
	v14 =	vmin.f32 v16, $1.000000000e+00  }
0x113: {  	v8 =	vmul.f32 v8, v8;
	s22 =	sshra.s32 s24, $0x2;
	v13 =	vmul.f32 v13, v13;
	v11 =	vmin.f32 v11, $1.000000000e+00  }
0x114: {  	v10 =	vmul.f32 v10, v10;
	v12 =	vsel vm1, v12, v19;
	v11 =	vmul.f32 v11, v11;
	v15 =	vld [tilespmem:s22+$0x8050]  }
0x115: {  	v12 =	vmax.f32 v12, $0.0e+00;
	v4 =	vadd.f32 v13, v4;
	v13 =	vmul.f32 v14, v14;
	v20 =	vld [tilespmem:s22+$0x8040]  }
0x116: {  	v0 =	vadd.f32 v8, v0;
	v2 =	vadd.f32 v10, v2;
	v8 =	vmin.f32 v12, $1.000000000e+00;
	v14 =	vld [tilespmem:s22+$0x8020]  }
0x117: {  	v9 =	vmul.f32 v9, v9;
	v8 =	vmul.f32 v8, v8;
	v3 =	vadd.f32 v13, v3;
	v16 =	vld [tilespmem:s22+$0x8070]  }
0x118: {  	v0 =	vadd.f32 v11, v0;
	v13 =	vld [tilespmem:s22+$0x8060]  }
0x119: {  	v6 =	vadd.f32 v9, v6;
	v5 =	vadd.f32 v8, v5;
	v17 =	vld [tilespmem:s22+$0x70]  }
0x11a: {  	v10 =	vld [tilespmem:s22+$0x40]  }
0x11b: {  	vm2 =	veq.s32 v14, $0x0;
	v9 =	vld [tilespmem:s22+$0x50]  }
0x11c: {  	v21 =	vld [tilespmem:s22+$0x20]  }
.Ltmp3:
0x11d: {  	v11 =	vld [tilespmem:s22+$0x60];
	(pc) =	sbr.rel @p0 .LBB2_8-.Ltmp3, $4  }
0x11e: {  	vm3 =	veq.s32 v16, $0x0;
	vm0 =	veq.s32 v13, $0x0;
	v12 =	vld [tilespmem:s22+$0x0];
	v14 =	vadd.f32 $-1.000000010e-01, v17  }
0x11f: {  	v17 =	vsub.f32 $1.000000000e+00, v17;
	v8 =	vld [tilespmem:s22+$0x10]  }
0x120: {  	vm4 =	veq.s32 v15, $0x0;
	v13 =	vld [tilespmem:s22+$0x8000];
	v18 =	vadd.f32 $-1.000000010e-01, v9;
	v19 =	vsub.f32 $1.000000000e+00, v9  }
0x121: {  	vm1 =	veq.s32 v20, $0x0;
	v15 =	vadd.f32 $-1.000000010e-01, v21;
	v16 =	vsub.f32 $1.000000000e+00, v21;
	v9 =	vld [tilespmem:s22+$0x80]  }
0x122: {  	v21 =	vadd.f32 $-1.000000010e-01, v10;
	v18 =	vsel vm4, v18, v19  }
0x123: {  	v14 =	vsel vm3, v14, v17;
	v19 =	vadd.f32 $-1.000000010e-01, v11;
	v11 =	vsub.f32 $1.000000000e+00, v11  }
0x124: {  	v10 =	vsub.f32 $1.000000000e+00, v10;
	v17 =	vadd.f32 $-1.000000010e-01, v12;
	v14 =	vmax.f32 v14, $0.0e+00  }
0x125: {  	v20 =	vld [tilespmem:s22+$0x8010];
	v12 =	vsub.f32 $1.000000000e+00, v12;
	v15 =	vsel vm2, v15, v16;
	v18 =	vmax.f32 v18, $0.0e+00  }
0x126: {  	v22 =	vld [tilespmem:s22+$0xE0];
	v14 =	vmin.f32 v14, $1.000000000e+00;
	v15 =	vmax.f32 v15, $0.0e+00;
	v11 =	vsel vm0, v19, v11  }
0x127: {  	v23 =	vld [tilespmem:s22+$0x8080];
	v10 =	vsel vm1, v21, v10;
	v18 =	vmin.f32 v18, $1.000000000e+00;
	vm2 =	veq.s32 v13, $0x0  }
0x128: {  	v27 =	vld [tilespmem:s22+$0x80F0];
	v14 =	vmul.f32 v14, v14;
	v15 =	vmin.f32 v15, $1.000000000e+00;
	v11 =	vmax.f32 v11, $0.0e+00  }
0x129: {  	v29 =	vld [tilespmem:s22+$0x80E0];
	v10 =	vmax.f32 v10, $0.0e+00;
	v18 =	vmul.f32 v18, v18;
	v12 =	vsel vm2, v17, v12  }
0x12a: {  	v30 =	vld [tilespmem:s22+$0x8090];
	v17 =	vadd.f32 $-1.000000010e-01, v8;
	v24 =	vsub.f32 $1.000000000e+00, v9;
	v15 =	vmul.f32 v15, v15  }
0x12b: {  	v59 =	vld [tilespmem:s22+$0x80A0];
	v11 =	vmin.f32 v11, $1.000000000e+00;
	v9 =	vadd.f32 $-1.000000010e-01, v9;
	v10 =	vmin.f32 v10, $1.000000000e+00  }
0x12c: {  	v16 =	vld [tilespmem:s22+$0x30];
	v8 =	vsub.f32 $1.000000000e+00, v8;
	v12 =	vmax.f32 v12, $0.0e+00;
	v26 =	vsub.f32 $1.000000000e+00, v22  }
0x12d: {  	v54 =	vld [tilespmem:s22+$0x80C0];
	vm2 =	veq.s32 v20, $0x0;
	vm4 =	veq.s32 v23, $0x0;
	v52 =	vadd.f32 $-1.000000010e-01, v22  }
0x12e: {  	v19 =	vld [tilespmem:s22+$0xA0];
	vm0 =	veq.s32 v27, $0x0;
	vm1 =	veq.s32 v29, $0x0;
	v11 =	vmul.f32 v11, v11  }
0x12f: {  	v25 =	vld [tilespmem:s22+$0xF0];
	v14 =	vadd.f32 v14, v6;
	v10 =	vmul.f32 v10, v10;
	v18 =	vadd.f32 v18, v5  }
0x130: {  	v57 =	vld [tilespmem:s22+$0x80D0];
	vm5 =	veq.s32 v30, $0x0;
	vm6 =	veq.s32 v59, $0x0;
	v12 =	vmin.f32 v12, $1.000000000e+00  }
0x131: {  	v13 =	vld [tilespmem:s22+$0x8030];
	v28 =	vsub.f32 $1.000000000e+00, v16;
	v16 =	vadd.f32 $-1.000000010e-01, v16;
	v9 =	vsel vm4, v9, v24  }
0x132: {  	v53 =	vld [tilespmem:s22+$0x80B0];
	vm4 =	veq.s32 v54, $0x0;
	v4 =	vadd.f32 v15, v4;
	v8 =	vsel vm2, v17, v8  }
0x133: {  	v20 =	vld [tilespmem:s22+$0xB0];
	v12 =	vmul.f32 v12, v12;
	v55 =	vsub.f32 $1.000000000e+00, v19;
	v19 =	vadd.f32 $-1.000000010e-01, v19  }
0x134: {  	v6 =	vld [tilespmem:s22+$0x90];
	v21 =	vsel vm1, v52, v26;
	v1 =	vadd.f32 v11, v1;
	v11 =	vadd.f32 $-1.000000010e-01, v25  }
0x135: {  	vm1 =	veq.s32 v57, $0x0;
	v9 =	vmax.f32 v9, $0.0e+00;
	v2 =	vadd.f32 v10, v2  }
0x136: {  	v8 =	vmax.f32 v8, $0.0e+00;
	vm3 =	veq.s32 v13, $0x0;
	v13 =	vsub.f32 $1.000000000e+00, v25  }
0x137: {  	v21 =	vmax.f32 v21, $0.0e+00;
	v9 =	vmin.f32 v9, $1.000000000e+00;
	v7 =	vadd.f32 v12, v7  }
0x138: {  	v12 =	vld [tilespmem:s22+$0xC0];
	v16 =	vsel vm3, v16, v28;
	vm3 =	veq.s32 v53, $0x0;
	v21 =	vmin.f32 v21, $1.000000000e+00  }
0x139: {  	v15 =	vld [tilespmem:s22+$0xD0];
	_ =	swait.ge [sflag:s17], $0x4000;
	v16 =	vmax.f32 v16, $0.0e+00;
	v58 =	vsub.f32 $1.000000000e+00, v20;
	v5 =	vsub.f32 $1.000000000e+00, v6  }
0x13a: {  	v20 =	vadd.f32 $-1.000000010e-01, v20;
	v6 =	vadd.f32 $-1.000000010e-01, v6;
	[sflag:s17] =	ssyncset.done $0x0;
	v11 =	vsel vm0, v11, v13  }
0x13b: {  	v9 =	vmul.f32 v9, v9;
	v16 =	vmin.f32 v16, $1.000000000e+00;
	[sflag:s17] =	ssyncadd.s32 $0xFFFFC000;
	v11 =	vmax.f32 v11, $0.0e+00  }
0x13c: {  	v16 =	vmul.f32 v16, v16;
	_ =	swait.ge [sflag:s18], $0x4000;
	v5 =	vsel vm5, v6, v5;
	v6 =	vsel vm3, v20, v58  }
0x13d: {  	[sflag:s18] =	ssyncset.done $0x0;
	v6 =	vmax.f32 v6, $0.0e+00;
	v5 =	vmax.f32 v5, $0.0e+00;
	v56 =	vsub.f32 $1.000000000e+00, v12  }
0x13e: {  	s22 =	simm.s32 $0x0;
	v3 =	vadd.f32 v16, v3;
	v10 =	vadd.f32 $-1.000000010e-01, v12;
	v12 =	vmul.f32 v21, v21;
	[sflag:s18] =	ssyncadd.s32 $0xFFFFC000  }
0x13f: {  	v16 =	vsel vm6, v19, v55;
	v6 =	vmin.f32 v6, $1.000000000e+00;
	v5 =	vmin.f32 v5, $1.000000000e+00;
	v19 =	vld [tilespmem:s22+$0xC050]  }
0x140: {  	v13 =	vmax.f32 v16, $0.0e+00;
	v16 =	vsub.f32 $1.000000000e+00, v15;
	v15 =	vadd.f32 $-1.000000010e-01, v15;
	v20 =	vld [tilespmem:s22+$0xC040]  }
0x141: {  	v17 =	vld [tilespmem:s22+$0xC070];
	v61 =	vmul.f32 v6, v6;
	v10 =	vsel vm4, v10, v56;
	v1 =	vadd.f32 v12, v1  }
0x142: {  	v62 =	vld [tilespmem:s22+$0x4050];
	v12 =	vmin.f32 v13, $1.000000000e+00;
	v13 =	vmin.f32 v8, $1.000000000e+00;
	v8 =	vadd.f32 v9, v7  }
0x143: {  	v63 =	vld [tilespmem:s22+$0x4020];
	v7 =	vmin.f32 v11, $1.000000000e+00;
	v10 =	vmax.f32 v10, $0.0e+00;
	v11 =	vmul.f32 v13, v13  }
0x144: {  	v9 =	vld [tilespmem:s22+$0xC020];
	v13 =	vsel vm1, v15, v16;
	v12 =	vmul.f32 v12, v12;
	v16 =	vmul.f32 v5, v5  }
0x145: {  	v15 =	vld [tilespmem:s22+$0xC060];
	v7 =	vmul.f32 v7, v7;
	v10 =	vmin.f32 v10, $1.000000000e+00;
	v5 =	vmax.f32 v13, $0.0e+00  }
0x146: {  	v13 =	vld [tilespmem:s22+$0x4070];
	v60 =	vmul.f32 v10, v10;
	v5 =	vmin.f32 v5, $1.000000000e+00;
	v6 =	vadd.f32 v12, v4  }
0x147: {  	v10 =	vld [tilespmem:s22+$0x4040];
	v0 =	vadd.f32 v11, v0;
	v4 =	vmul.f32 v5, v5;
	v5 =	vadd.f32 v61, v3  }
0x148: {  	v11 =	vld [tilespmem:s22+$0x4060];
	vm4 =	veq.s32 v19, $0x0;
	v19 =	vsub.f32 $1.000000000e+00, v62;
	v2 =	vadd.f32 v60, v2  }
0x149: {  	v12 =	vld [tilespmem:s22+$0x4000];
	vm3 =	veq.s32 v17, $0x0;
	v0 =	vadd.f32 v16, v0;
	v3 =	vadd.f32 v4, v18  }
0x14a: {  	vm2 =	veq.s32 v9, $0x0;
	v9 =	vld [tilespmem:s22+$0x4080];
	v4 =	vadd.f32 v7, v14;
	v18 =	vadd.f32 $-1.000000010e-01, v62  }
0x14b: {  	vm1 =	veq.s32 v20, $0x0;
	v14 =	vadd.f32 $-1.000000010e-01, v13;
	v17 =	vsub.f32 $1.000000000e+00, v13;
	v13 =	vld [tilespmem:s22+$0xC000]  }
0x14c: {  	s23 =	simm.s32 $0x400;
	v16 =	vsub.f32 $1.000000000e+00, v63;
	vm0 =	veq.s32 v15, $0x0;
	v7 =	vld [tilespmem:s22+$0x4010];
	v15 =	vadd.f32 $-1.000000010e-01, v63  }
.LBB2_10:
0x14d: {  	p0 =	sne.s32 s23, $0xFC00;
	v20 =	vld [tilespmem:s22+$0xC010];
	v21 =	vadd.f32 $-1.000000010e-01, v10;
	v18 =	vsel vm4, v18, v19;
	v14 =	vsel vm3, v14, v17;
	s24 =	smov.u32 s23;
	s23 =	sadd.s32 $0x400, s23  }
0x14e: {  	v19 =	vadd.f32 $-1.000000010e-01, v11;
	v17 =	vadd.f32 $-1.000000010e-01, v12;
	v14 =	vmax.f32 v14, $0.0e+00;
	v22 =	vld [tilespmem:s22+$0x40E0]  }
0x14f: {  	v12 =	vsub.f32 $1.000000000e+00, v12;
	v15 =	vsel vm2, v15, v16;
	v16 =	vld [tilespmem:s22+$0x4030];
	v14 =	vmin.f32 v14, $1.000000000e+00  }
0x150: {  	v11 =	vsub.f32 $1.000000000e+00, v11;
	vm2 =	veq.s32 v13, $0x0;
	v13 =	vld [tilespmem:s22+$0xC030];
	v14 =	vmul.f32 v14, v14  }
0x151: {  	v12 =	vsel vm2, v17, v12;
	v17 =	vadd.f32 $-1.000000010e-01, v7;
	v23 =	vld [tilespmem:s22+$0xC080];
	v24 =	vsub.f32 $1.000000000e+00, v9  }
0x152: {  	v10 =	vsub.f32 $1.000000000e+00, v10;
	v15 =	vmax.f32 v15, $0.0e+00;
	v12 =	vmax.f32 v12, $0.0e+00;
	v25 =	vld [tilespmem:s22+$0x40F0]  }
0x153: {  	v15 =	vmin.f32 v15, $1.000000000e+00;
	v12 =	vmin.f32 v12, $1.000000000e+00;
	v26 =	vsub.f32 $1.000000000e+00, v22;
	v27 =	vld [tilespmem:s22+$0xC0F0]  }
0x154: {  	v15 =	vmul.f32 v15, v15;
	v12 =	vmul.f32 v12, v12;
	v28 =	vsub.f32 $1.000000000e+00, v16;
	v29 =	vld [tilespmem:s22+$0xC0E0]  }
0x155: {  	v11 =	vsel vm0, v19, v11;
	vm2 =	veq.s32 v20, $0x0;
	v16 =	vadd.f32 $-1.000000010e-01, v16;
	v19 =	vld [tilespmem:s22+$0x40A0]  }
0x156: {  	v11 =	vmax.f32 v11, $0.0e+00;
	v8 =	vadd.f32 v12, v8;
	vm3 =	veq.s32 v23, $0x0;
	v12 =	vld [tilespmem:s22+$0x40D0]  }
0x157: {  	v10 =	vsel vm1, v21, v10;
	vm4 =	veq.s32 v13, $0x0;
	v13 =	vld [tilespmem:s22+$0x40C0];
	v20 =	vsub.f32 $1.000000000e+00, v25  }
0x158: {  	v18 =	vmax.f32 v18, $0.0e+00;
	v22 =	vadd.f32 $-1.000000010e-01, v22;
	v21 =	vld [tilespmem:s22+$0x40B0];
	vm0 =	veq.s32 v27, $0x0  }
0x159: {  	v11 =	vmin.f32 v11, $1.000000000e+00;
	v16 =	vsel vm4, v16, v28;
	v23 =	vld [tilespmem:s22+$0xC0B0];
	vm1 =	veq.s32 v29, $0x0  }
0x15a: {  	v10 =	vmax.f32 v10, $0.0e+00;
	v9 =	vadd.f32 $-1.000000010e-01, v9;
	v11 =	vmul.f32 v11, v11;
	v27 =	vld [tilespmem:s22+$0xC0C0]  }
0x15b: {  	v10 =	vmin.f32 v10, $1.000000000e+00;
	v16 =	vmax.f32 v16, $0.0e+00;
	v29 =	vsub.f32 $1.000000000e+00, v19;
	v28 =	vld [tilespmem:s22+$0xC0A0]  }
0x15c: {  	v18 =	vmin.f32 v18, $1.000000000e+00;
	v22 =	vsel vm1, v22, v26;
	v30 =	vsub.f32 $1.000000000e+00, v13;
	v31 =	vld [tilespmem:s22+$0xC0D0]  }
0x15d: {  	v4 =	vadd.f32 v14, v4;
	v22 =	vmax.f32 v22, $0.0e+00;
	v14 =	vld [tilespmem:s22+$0x4090];
	v26 =	vsub.f32 $1.000000000e+00, v21  }
0x15e: {  	v19 =	vadd.f32 $-1.000000010e-01, v19;
	v22 =	vmin.f32 v22, $1.000000000e+00;
	v32 =	vld [tilespmem:s22+$0xC090];
	vm4 =	veq.s32 v23, $0x0  }
0x15f: {  	v1 =	vadd.f32 v11, v1;
	v9 =	vsel vm3, v9, v24;
	v11 =	vadd.f32 $-1.000000010e-01, v25  }
0x160: {  	v18 =	vmul.f32 v18, v18;
	v16 =	vmin.f32 v16, $1.000000000e+00;
	vm3 =	veq.s32 v27, $0x0  }
0x161: {  	v10 =	vmul.f32 v10, v10;
	v6 =	vadd.f32 v15, v6;
	vm1 =	veq.s32 v31, $0x0  }
0x162: {  	v3 =	vadd.f32 v18, v3;
	v15 =	vmul.f32 v16, v16;
	v16 =	vsub.f32 $1.000000000e+00, v14  }
0x163: {  	v9 =	vmax.f32 v9, $0.0e+00;
	v18 =	vadd.f32 $-1.000000010e-01, v21;
	vm5 =	veq.s32 v32, $0x0  }
0x164: {  	v5 =	vadd.f32 v15, v5;
	vm6 =	veq.s32 v28, $0x0;
	v14 =	vadd.f32 $-1.000000010e-01, v14  }
0x165: {  	v2 =	vadd.f32 v10, v2;
	v10 =	vadd.f32 $-1.000000010e-01, v13;
	v13 =	vmul.f32 v22, v22  }
0x166: {  	v7 =	vsub.f32 $1.000000000e+00, v7;
	v11 =	vsel vm0, v11, v20;
	v15 =	vsel vm6, v19, v29  }
0x167: {  	v9 =	vmin.f32 v9, $1.000000000e+00;
	v19 =	vsub.f32 $1.000000000e+00, v12;
	v15 =	vmax.f32 v15, $0.0e+00  }
0x168: {  	v7 =	vsel vm2, v17, v7;
	v9 =	vmul.f32 v9, v9;
	v14 =	vsel vm5, v14, v16  }
0x169: {  	v10 =	vsel vm3, v10, v30;
	v12 =	vadd.f32 $-1.000000010e-01, v12;
	v16 =	vsel vm4, v18, v26  }
0x16a: {  	v7 =	vmax.f32 v7, $0.0e+00;
	v1 =	vadd.f32 v13, v1;
	v16 =	vmax.f32 v16, $0.0e+00  }
0x16b: {  	v11 =	vmax.f32 v11, $0.0e+00;
	v10 =	vmax.f32 v10, $0.0e+00;
	v13 =	vmin.f32 v15, $1.000000000e+00  }
0x16c: {  	v7 =	vmin.f32 v7, $1.000000000e+00;
	v8 =	vadd.f32 v9, v8;
	v9 =	vmin.f32 v11, $1.000000000e+00  }
0x16d: {  	v10 =	vmin.f32 v10, $1.000000000e+00;
	v11 =	vmax.f32 v14, $0.0e+00;
	v14 =	vmin.f32 v16, $1.000000000e+00  }
0x16e: {  	v7 =	vmul.f32 v7, v7;
	s22 =	sshra.s32 s24, $0x2;
	v13 =	vmul.f32 v13, v13;
	v11 =	vmin.f32 v11, $1.000000000e+00  }
0x16f: {  	v10 =	vmul.f32 v10, v10;
	v12 =	vsel vm1, v12, v19;
	v11 =	vmul.f32 v11, v11;
	v15 =	vld [tilespmem:s22+$0xC050]  }
0x170: {  	v12 =	vmax.f32 v12, $0.0e+00;
	v6 =	vadd.f32 v13, v6;
	v13 =	vmul.f32 v14, v14;
	v20 =	vld [tilespmem:s22+$0xC040]  }
0x171: {  	v0 =	vadd.f32 v7, v0;
	v2 =	vadd.f32 v10, v2;
	v7 =	vmin.f32 v12, $1.000000000e+00;
	v14 =	vld [tilespmem:s22+$0xC020]  }
0x172: {  	v9 =	vmul.f32 v9, v9;
	v7 =	vmul.f32 v7, v7;
	v5 =	vadd.f32 v13, v5;
	v16 =	vld [tilespmem:s22+$0xC070]  }
0x173: {  	v0 =	vadd.f32 v11, v0;
	v13 =	vld [tilespmem:s22+$0xC060]  }
0x174: {  	v4 =	vadd.f32 v9, v4;
	v3 =	vadd.f32 v7, v3;
	v17 =	vld [tilespmem:s22+$0x4070]  }
0x175: {  	v10 =	vld [tilespmem:s22+$0x4040]  }
0x176: {  	vm2 =	veq.s32 v14, $0x0;
	v9 =	vld [tilespmem:s22+$0x4050]  }
0x177: {  	v21 =	vld [tilespmem:s22+$0x4020]  }
.Ltmp4:
0x178: {  	v11 =	vld [tilespmem:s22+$0x4060];
	(pc) =	sbr.rel @p0 .LBB2_10-.Ltmp4, $4  }
0x179: {  	vm3 =	veq.s32 v16, $0x0;
	vm0 =	veq.s32 v13, $0x0;
	v12 =	vld [tilespmem:s22+$0x4000];
	v14 =	vadd.f32 $-1.000000010e-01, v17  }
0x17a: {  	v17 =	vsub.f32 $1.000000000e+00, v17;
	v7 =	vld [tilespmem:s22+$0x4010]  }
0x17b: {  	vm4 =	veq.s32 v15, $0x0;
	v13 =	vld [tilespmem:s22+$0xC000];
	v18 =	vadd.f32 $-1.000000010e-01, v9;
	v19 =	vsub.f32 $1.000000000e+00, v9  }
0x17c: {  	vm1 =	veq.s32 v20, $0x0;
	v15 =	vadd.f32 $-1.000000010e-01, v21;
	v16 =	vsub.f32 $1.000000000e+00, v21;
	v9 =	vld [tilespmem:s22+$0x4080]  }
0x17d: {  	v57 =	vld [tilespmem:s22+$0xC010]  }
0x17e: {  	v22 =	vld [tilespmem:s22+$0x40E0]  }
0x17f: {  	v60 =	vld [tilespmem:s22+$0x4030]  }
0x180: {  	v62 =	vld [tilespmem:s22+$0xC030]  }
0x181: {  	v20 =	vadd.f32 $-1.000000010e-01, v10;
	v18 =	vsel vm4, v18, v19;
	v23 =	vld [tilespmem:s22+$0xC080]  }
0x182: {  	v14 =	vsel vm3, v14, v17;
	v21 =	vadd.f32 $-1.000000010e-01, v11;
	v61 =	vsub.f32 $1.000000000e+00, v11;
	v25 =	vld [tilespmem:s22+$0x40F0]  }
0x183: {  	v32 =	vsub.f32 $1.000000000e+00, v10;
	v27 =	vld [tilespmem:s22+$0xC0F0];
	v58 =	vadd.f32 $-1.000000010e-01, v12;
	v14 =	vmax.f32 v14, $0.0e+00  }
0x184: {  	v29 =	vld [tilespmem:s22+$0xC0E0];
	v59 =	vsub.f32 $1.000000000e+00, v12;
	v15 =	vsel vm2, v15, v16;
	v18 =	vmax.f32 v18, $0.0e+00  }
0x185: {  	v33 =	vld [tilespmem:s22+$0x40A0];
	v14 =	vmin.f32 v14, $1.000000000e+00;
	v63 =	vadd.f32 $-1.000000010e-01, v7;
	v15 =	vmax.f32 v15, $0.0e+00  }
0x186: {  	v34 =	vld [tilespmem:s22+$0x40C0];
	v11 =	vsel vm0, v21, v61;
	v10 =	vsel vm1, v20, v32;
	v18 =	vmin.f32 v18, $1.000000000e+00  }
0x187: {  	v36 =	vld [tilespmem:s22+$0x40B0];
	v49 =	vsub.f32 $1.000000000e+00, v7;
	vm8 =	veq.s32 v13, $0x0;
	v14 =	vmul.f32 v14, v14  }
0x188: {  	v38 =	vld [tilespmem:s22+$0xC0B0];
	v15 =	vmin.f32 v15, $1.000000000e+00;
	v11 =	vmax.f32 v11, $0.0e+00;
	v10 =	vmax.f32 v10, $0.0e+00  }
0x189: {  	v39 =	vld [tilespmem:s22+$0xC0C0];
	v18 =	vmul.f32 v18, v18;
	v12 =	vsel vm8, v58, v59;
	v24 =	vsub.f32 $1.000000000e+00, v9  }
0x18a: {  	v41 =	vld [tilespmem:s22+$0xC0D0];
	v15 =	vmul.f32 v15, v15;
	v11 =	vmin.f32 v11, $1.000000000e+00;
	v40 =	vadd.f32 $-1.000000010e-01, v9  }
0x18b: {  	v43 =	vld [tilespmem:s22+$0x4090];
	v10 =	vmin.f32 v10, $1.000000000e+00;
	v12 =	vmax.f32 v12, $0.0e+00;
	v26 =	vsub.f32 $1.000000000e+00, v22  }
0x18c: {  	v31 =	vld [tilespmem:s22+$0xC090];
	v28 =	vsub.f32 $1.000000000e+00, v60;
	vm2 =	veq.s32 v57, $0x0;
	v16 =	vadd.f32 $-1.000000010e-01, v60  }
0x18d: {  	v45 =	vld [tilespmem:s22+$0xC0A0];
	vm9 =	veq.s32 v23, $0x0;
	vm10 =	veq.s32 v62, $0x0;
	v35 =	vsub.f32 $1.000000000e+00, v25  }
0x18e: {  	v48 =	vld [tilespmem:s22+$0x40D0];
	v37 =	vadd.f32 $-1.000000010e-01, v22;
	vm11 =	veq.s32 v27, $0x0;
	vm12 =	veq.s32 v29, $0x0  }
0x18f: {  	v11 =	vmul.f32 v11, v11;
	v42 =	vsub.f32 $1.000000000e+00, v33;
	v44 =	vsub.f32 $1.000000000e+00, v34  }
0x190: {  	v30 =	vsub.f32 $1.000000000e+00, v36;
	v19 =	vadd.f32 $-1.000000010e-01, v33;
	vm13 =	veq.s32 v38, $0x0  }
0x191: {  	vm14 =	veq.s32 v39, $0x0;
	v10 =	vmul.f32 v10, v10;
	vm15 =	veq.s32 v41, $0x0  }
0x192: {  	v47 =	vsub.f32 $1.000000000e+00, v43;
	v20 =	vadd.f32 $-1.000000010e-01, v36;
	vm5 =	veq.s32 v31, $0x0  }
0x193: {  	v50 =	vadd.f32 $-1.000000010e-01, v43;
	vm6 =	veq.s32 v45, $0x0;
	v52 =	vsub.f32 $1.000000000e+00, v48  }
0x194: {  	v56 =	vadd.f32 $-1.000000010e-01, v48;
	v59 =	vadd.f32 $-1.000000010e-01, v25;
	v12 =	vmin.f32 v12, $1.000000000e+00  }
0x195: {  	v9 =	vsel vm9, v40, v24;
	v6 =	vadd.f32 v15, v6;
	v7 =	vsel vm2, v63, v49  }
0x196: {  	v12 =	vmul.f32 v12, v12;
	v16 =	vsel vm10, v16, v28;
	v21 =	vsel vm12, v37, v26  }
0x197: {  	v9 =	vmax.f32 v9, $0.0e+00;
	v51 =	vsel vm6, v19, v42;
	v7 =	vmax.f32 v7, $0.0e+00  }
0x198: {  	v15 =	vsel vm5, v50, v47;
	v53 =	vsel vm13, v20, v30;
	v2 =	vadd.f32 v10, v2  }
0x199: {  	v58 =	vsel vm15, v56, v52;
	v16 =	vmax.f32 v16, $0.0e+00;
	v9 =	vmin.f32 v9, $1.000000000e+00  }
0x19a: {  	v17 =	vmax.f32 v51, $0.0e+00;
	v7 =	vmin.f32 v7, $1.000000000e+00;
	v15 =	vmax.f32 v15, $0.0e+00  }
0x19b: {  	v8 =	vadd.f32 v12, v8;
	v16 =	vmin.f32 v16, $1.000000000e+00;
	v7 =	vmul.f32 v7, v7  }
0x19c: {  	v12 =	vadd.f32 $-1.000000010e-01, v34;
	v9 =	vmul.f32 v9, v9;
	v15 =	vmin.f32 v15, $1.000000000e+00  }
0x19d: {  	v17 =	vmin.f32 v17, $1.000000000e+00;
	v15 =	vmul.f32 v15, v15;
	v0 =	vadd.f32 v7, v0  }
0x19e: {  	v54 =	vmax.f32 v53, $0.0e+00;
	v46 =	vmul.f32 v16, v16;
	v55 =	vmul.f32 v17, v17  }
0x19f: {  	v12 =	vsel vm14, v12, v44;
	v8 =	vadd.f32 v9, v8;
	v0 =	vadd.f32 v15, v0  }
0x1a0: {  	v7 =	vmin.f32 v54, $1.000000000e+00;
	v5 =	vadd.f32 v46, v5;
	v12 =	vmax.f32 v12, $0.0e+00  }
0x1a1: {  	v6 =	vadd.f32 v55, v6;
	v7 =	vmul.f32 v7, v7;
	v0 =	vadd.f32 v0, v8  }
0x1a2: {  	v21 =	vmax.f32 v21, $0.0e+00;
	v9 =	vmax.f32 v58, $0.0e+00;
	v12 =	vmin.f32 v12, $1.000000000e+00  }
0x1a3: {  	v57 =	vmul.f32 v12, v12;
	v5 =	vadd.f32 v7, v5;
	v0 =	vadd.f32 v6, v0  }
0x1a4: {  	v3 =	vadd.f32 v18, v3;
	v21 =	vmin.f32 v21, $1.000000000e+00;
	v60 =	vmin.f32 v9, $1.000000000e+00  }
0x1a5: {  	v7 =	vmul.f32 v60, v60;
	v2 =	vadd.f32 v57, v2;
	v0 =	vadd.f32 v5, v0  }
0x1a6: {  	v1 =	vadd.f32 v11, v1;
	v61 =	vmul.f32 v21, v21;
	v6 =	vsel vm11, v59, v35  }
0x1a7: {  	v3 =	vadd.f32 v7, v3;
	v6 =	vmax.f32 v6, $0.0e+00;
	v0 =	vadd.f32 v2, v0  }
0x1a8: {  	v62 =	vadd.f32 v14, v4;
	v63 =	vmin.f32 v6, $1.000000000e+00  }
0x1a9: {  	v1 =	vadd.f32 v61, v1;
	v4 =	vmul.f32 v63, v63;
	v0 =	vadd.f32 v3, v0;
	_ =	sdelay $0x1  }
0x1aa: {  	v2 =	vadd.f32 v4, v62;
	v0 =	vadd.f32 v1, v0;
	_ =	sdelay $0x1  }
0x1ab: {  	s21 =	sadd.s32 $0x1, s21;
	v0 =	vadd.f32 v2, v0  }
0x1ac: {  	p0 =	sne.s32 s21, s11  }
.Ltmp5:
0x1ad: {  	[tilespmem:$0x10000] =	vst v0;
	(pc) =	sbr.rel @p0 .LBB2_1-.Ltmp5, $4  }
0x1ae: {  	[hbm4b:s10+s4] =	stream.linear.scatter [tilespmem:s19], [sflag:$0x3], $0x80, $0x38;
	[tilespmem:$0x10080] =	vst v63  }
0x1af: {  	_ =	swait.ge [sflag:s20], $0x80  }
0x1b0: {  	[sflag:s20] =	ssyncset.done $0x0  }
0x1b1: {  	[sflag:s20] =	ssyncadd.s32 $0xFFFFFF80  }
0x1b2: {  	_ =	sfence.sel $0x180000  }
0x1b3: {  	[bflag:$0x0] =	sbarrier.arrive $0xFFFF  }
0x1b4: {  	p0 =	sne.s32 s2, $0x0;
	_ =	strace $0x90000047  }
0x1b5: {  	s0 =	sadd.s32 @!p0 $0x100000, s0;
	[bflag:$0x2] =	sbarrier.arrive $0xFFFF  }
0x1b6: {  	[sflag:s0] =	ssyncadd.tile.s32 @!p0 $0x1;
	_ =	shalt  }
.Lfunc_end2:
_tile_overlayer_lowered:
.L_overlay_start_2:
0x1b7: {  	(tag) =	ssettag $0x2  }
0x1b8: {  	s0 =	rddreg [dreg:$0x0];
	s2 =	stileid.u32  }
0x1b9: {  	s1 =	rddreg [dreg:$0x1];
	p0 =	sne.s32 s2, $0x0  }
0x1ba: {  	s3 =	rddreg [dreg:$0x2];
	[bflag:$0x3] =	sbarrier.arrive $0xFFFF;
	s2 =	simm.s32 @!p0 $0x1C03  }
0x1bb: {  	[timem:s3], [sflag:s2] =	dma.local @!p0 [hbm:s0], s1  }
0x1bc: {  	s0 =	simm.s32 @!p0 $0x3  }
0x1bd: {  	_ =	swait.ge @!p0 [sflag:s0], s1  }
0x1be: {  	s1 =	ssub.s32 @!p0 $0x0, s1;
	[sflag:s0] =	ssyncset.done @!p0 $0x0  }
0x1bf: {  	[sflag:s0] =	ssyncadd.s32 @!p0 s1  }
0x1c0: {  	[bflag:$0x3] =	sbarrier.arrive $0xFFFF  }
0x1c1: {  	_ =	shalt  }

</sc_bundles>
